<compile_context>
chip_gen: v7x
topology: tpu7x:2x2x1
jax: 0.10.2.dev20260603
libtpu: 0.0.44.dev20260713+nightly
codegen_flags: <defaults>
</compile_context>

<pallas_src>
import functools

import jax
import jax.numpy as jnp
from jax import lax
from jax.experimental import pallas as pl
from jax.experimental.pallas import tpu as pltpu
from jax.experimental.pallas import tpu_sc as plsc

N = 196608
NUM_WORKERS = 32
R = 32
G_BLOCKS = N // (NUM_WORKERS * R)
NBLK = N // R
OUT_W = 1111

SEG_C = [0, 291, 342, 393, 444, 495, 649, 803, 957]
SEG_W = [291, 51, 51, 51, 51, 154, 154, 154, 154]
SEG_P = [c % 8 for c in SEG_C]
SEG_A = [c - p for c, p in zip(SEG_C, SEG_P)]
SEG_WW = [SEG_A[k + 1] - SEG_A[k] for k in range(8)] + [152]
PK_BW = 304
AI_BW = 72
MV_BW = 200
NV_AB, NV_MV = 311, 686


def _sc_body(*refs):
    t_pk, t_ai, t_mv, idxs, out = refs[0:5]
    idx_s = refs[5]
    s_pk = refs[6]
    s_ai = refs[7]
    s_mv = refs[8]
    t159 = refs[9]
    gsem = refs[10:12]
    wsem = refs[12:14]

    wid = lax.axis_index("s") * 2 + lax.axis_index("c")
    base_blk = wid * G_BLOCKS
    lane = lax.iota(jnp.int32, 16)

    def seg(s, k, r):
        if k == 0:
            return s_pk.at[s, r]
        if k <= 4:
            return s_ai.at[s, (k - 1) * R + r]
        return s_mv.at[s, (k - 5) * R + r]

    def issue_gathers(s, g):
        blk = base_blk + g
        pltpu.sync_copy(idxs.at[blk], idx_s.at[s])
        pltpu.async_copy(t_pk.at[idx_s.at[s, pl.ds(0, R)]], s_pk.at[s], gsem[s])
        pltpu.async_copy(t_ai.at[idx_s.at[s, pl.ds(R, 4 * R)]], s_ai.at[s], gsem[s])
        pltpu.async_copy(t_mv.at[idx_s.at[s, pl.ds(5 * R, 4 * R)]], s_mv.at[s], gsem[s])

    def wait_gathers(s):
        pltpu.make_async_copy(t_pk.at[pl.ds(0, R)], s_pk.at[s], gsem[s]).wait()
        pltpu.make_async_copy(t_ai.at[pl.ds(0, 4 * R)], s_ai.at[s], gsem[s]).wait()
        pltpu.make_async_copy(t_mv.at[pl.ds(0, 4 * R)], s_mv.at[s], gsem[s]).wait()

    def fix(s):
        def fr(r, c):
            t159[s, r, pl.ds(143, 16)] = s_mv[s, 3 * R + r, pl.ds(143, 16)]
            for k in range(1, 9):
                off = SEG_A[k] - SEG_A[k - 1]
                prev = seg(s, k - 1, r)[pl.ds(off, 16)]
                cur = seg(s, k, r)[pl.ds(0, 16)]
                seg(s, k, r)[pl.ds(0, 16)] = jnp.where(lane < SEG_P[k], prev, cur)
            return c
        lax.fori_loop(0, R, fr, 0)

    def _write_list(s, row0):
        dsts = [(s_pk.at[s, pl.ds(0, R), pl.ds(0, SEG_WW[0])],
                 out.at[pl.ds(row0, R), pl.ds(SEG_A[0], SEG_WW[0])])]
        for k in range(1, 5):
            dsts.append((s_ai.at[s, pl.ds((k - 1) * R, R), pl.ds(0, SEG_WW[k])],
                         out.at[pl.ds(row0, R), pl.ds(SEG_A[k], SEG_WW[k])]))
        for k in range(5, 9):
            dsts.append((s_mv.at[s, pl.ds((k - 5) * R, R), pl.ds(0, SEG_WW[k])],
                         out.at[pl.ds(row0, R), pl.ds(SEG_A[k], SEG_WW[k])]))
        dsts.append((t159.at[s, pl.ds(0, R), pl.ds(152, 7)],
                     out.at[pl.ds(row0, R), pl.ds(1104, 7)]))
        return dsts

    def issue_writes(s, g):
        row0 = (base_blk + g) * R
        for src, dst in _write_list(s, row0):
            pltpu.async_copy(src, dst, wsem[s])

    def wait_writes(s):
        for src, dst in _write_list(s, 0):
            pltpu.make_async_copy(src, dst, wsem[s]).wait()

    issue_gathers(0, 0)

    def pair(h, c):
        for s in (0, 1):
            g = 2 * h + s
            o = 1 - s

            @pl.when(g + 1 < G_BLOCKS)
            def _():
                if s == 0:
                    @pl.when(h >= 1)
                    def _():
                        wait_writes(o)
                else:
                    wait_writes(o)
                issue_gathers(o, g + 1)

            wait_gathers(s)
            fix(s)
            issue_writes(s, g)
        return c

    lax.fori_loop(0, G_BLOCKS // 2, pair, 0)
    wait_writes(0)
    wait_writes(1)


@jax.jit
def _sc_encode(t_pk, t_ai, t_mv, idxs):
    mesh = plsc.VectorSubcoreMesh(core_axis_name="c", subcore_axis_name="s")
    kern = functools.partial(
        pl.kernel,
        mesh=mesh,
        out_type=jax.ShapeDtypeStruct((N, OUT_W), jnp.float32),
        scratch_types=[pltpu.VMEM((2, 9 * R), jnp.int32),
                       pltpu.VMEM((2, R, PK_BW), jnp.float32),
                       pltpu.VMEM((2, 4 * R, AI_BW), jnp.float32),
                       pltpu.VMEM((2, 4 * R, MV_BW), jnp.float32),
                       pltpu.VMEM((2, R, 159), jnp.float32)]
        + [pltpu.SemaphoreType.DMA] * 4,
        compiler_params=pltpu.CompilerParams(use_tc_tiling_on_sc=False,
                                             needs_layout_passes=False),
    )(_sc_body)
    return kern(t_pk, t_ai, t_mv, idxs)


def _pad(tab, left, width):
    return jnp.pad(tab, ((0, 0), (left, width - left - tab.shape[1])))


def kernel(pokemon_ids, ability_ids, item_ids, move_ids,
           pokemon_static, pokemon_learn, ability_static, ability_learn,
           item_static, item_learn, move_static, move_learn):
    pk_tab = jnp.concatenate([pokemon_static, pokemon_learn], axis=1)
    ab_tab = jnp.concatenate([ability_static, ability_learn], axis=1)
    it_tab = jnp.concatenate([item_static, item_learn], axis=1)
    mv_tab = jnp.concatenate([move_static, move_learn], axis=1)
    t_pk = _pad(pk_tab, SEG_P[0], PK_BW)
    t_ai = jnp.concatenate(
        [_pad(ab_tab, SEG_P[1], AI_BW), _pad(ab_tab, SEG_P[2], AI_BW),
         _pad(ab_tab, SEG_P[3], AI_BW), _pad(it_tab, SEG_P[4], AI_BW)], axis=0)
    t_mv = jnp.concatenate(
        [_pad(mv_tab, SEG_P[5], MV_BW), _pad(mv_tab, SEG_P[6], MV_BW),
         _pad(mv_tab, SEG_P[7], MV_BW), _pad(mv_tab, SEG_P[8], MV_BW)], axis=0)
    idx_all = jnp.concatenate(
        [pokemon_ids[:, None],
         ability_ids + jnp.arange(3, dtype=jnp.int32) * NV_AB,
         item_ids + 3 * NV_AB,
         move_ids + jnp.arange(4, dtype=jnp.int32) * NV_MV], axis=1)
    idxs = idx_all.T.reshape(9, NBLK, R).transpose(1, 0, 2).reshape(NBLK, 9 * R)
    return _sc_encode(t_pk, t_ai, t_mv, idxs)

# --- scband reference (transcript-rebuilt; emitter-appended) ---
"""Pipeline reference for scband-timestep-encoder-80436147519633 (READ-ONLY COPY).

The authoritative reference and input builder live on the scoring server;
editing this copy changes nothing except your own understanding.
"""

import jax, jax.numpy as jnp
import numpy as np

NUM_ABILITIES = 311
NUM_ITEMS = 249
NUM_MOVES = 686
NUM_POKEMON = 1330

LEARN_AB, LEARN_IT, LEARN_MV, LEARN_PK = 50, 50, 50, 50
STAT_AB, STAT_IT, STAT_MV, STAT_PK = 1, 1, 104, 241

N = 16384 * 12  # 196608 pokemon-slot lookups per batch of timesteps


def setup_inputs(seed: int = 0) -> dict:
    key = jax.random.key(seed)
    ks = jax.random.split(key, 12)
    inp = {}
    inp["pokemon_ids"] = jax.random.randint(ks[0], (N,), 0, NUM_POKEMON, dtype=jnp.int64 if jax.config.jax_enable_x64 else jnp.int32).astype(jnp.int32)
    inp["ability_ids"] = jax.random.randint(ks[1], (N, 3), 0, NUM_ABILITIES).astype(jnp.int32)
    inp["item_ids"] = jax.random.randint(ks[2], (N, 1), 0, NUM_ITEMS).astype(jnp.int32)
    inp["move_ids"] = jax.random.randint(ks[3], (N, 4), 0, NUM_MOVES).astype(jnp.int32)
    # static feature tables (FeatureLookup buffers) + learnable embedding tables (HybridEmbedding)
    inp["pokemon_static"] = jax.random.normal(ks[4], (NUM_POKEMON, STAT_PK), dtype=jnp.float32)
    inp["pokemon_learn"] = jax.random.normal(ks[5], (NUM_POKEMON, LEARN_PK), dtype=jnp.float32)
    inp["ability_static"] = jax.random.normal(ks[6], (NUM_ABILITIES, STAT_AB), dtype=jnp.float32)
    inp["ability_learn"] = jax.random.normal(ks[7], (NUM_ABILITIES, LEARN_AB), dtype=jnp.float32)
    inp["item_static"] = jax.random.normal(ks[8], (NUM_ITEMS, STAT_IT), dtype=jnp.float32)
    inp["item_learn"] = jax.random.normal(ks[9], (NUM_ITEMS, LEARN_IT), dtype=jnp.float32)
    inp["move_static"] = jax.random.normal(ks[10], (NUM_MOVES, STAT_MV), dtype=jnp.float32)
    inp["move_learn"] = jax.random.normal(ks[11], (NUM_MOVES, LEARN_MV), dtype=jnp.float32)
    return inp


def _hybrid(static_tab, learn_tab, ids):
    # HybridEmbedding: concat(static_features[ids], learnable_embedding[ids]) on last dim
    return jnp.concatenate([jnp.take(static_tab, ids, axis=0), jnp.take(learn_tab, ids, axis=0)], axis=-1)


def reference(pokemon_ids, ability_ids, item_ids, move_ids,
              pokemon_static, pokemon_learn, ability_static, ability_learn,
              item_static, item_learn, move_static, move_learn):
    n = pokemon_ids.shape[0]
    # feature_tensor = self.pokemon_embeddings(pokemon_ids)
    feature_tensor = _hybrid(pokemon_static, pokemon_learn, pokemon_ids)  # [N, 291]
    # per-pokemon flattened ability/item/move hybrid embeddings, concatenated
    ab = _hybrid(ability_static, ability_learn, ability_ids).reshape(n, -1)   # [N, 3*51]
    it = _hybrid(item_static, item_learn, item_ids).reshape(n, -1)            # [N, 1*51]
    mv = _hybrid(move_static, move_learn, move_ids).reshape(n, -1)            # [N, 4*154]
    embeddings_tensor = jnp.concatenate([ab, it, mv], axis=1)
    # torch.cat([feature_tensor, embeddings_tensor], dim=1)
    return jnp.concatenate([feature_tensor, embeddings_tensor], axis=1)  # [N, 1111]

if __name__ == "__main__":
    import jax
    _d = setup_inputs()
    print(jax.jit(kernel)(*tuple(_d.values())))

</pallas_src>

<mosaic_0001>
#map = affine_map<(d0, d1) -> (0, 0)>
module attributes {stable_mosaic.version = 14 : i64} {
  func.func @_sc_body(%arg0: i32, %arg1: i32, %arg2: memref<1330x304xf32, #tpu.memory_space<hbm>>, %arg3: memref<1182x72xf32, #tpu.memory_space<hbm>>, %arg4: memref<2744x200xf32, #tpu.memory_space<hbm>>, %arg5: memref<6144x288xi32, #tpu.memory_space<hbm>>, %arg6: memref<196608x1111xf32, #tpu.memory_space<hbm>>, %arg7: memref<2x288xi32, #tpu.memory_space<vmem>>, %arg8: memref<2x32x304xf32, #tpu.memory_space<vmem>>, %arg9: memref<2x128x72xf32, #tpu.memory_space<vmem>>, %arg10: memref<2x128x200xf32, #tpu.memory_space<vmem>>, %arg11: memref<2x32x159xf32, #tpu.memory_space<vmem>>, %arg12: memref<!tpu.dma_semaphore, #tpu.memory_space<semaphore_mem>>, %arg13: memref<!tpu.dma_semaphore, #tpu.memory_space<semaphore_mem>>, %arg14: memref<!tpu.dma_semaphore, #tpu.memory_space<semaphore_mem>>, %arg15: memref<!tpu.dma_semaphore, #tpu.memory_space<semaphore_mem>>) attributes {dimension_semantics = [#tpu.dimension_semantics<core_parallel>, #tpu.dimension_semantics<subcore_parallel>], iteration_bounds = array<i64: 2, 16>, scalar_prefetch = 0 : i64, scratch_operands = 9 : i64, tpu.core_type = #tpu.core_type<sc_vector_subcore>, window_params = [{transform_indices = #map}, {transform_indices = #map}, {transform_indices = #map}, {transform_indices = #map}, {transform_indices = #map}]} {
    %mul3A = arith.constant 2 : i32
    %mul3A_0 = arith.muli %arg1, %mul3A : i32
    %add3A = arith.addi %mul3A_0, %arg0 : i32
    %mul3A_1 = arith.constant 192 : i32
    %mul3A_2 = arith.muli %add3A, %mul3A_1 : i32
    %iota3A = tpu.iota {dimensions = array<i32: 0>} : vector<16xi32>
    %add3A_3 = arith.constant 0 : i32
    %add3A_4 = arith.addi %mul3A_2, %add3A_3 : i32
    %run_scoped3A = arith.constant 0 : i32
    "tpu.region"() ({
      %run_scoped3A_344 = tpu.sem_alloc : memref<!tpu.dma_semaphore, #tpu.memory_space<semaphore_mem>>
      %dma_start3A_345 = arith.constant 0 : i32
      %dma_start3A_346 = tpu.memref_slice %arg7[%run_scoped3A, %dma_start3A_345] : memref<2x288xi32, #tpu.memory_space<vmem>> -> memref<1x288xi32, #tpu.memory_space<vmem>>
      %dma_start3A_347 = tpu.memref_squeeze %dma_start3A_346 : memref<1x288xi32, #tpu.memory_space<vmem>> -> memref<288xi32, #tpu.memory_space<vmem>>
      %dma_start3A_348 = arith.constant 0 : i32
      %dma_start3A_349 = tpu.memref_slice %arg5[%add3A_4, %dma_start3A_348] : memref<6144x288xi32, #tpu.memory_space<hbm>> -> memref<1x288xi32, #tpu.memory_space<hbm>>
      %dma_start3A_350 = tpu.memref_squeeze %dma_start3A_349 : memref<1x288xi32, #tpu.memory_space<hbm>> -> memref<288xi32, #tpu.memory_space<hbm>>
      %dma_start3A_351 = arith.constant 0 : i32
      %dma_start3A_352 = tpu.memref_slice %arg7[%run_scoped3A, %dma_start3A_351] : memref<2x288xi32, #tpu.memory_space<vmem>> -> memref<1x288xi32, #tpu.memory_space<vmem>>
      %dma_start3A_353 = tpu.memref_squeeze %dma_start3A_352 : memref<1x288xi32, #tpu.memory_space<vmem>> -> memref<288xi32, #tpu.memory_space<vmem>>
      %dma_start3A_354 = arith.constant 0 : i32
      %dma_start3A_355 = tpu.memref_slice %arg5[%add3A_4, %dma_start3A_354] : memref<6144x288xi32, #tpu.memory_space<hbm>> -> memref<1x288xi32, #tpu.memory_space<hbm>>
      %dma_start3A_356 = tpu.memref_squeeze %dma_start3A_355 : memref<1x288xi32, #tpu.memory_space<hbm>> -> memref<288xi32, #tpu.memory_space<hbm>>
      tpu.enqueue_dma source(%dma_start3A_356 : memref<288xi32, #tpu.memory_space<hbm>>) target(%dma_start3A_353 : memref<288xi32, #tpu.memory_space<vmem>>) target_semaphore(%run_scoped3A_344 : memref<!tpu.dma_semaphore, #tpu.memory_space<semaphore_mem>>)
      %dma_wait3A_357 = arith.constant 0 : i32
      %dma_wait3A_358 = tpu.memref_slice %arg7[%run_scoped3A, %dma_wait3A_357] : memref<2x288xi32, #tpu.memory_space<vmem>> -> memref<1x288xi32, #tpu.memory_space<vmem>>
      %dma_wait3A_359 = tpu.memref_squeeze %dma_wait3A_358 : memref<1x288xi32, #tpu.memory_space<vmem>> -> memref<288xi32, #tpu.memory_space<vmem>>
      %dma_wait3A_360 = arith.constant 0 : i32
      %dma_wait3A_361 = tpu.memref_slice %arg5[%add3A_4, %dma_wait3A_360] : memref<6144x288xi32, #tpu.memory_space<hbm>> -> memref<1x288xi32, #tpu.memory_space<hbm>>
      %dma_wait3A_362 = tpu.memref_squeeze %dma_wait3A_361 : memref<1x288xi32, #tpu.memory_space<hbm>> -> memref<288xi32, #tpu.memory_space<hbm>>
      %dma_wait3A_363 = arith.constant 0 : i32
      %dma_wait3A_364 = tpu.memref_slice %arg7[%run_scoped3A, %dma_wait3A_363] : memref<2x288xi32, #tpu.memory_space<vmem>> -> memref<1x288xi32, #tpu.memory_space<vmem>>
      %dma_wait3A_365 = tpu.memref_squeeze %dma_wait3A_364 : memref<1x288xi32, #tpu.memory_space<vmem>> -> memref<288xi32, #tpu.memory_space<vmem>>
      %dma_wait3A_366 = arith.constant 0 : i32
      %dma_wait3A_367 = tpu.memref_slice %arg5[%add3A_4, %dma_wait3A_366] : memref<6144x288xi32, #tpu.memory_space<hbm>> -> memref<1x288xi32, #tpu.memory_space<hbm>>
      %dma_wait3A_368 = tpu.memref_squeeze %dma_wait3A_367 : memref<1x288xi32, #tpu.memory_space<hbm>> -> memref<288xi32, #tpu.memory_space<hbm>>
      tpu.wait_dma2 semaphore(%run_scoped3A_344 : memref<!tpu.dma_semaphore, #tpu.memory_space<semaphore_mem>>) src(%dma_wait3A_368 : memref<288xi32, #tpu.memory_space<hbm>>) dst(%dma_wait3A_365 : memref<288xi32, #tpu.memory_space<vmem>>)
      tpu.yield
    }) : () -> ()
    %dma_start3A = arith.constant 0 : i32
    %dma_start3A_5 = arith.constant 0 : i32
    %dma_start3A_6 = arith.constant 0 : i32
    %dma_start3A_7 = arith.constant 0 : i32
    %dma_start3A_8 = tpu.memref_slice %arg8[%dma_start3A_5, %dma_start3A_6, %dma_start3A_7] : memref<2x32x304xf32, #tpu.memory_space<vmem>> -> memref<1x32x304xf32, #tpu.memory_space<vmem>>
    %dma_start3A_9 = tpu.memref_squeeze %dma_start3A_8 : memref<1x32x304xf32, #tpu.memory_space<vmem>> -> memref<32x304xf32, #tpu.memory_space<vmem>>
    %dma_start3A_10 = arith.constant 0 : i32
    %dma_start3A_11 = tpu.memref_slice %arg7[%dma_start3A, %dma_start3A_10] : memref<2x288xi32, #tpu.memory_space<vmem>> -> memref<1x32xi32, #tpu.memory_space<vmem>>
    %dma_start3A_12 = tpu.memref_squeeze %dma_start3A_11 : memref<1x32xi32, #tpu.memory_space<vmem>> -> memref<32xi32, #tpu.memory_space<vmem>>
    %dma_start3A_13 = arith.constant 0 : i32
    %dma_start3A_14 = arith.constant 0 : i32
    %dma_start3A_15 = tpu.memref_slice %arg2[%dma_start3A_13, %dma_start3A_14] : memref<1330x304xf32, #tpu.memory_space<hbm>> -> memref<1330x304xf32, #tpu.memory_space<hbm>>
    tpu.enqueue_indirect_dma source(%dma_start3A_15 : memref<1330x304xf32, #tpu.memory_space<hbm>>) target(%dma_start3A_9 : memref<32x304xf32, #tpu.memory_space<vmem>>) offsets(%dma_start3A_12 : memref<32xi32, #tpu.memory_space<vmem>>) semaphore(%arg12 : memref<!tpu.dma_semaphore, #tpu.memory_space<semaphore_mem>>)
    %dma_start3A_16 = arith.constant 0 : i32
    %dma_start3A_17 = arith.constant 0 : i32
    %dma_start3A_18 = arith.constant 0 : i32
    %dma_start3A_19 = arith.constant 0 : i32
    %dma_start3A_20 = tpu.memref_slice %arg9[%dma_start3A_17, %dma_start3A_18, %dma_start3A_19] : memref<2x128x72xf32, #tpu.memory_space<vmem>> -> memref<1x128x72xf32, #tpu.memory_space<vmem>>
    %dma_start3A_21 = tpu.memref_squeeze %dma_start3A_20 : memref<1x128x72xf32, #tpu.memory_space<vmem>> -> memref<128x72xf32, #tpu.memory_space<vmem>>
    %dma_start3A_22 = arith.constant 32 : i32
    %dma_start3A_23 = tpu.memref_slice %arg7[%dma_start3A_16, %dma_start3A_22] : memref<2x288xi32, #tpu.memory_space<vmem>> -> memref<1x128xi32, #tpu.memory_space<vmem>>
    %dma_start3A_24 = tpu.memref_squeeze %dma_start3A_23 : memref<1x128xi32, #tpu.memory_space<vmem>> -> memref<128xi32, #tpu.memory_space<vmem>>
    %dma_start3A_25 = arith.constant 0 : i32
    %dma_start3A_26 = arith.constant 0 : i32
    %dma_start3A_27 = tpu.memref_slice %arg3[%dma_start3A_25, %dma_start3A_26] : memref<1182x72xf32, #tpu.memory_space<hbm>> -> memref<1182x72xf32, #tpu.memory_space<hbm>>
    tpu.enqueue_indirect_dma source(%dma_start3A_27 : memref<1182x72xf32, #tpu.memory_space<hbm>>) target(%dma_start3A_21 : memref<128x72xf32, #tpu.memory_space<vmem>>) offsets(%dma_start3A_24 : memref<128xi32, #tpu.memory_space<vmem>>) semaphore(%arg12 : memref<!tpu.dma_semaphore, #tpu.memory_space<semaphore_mem>>)
    %dma_start3A_28 = arith.constant 0 : i32
    %dma_start3A_29 = arith.constant 0 : i32
    %dma_start3A_30 = arith.constant 0 : i32
    %dma_start3A_31 = arith.constant 0 : i32
    %dma_start3A_32 = tpu.memref_slice %arg10[%dma_start3A_29, %dma_start3A_30, %dma_start3A_31] : memref<2x128x200xf32, #tpu.memory_space<vmem>> -> memref<1x128x200xf32, #tpu.memory_space<vmem>>
    %dma_start3A_33 = tpu.memref_squeeze %dma_start3A_32 : memref<1x128x200xf32, #tpu.memory_space<vmem>> -> memref<128x200xf32, #tpu.memory_space<vmem>>
    %dma_start3A_34 = arith.constant 160 : i32
    %dma_start3A_35 = tpu.memref_slice %arg7[%dma_start3A_28, %dma_start3A_34] : memref<2x288xi32, #tpu.memory_space<vmem>> -> memref<1x128xi32, #tpu.memory_space<vmem>>
    %dma_start3A_36 = tpu.memref_squeeze %dma_start3A_35 : memref<1x128xi32, #tpu.memory_space<vmem>> -> memref<128xi32, #tpu.memory_space<vmem>>
    %dma_start3A_37 = arith.constant 0 : i32
    %dma_start3A_38 = arith.constant 0 : i32
    %dma_start3A_39 = tpu.memref_slice %arg4[%dma_start3A_37, %dma_start3A_38] : memref<2744x200xf32, #tpu.memory_space<hbm>> -> memref<2744x200xf32, #tpu.memory_space<hbm>>
    tpu.enqueue_indirect_dma source(%dma_start3A_39 : memref<2744x200xf32, #tpu.memory_space<hbm>>) target(%dma_start3A_33 : memref<128x200xf32, #tpu.memory_space<vmem>>) offsets(%dma_start3A_36 : memref<128xi32, #tpu.memory_space<vmem>>) semaphore(%arg12 : memref<!tpu.dma_semaphore, #tpu.memory_space<semaphore_mem>>)
    %scan3A = arith.constant 0 : i32
    %scan3A_40 = arith.constant 0 : i32
    %scan3A_41 = arith.constant 96 : i32
    %scan3A_42 = arith.addi %scan3A_40, %scan3A_41 : i32
    %scan3A_43 = arith.constant 1 : i32
    scf.for %scan3A_344 = %scan3A_40 to %scan3A_42 step %scan3A_43  : i32 {
      %mul3A_345 = arith.constant 2 : i32
      %mul3A_346 = arith.muli %mul3A_345, %scan3A_344 : i32
      %add3A_347 = arith.constant 0 : i32
      %add3A_348 = arith.addi %mul3A_346, %add3A_347 : i32
      %add3A_349 = arith.constant 1 : i32
      %add3A_350 = arith.addi %add3A_348, %add3A_349 : i32
      %lt3A = arith.constant 192 : i32
      %lt3A_351 = arith.cmpi slt, %add3A_350, %lt3A : i32
      %convert_element_type3A = arith.extui %lt3A_351 : i1 to i32
      %cond3A = arith.constant 0 : i32
      %cond3A_352 = arith.cmpi ne, %convert_element_type3A, %cond3A : i32
      scf.if %cond3A_352 {
        %ge3A = arith.constant 1 : i32
        %ge3A_732 = arith.cmpi sge, %scan3A_344, %ge3A : i32
        %convert_element_type3A_733 = arith.extui %ge3A_732 : i1 to i32
        %cond3A_734 = arith.constant 0 : i32
        %cond3A_735 = arith.cmpi ne, %convert_element_type3A_733, %cond3A_734 : i32
        scf.if %cond3A_735 {
          %dma_wait3A_776 = arith.constant 1 : i32
          %dma_wait3A_777 = arith.constant 0 : i32
          %dma_wait3A_778 = arith.constant 0 : i32
          %dma_wait3A_779 = tpu.memref_slice %arg8[%dma_wait3A_776, %dma_wait3A_777, %dma_wait3A_778] : memref<2x32x304xf32, #tpu.memory_space<vmem>> -> memref<1x32x288xf32, #tpu.memory_space<vmem>>
          %dma_wait3A_780 = tpu.memref_squeeze %dma_wait3A_779 : memref<1x32x288xf32, #tpu.memory_space<vmem>> -> memref<32x288xf32, #tpu.memory_space<vmem>>
          %dma_wait3A_781 = arith.constant 0 : i32
          %dma_wait3A_782 = arith.constant 0 : i32
          %dma_wait3A_783 = tpu.memref_slice %arg6[%dma_wait3A_781, %dma_wait3A_782] : memref<196608x1111xf32, #tpu.memory_space<hbm>> -> memref<32x288xf32, #tpu.memory_space<hbm>>
          %dma_wait3A_784 = arith.constant 0 : i32
          %dma_wait3A_785 = arith.constant 0 : i32
          %dma_wait3A_786 = tpu.memref_slice %arg6[%dma_wait3A_784, %dma_wait3A_785] : memref<196608x1111xf32, #tpu.memory_space<hbm>> -> memref<32x288xf32, #tpu.memory_space<hbm>>
          %dma_wait3A_787 = arith.constant 0 : i32
          %dma_wait3A_788 = arith.constant 0 : i32
          %dma_wait3A_789 = tpu.memref_slice %arg8[%dma_wait3A_776, %dma_wait3A_787, %dma_wait3A_788] : memref<2x32x304xf32, #tpu.memory_space<vmem>> -> memref<1x32x288xf32, #tpu.memory_space<vmem>>
          %dma_wait3A_790 = tpu.memref_squeeze %dma_wait3A_789 : memref<1x32x288xf32, #tpu.memory_space<vmem>> -> memref<32x288xf32, #tpu.memory_space<vmem>>
          tpu.wait_dma2 semaphore(%arg15 : memref<!tpu.dma_semaphore, #tpu.memory_space<semaphore_mem>>) src(%dma_wait3A_790 : memref<32x288xf32, #tpu.memory_space<vmem>>) dst(%dma_wait3A_786 : memref<32x288xf32, #tpu.memory_space<hbm>>)
          %dma_wait3A_791 = arith.constant 1 : i32
          %dma_wait3A_792 = arith.constant 0 : i32
          %dma_wait3A_793 = arith.constant 0 : i32
          %dma_wait3A_794 = tpu.memref_slice %arg9[%dma_wait3A_791, %dma_wait3A_792, %dma_wait3A_793] : memref<2x128x72xf32, #tpu.memory_space<vmem>> -> memref<1x32x48xf32, #tpu.memory_space<vmem>>
          %dma_wait3A_795 = tpu.memref_squeeze %dma_wait3A_794 : memref<1x32x48xf32, #tpu.memory_space<vmem>> -> memref<32x48xf32, #tpu.memory_space<vmem>>
          %dma_wait3A_796 = arith.constant 0 : i32
          %dma_wait3A_797 = arith.constant 288 : i32
          %dma_wait3A_798 = tpu.memref_slice %arg6[%dma_wait3A_796, %dma_wait3A_797] : memref<196608x1111xf32, #tpu.memory_space<hbm>> -> memref<32x48xf32, #tpu.memory_space<hbm>>
          %dma_wait3A_799 = arith.constant 0 : i32
          %dma_wait3A_800 = arith.constant 288 : i32
          %dma_wait3A_801 = tpu.memref_slice %arg6[%dma_wait3A_799, %dma_wait3A_800] : memref<196608x1111xf32, #tpu.memory_space<hbm>> -> memref<32x48xf32, #tpu.memory_space<hbm>>
          %dma_wait3A_802 = arith.constant 0 : i32
          %dma_wait3A_803 = arith.constant 0 : i32
          %dma_wait3A_804 = tpu.memref_slice %arg9[%dma_wait3A_791, %dma_wait3A_802, %dma_wait3A_803] : memref<2x128x72xf32, #tpu.memory_space<vmem>> -> memref<1x32x48xf32, #tpu.memory_space<vmem>>
          %dma_wait3A_805 = tpu.memref_squeeze %dma_wait3A_804 : memref<1x32x48xf32, #tpu.memory_space<vmem>> -> memref<32x48xf32, #tpu.memory_space<vmem>>
          tpu.wait_dma2 semaphore(%arg15 : memref<!tpu.dma_semaphore, #tpu.memory_space<semaphore_mem>>) src(%dma_wait3A_805 : memref<32x48xf32, #tpu.memory_space<vmem>>) dst(%dma_wait3A_801 : memref<32x48xf32, #tpu.memory_space<hbm>>)
          %dma_wait3A_806 = arith.constant 1 : i32
          %dma_wait3A_807 = arith.constant 32 : i32
          %dma_wait3A_808 = arith.constant 0 : i32
          %dma_wait3A_809 = tpu.memref_slice %arg9[%dma_wait3A_806, %dma_wait3A_807, %dma_wait3A_808] : memref<2x128x72xf32, #tpu.memory_space<vmem>> -> memref<1x32x56xf32, #tpu.memory_space<vmem>>
          %dma_wait3A_810 = tpu.memref_squeeze %dma_wait3A_809 : memref<1x32x56xf32, #tpu.memory_space<vmem>> -> memref<32x56xf32, #tpu.memory_space<vmem>>
          %dma_wait3A_811 = arith.constant 0 : i32
          %dma_wait3A_812 = arith.constant 336 : i32
          %dma_wait3A_813 = tpu.memref_slice %arg6[%dma_wait3A_811, %dma_wait3A_812] : memref<196608x1111xf32, #tpu.memory_space<hbm>> -> memref<32x56xf32, #tpu.memory_space<hbm>>
          %dma_wait3A_814 = arith.constant 0 : i32
          %dma_wait3A_815 = arith.constant 336 : i32
          %dma_wait3A_816 = tpu.memref_slice %arg6[%dma_wait3A_814, %dma_wait3A_815] : memref<196608x1111xf32, #tpu.memory_space<hbm>> -> memref<32x56xf32, #tpu.memory_space<hbm>>
          %dma_wait3A_817 = arith.constant 32 : i32
          %dma_wait3A_818 = arith.constant 0 : i32
          %dma_wait3A_819 = tpu.memref_slice %arg9[%dma_wait3A_806, %dma_wait3A_817, %dma_wait3A_818] : memref<2x128x72xf32, #tpu.memory_space<vmem>> -> memref<1x32x56xf32, #tpu.memory_space<vmem>>
          %dma_wait3A_820 = tpu.memref_squeeze %dma_wait3A_819 : memref<1x32x56xf32, #tpu.memory_space<vmem>> -> memref<32x56xf32, #tpu.memory_space<vmem>>
          tpu.wait_dma2 semaphore(%arg15 : memref<!tpu.dma_semaphore, #tpu.memory_space<semaphore_mem>>) src(%dma_wait3A_820 : memref<32x56xf32, #tpu.memory_space<vmem>>) dst(%dma_wait3A_816 : memref<32x56xf32, #tpu.memory_space<hbm>>)
          %dma_wait3A_821 = arith.constant 1 : i32
          %dma_wait3A_822 = arith.constant 64 : i32
          %dma_wait3A_823 = arith.constant 0 : i32
          %dma_wait3A_824 = tpu.memref_slice %arg9[%dma_wait3A_821, %dma_wait3A_822, %dma_wait3A_823] : memref<2x128x72xf32, #tpu.memory_space<vmem>> -> memref<1x32x48xf32, #tpu.memory_space<vmem>>
          %dma_wait3A_825 = tpu.memref_squeeze %dma_wait3A_824 : memref<1x32x48xf32, #tpu.memory_space<vmem>> -> memref<32x48xf32, #tpu.memory_space<vmem>>
          %dma_wait3A_826 = arith.constant 0 : i32
          %dma_wait3A_827 = arith.constant 392 : i32
          %dma_wait3A_828 = tpu.memref_slice %arg6[%dma_wait3A_826, %dma_wait3A_827] : memref<196608x1111xf32, #tpu.memory_space<hbm>> -> memref<32x48xf32, #tpu.memory_space<hbm>>
          %dma_wait3A_829 = arith.constant 0 : i32
          %dma_wait3A_830 = arith.constant 392 : i32
          %dma_wait3A_831 = tpu.memref_slice %arg6[%dma_wait3A_829, %dma_wait3A_830] : memref<196608x1111xf32, #tpu.memory_space<hbm>> -> memref<32x48xf32, #tpu.memory_space<hbm>>
          %dma_wait3A_832 = arith.constant 64 : i32
          %dma_wait3A_833 = arith.constant 0 : i32
          %dma_wait3A_834 = tpu.memref_slice %arg9[%dma_wait3A_821, %dma_wait3A_832, %dma_wait3A_833] : memref<2x128x72xf32, #tpu.memory_space<vmem>> -> memref<1x32x48xf32, #tpu.memory_space<vmem>>
          %dma_wait3A_835 = tpu.memref_squeeze %dma_wait3A_834 : memref<1x32x48xf32, #tpu.memory_space<vmem>> -> memref<32x48xf32, #tpu.memory_space<vmem>>
          tpu.wait_dma2 semaphore(%arg15 : memref<!tpu.dma_semaphore, #tpu.memory_space<semaphore_mem>>) src(%dma_wait3A_835 : memref<32x48xf32, #tpu.memory_space<vmem>>) dst(%dma_wait3A_831 : memref<32x48xf32, #tpu.memory_space<hbm>>)
          %dma_wait3A_836 = arith.constant 1 : i32
          %dma_wait3A_837 = arith.constant 96 : i32
          %dma_wait3A_838 = arith.constant 0 : i32
          %dma_wait3A_839 = tpu.memref_slice %arg9[%dma_wait3A_836, %dma_wait3A_837, %dma_wait3A_838] : memref<2x128x72xf32, #tpu.memory_space<vmem>> -> memref<1x32x48xf32, #tpu.memory_space<vmem>>
          %dma_wait3A_840 = tpu.memref_squeeze %dma_wait3A_839 : memref<1x32x48xf32, #tpu.memory_space<vmem>> -> memref<32x48xf32, #tpu.memory_space<vmem>>
          %dma_wait3A_841 = arith.constant 0 : i32
          %dma_wait3A_842 = arith.constant 440 : i32
          %dma_wait3A_843 = tpu.memref_slice %arg6[%dma_wait3A_841, %dma_wait3A_842] : memref<196608x1111xf32, #tpu.memory_space<hbm>> -> memref<32x48xf32, #tpu.memory_space<hbm>>
          %dma_wait3A_844 = arith.constant 0 : i32
          %dma_wait3A_845 = arith.constant 440 : i32
          %dma_wait3A_846 = tpu.memref_slice %arg6[%dma_wait3A_844, %dma_wait3A_845] : memref<196608x1111xf32, #tpu.memory_space<hbm>> -> memref<32x48xf32, #tpu.memory_space<hbm>>
          %dma_wait3A_847 = arith.constant 96 : i32
          %dma_wait3A_848 = arith.constant 0 : i32
          %dma_wait3A_849 = tpu.memref_slice %arg9[%dma_wait3A_836, %dma_wait3A_847, %dma_wait3A_848] : memref<2x128x72xf32, #tpu.memory_space<vmem>> -> memref<1x32x48xf32, #tpu.memory_space<vmem>>
          %dma_wait3A_850 = tpu.memref_squeeze %dma_wait3A_849 : memref<1x32x48xf32, #tpu.memory_space<vmem>> -> memref<32x48xf32, #tpu.memory_space<vmem>>
          tpu.wait_dma2 semaphore(%arg15 : memref<!tpu.dma_semaphore, #tpu.memory_space<semaphore_mem>>) src(%dma_wait3A_850 : memref<32x48xf32, #tpu.memory_space<vmem>>) dst(%dma_wait3A_846 : memref<32x48xf32, #tpu.memory_space<hbm>>)
          %dma_wait3A_851 = arith.constant 1 : i32
          %dma_wait3A_852 = arith.constant 0 : i32
          %dma_wait3A_853 = arith.constant 0 : i32
          %dma_wait3A_854 = tpu.memref_slice %arg10[%dma_wait3A_851, %dma_wait3A_852, %dma_wait3A_853] : memref<2x128x200xf32, #tpu.memory_space<vmem>> -> memref<1x32x160xf32, #tpu.memory_space<vmem>>
          %dma_wait3A_855 = tpu.memref_squeeze %dma_wait3A_854 : memref<1x32x160xf32, #tpu.memory_space<vmem>> -> memref<32x160xf32, #tpu.memory_space<vmem>>
          %dma_wait3A_856 = arith.constant 0 : i32
          %dma_wait3A_857 = arith.constant 488 : i32
          %dma_wait3A_858 = tpu.memref_slice %arg6[%dma_wait3A_856, %dma_wait3A_857] : memref<196608x1111xf32, #tpu.memory_space<hbm>> -> memref<32x160xf32, #tpu.memory_space<hbm>>
          %dma_wait3A_859 = arith.constant 0 : i32
          %dma_wait3A_860 = arith.constant 488 : i32
          %dma_wait3A_861 = tpu.memref_slice %arg6[%dma_wait3A_859, %dma_wait3A_860] : memref<196608x1111xf32, #tpu.memory_space<hbm>> -> memref<32x160xf32, #tpu.memory_space<hbm>>
          %dma_wait3A_862 = arith.constant 0 : i32
          %dma_wait3A_863 = arith.constant 0 : i32
          %dma_wait3A_864 = tpu.memref_slice %arg10[%dma_wait3A_851, %dma_wait3A_862, %dma_wait3A_863] : memref<2x128x200xf32, #tpu.memory_space<vmem>> -> memref<1x32x160xf32, #tpu.memory_space<vmem>>
          %dma_wait3A_865 = tpu.memref_squeeze %dma_wait3A_864 : memref<1x32x160xf32, #tpu.memory_space<vmem>> -> memref<32x160xf32, #tpu.memory_space<vmem>>
          tpu.wait_dma2 semaphore(%arg15 : memref<!tpu.dma_semaphore, #tpu.memory_space<semaphore_mem>>) src(%dma_wait3A_865 : memref<32x160xf32, #tpu.memory_space<vmem>>) dst(%dma_wait3A_861 : memref<32x160xf32, #tpu.memory_space<hbm>>)
          %dma_wait3A_866 = arith.constant 1 : i32
          %dma_wait3A_867 = arith.constant 32 : i32
          %dma_wait3A_868 = arith.constant 0 : i32
          %dma_wait3A_869 = tpu.memref_slice %arg10[%dma_wait3A_866, %dma_wait3A_867, %dma_wait3A_868] : memref<2x128x200xf32, #tpu.memory_space<vmem>> -> memref<1x32x152xf32, #tpu.memory_space<vmem>>
          %dma_wait3A_870 = tpu.memref_squeeze %dma_wait3A_869 : memref<1x32x152xf32, #tpu.memory_space<vmem>> -> memref<32x152xf32, #tpu.memory_space<vmem>>
          %dma_wait3A_871 = arith.constant 0 : i32
          %dma_wait3A_872 = arith.constant 648 : i32
          %dma_wait3A_873 = tpu.memref_slice %arg6[%dma_wait3A_871, %dma_wait3A_872] : memref<196608x1111xf32, #tpu.memory_space<hbm>> -> memref<32x152xf32, #tpu.memory_space<hbm>>
          %dma_wait3A_874 = arith.constant 0 : i32
          %dma_wait3A_875 = arith.constant 648 : i32
          %dma_wait3A_876 = tpu.memref_slice %arg6[%dma_wait3A_874, %dma_wait3A_875] : memref<196608x1111xf32, #tpu.memory_space<hbm>> -> memref<32x152xf32, #tpu.memory_space<hbm>>
          %dma_wait3A_877 = arith.constant 32 : i32
          %dma_wait3A_878 = arith.constant 0 : i32
          %dma_wait3A_879 = tpu.memref_slice %arg10[%dma_wait3A_866, %dma_wait3A_877, %dma_wait3A_878] : memref<2x128x200xf32, #tpu.memory_space<vmem>> -> memref<1x32x152xf32, #tpu.memory_space<vmem>>
          %dma_wait3A_880 = tpu.memref_squeeze %dma_wait3A_879 : memref<1x32x152xf32, #tpu.memory_space<vmem>> -> memref<32x152xf32, #tpu.memory_space<vmem>>
          tpu.wait_dma2 semaphore(%arg15 : memref<!tpu.dma_semaphore, #tpu.memory_space<semaphore_mem>>) src(%dma_wait3A_880 : memref<32x152xf32, #tpu.memory_space<vmem>>) dst(%dma_wait3A_876 : memref<32x152xf32, #tpu.memory_space<hbm>>)
          %dma_wait3A_881 = arith.constant 1 : i32
          %dma_wait3A_882 = arith.constant 64 : i32
          %dma_wait3A_883 = arith.constant 0 : i32
          %dma_wait3A_884 = tpu.memref_slice %arg10[%dma_wait3A_881, %dma_wait3A_882, %dma_wait3A_883] : memref<2x128x200xf32, #tpu.memory_space<vmem>> -> memref<1x32x152xf32, #tpu.memory_space<vmem>>
          %dma_wait3A_885 = tpu.memref_squeeze %dma_wait3A_884 : memref<1x32x152xf32, #tpu.memory_space<vmem>> -> memref<32x152xf32, #tpu.memory_space<vmem>>
          %dma_wait3A_886 = arith.constant 0 : i32
          %dma_wait3A_887 = arith.constant 800 : i32
          %dma_wait3A_888 = tpu.memref_slice %arg6[%dma_wait3A_886, %dma_wait3A_887] : memref<196608x1111xf32, #tpu.memory_space<hbm>> -> memref<32x152xf32, #tpu.memory_space<hbm>>
          %dma_wait3A_889 = arith.constant 0 : i32
          %dma_wait3A_890 = arith.constant 800 : i32
          %dma_wait3A_891 = tpu.memref_slice %arg6[%dma_wait3A_889, %dma_wait3A_890] : memref<196608x1111xf32, #tpu.memory_space<hbm>> -> memref<32x152xf32, #tpu.memory_space<hbm>>
          %dma_wait3A_892 = arith.constant 64 : i32
          %dma_wait3A_893 = arith.constant 0 : i32
          %dma_wait3A_894 = tpu.memref_slice %arg10[%dma_wait3A_881, %dma_wait3A_892, %dma_wait3A_893] : memref<2x128x200xf32, #tpu.memory_space<vmem>> -> memref<1x32x152xf32, #tpu.memory_space<vmem>>
          %dma_wait3A_895 = tpu.memref_squeeze %dma_wait3A_894 : memref<1x32x152xf32, #tpu.memory_space<vmem>> -> memref<32x152xf32, #tpu.memory_space<vmem>>
          tpu.wait_dma2 semaphore(%arg15 : memref<!tpu.dma_semaphore, #tpu.memory_space<semaphore_mem>>) src(%dma_wait3A_895 : memref<32x152xf32, #tpu.memory_space<vmem>>) dst(%dma_wait3A_891 : memref<32x152xf32, #tpu.memory_space<hbm>>)
          %dma_wait3A_896 = arith.constant 1 : i32
          %dma_wait3A_897 = arith.constant 96 : i32
          %dma_wait3A_898 = arith.constant 0 : i32
          %dma_wait3A_899 = tpu.memref_slice %arg10[%dma_wait3A_896, %dma_wait3A_897, %dma_wait3A_898] : memref<2x128x200xf32, #tpu.memory_space<vmem>> -> memref<1x32x152xf32, #tpu.memory_space<vmem>>
          %dma_wait3A_900 = tpu.memref_squeeze %dma_wait3A_899 : memref<1x32x152xf32, #tpu.memory_space<vmem>> -> memref<32x152xf32, #tpu.memory_space<vmem>>
          %dma_wait3A_901 = arith.constant 0 : i32
          %dma_wait3A_902 = arith.constant 952 : i32
          %dma_wait3A_903 = tpu.memref_slice %arg6[%dma_wait3A_901, %dma_wait3A_902] : memref<196608x1111xf32, #tpu.memory_space<hbm>> -> memref<32x152xf32, #tpu.memory_space<hbm>>
          %dma_wait3A_904 = arith.constant 0 : i32
          %dma_wait3A_905 = arith.constant 952 : i32
          %dma_wait3A_906 = tpu.memref_slice %arg6[%dma_wait3A_904, %dma_wait3A_905] : memref<196608x1111xf32, #tpu.memory_space<hbm>> -> memref<32x152xf32, #tpu.memory_space<hbm>>
          %dma_wait3A_907 = arith.constant 96 : i32
          %dma_wait3A_908 = arith.constant 0 : i32
          %dma_wait3A_909 = tpu.memref_slice %arg10[%dma_wait3A_896, %dma_wait3A_907, %dma_wait3A_908] : memref<2x128x200xf32, #tpu.memory_space<vmem>> -> memref<1x32x152xf32, #tpu.memory_space<vmem>>
          %dma_wait3A_910 = tpu.memref_squeeze %dma_wait3A_909 : memref<1x32x152xf32, #tpu.memory_space<vmem>> -> memref<32x152xf32, #tpu.memory_space<vmem>>
          tpu.wait_dma2 semaphore(%arg15 : memref<!tpu.dma_semaphore, #tpu.memory_space<semaphore_mem>>) src(%dma_wait3A_910 : memref<32x152xf32, #tpu.memory_space<vmem>>) dst(%dma_wait3A_906 : memref<32x152xf32, #tpu.memory_space<hbm>>)
          %dma_wait3A_911 = arith.constant 1 : i32
          %dma_wait3A_912 = arith.constant 0 : i32
          %dma_wait3A_913 = arith.constant 152 : i32
          %dma_wait3A_914 = tpu.memref_slice %arg11[%dma_wait3A_911, %dma_wait3A_912, %dma_wait3A_913] : memref<2x32x159xf32, #tpu.memory_space<vmem>> -> memref<1x32x7xf32, #tpu.memory_space<vmem>>
          %dma_wait3A_915 = tpu.memref_squeeze %dma_wait3A_914 : memref<1x32x7xf32, #tpu.memory_space<vmem>> -> memref<32x7xf32, #tpu.memory_space<vmem>>
          %dma_wait3A_916 = arith.constant 0 : i32
          %dma_wait3A_917 = arith.constant 1104 : i32
          %dma_wait3A_918 = tpu.memref_slice %arg6[%dma_wait3A_916, %dma_wait3A_917] : memref<196608x1111xf32, #tpu.memory_space<hbm>> -> memref<32x7xf32, #tpu.memory_space<hbm>>
          %dma_wait3A_919 = arith.constant 0 : i32
          %dma_wait3A_920 = arith.constant 1104 : i32
          %dma_wait3A_921 = tpu.memref_slice %arg6[%dma_wait3A_919, %dma_wait3A_920] : memref<196608x1111xf32, #tpu.memory_space<hbm>> -> memref<32x7xf32, #tpu.memory_space<hbm>>
          %dma_wait3A_922 = arith.constant 0 : i32
          %dma_wait3A_923 = arith.constant 152 : i32
          %dma_wait3A_924 = tpu.memref_slice %arg11[%dma_wait3A_911, %dma_wait3A_922, %dma_wait3A_923] : memref<2x32x159xf32, #tpu.memory_space<vmem>> -> memref<1x32x7xf32, #tpu.memory_space<vmem>>
          %dma_wait3A_925 = tpu.memref_squeeze %dma_wait3A_924 : memref<1x32x7xf32, #tpu.memory_space<vmem>> -> memref<32x7xf32, #tpu.memory_space<vmem>>
          tpu.wait_dma2 semaphore(%arg15 : memref<!tpu.dma_semaphore, #tpu.memory_space<semaphore_mem>>) src(%dma_wait3A_925 : memref<32x7xf32, #tpu.memory_space<vmem>>) dst(%dma_wait3A_921 : memref<32x7xf32, #tpu.memory_space<hbm>>)
        } else {
        }
        %add3A_736 = arith.constant 1 : i32
        %add3A_737 = arith.addi %add3A_348, %add3A_736 : i32
        %add3A_738 = arith.addi %mul3A_2, %add3A_737 : i32
        %run_scoped3A_739 = arith.constant 1 : i32
        "tpu.region"() ({
          %run_scoped3A_776 = tpu.sem_alloc : memref<!tpu.dma_semaphore, #tpu.memory_space<semaphore_mem>>
          %dma_start3A_777 = arith.constant 0 : i32
          %dma_start3A_778 = tpu.memref_slice %arg7[%run_scoped3A_739, %dma_start3A_777] : memref<2x288xi32, #tpu.memory_space<vmem>> -> memref<1x288xi32, #tpu.memory_space<vmem>>
          %dma_start3A_779 = tpu.memref_squeeze %dma_start3A_778 : memref<1x288xi32, #tpu.memory_space<vmem>> -> memref<288xi32, #tpu.memory_space<vmem>>
          %dma_start3A_780 = arith.constant 0 : i32
          %dma_start3A_781 = tpu.memref_slice %arg5[%add3A_738, %dma_start3A_780] : memref<6144x288xi32, #tpu.memory_space<hbm>> -> memref<1x288xi32, #tpu.memory_space<hbm>>
          %dma_start3A_782 = tpu.memref_squeeze %dma_start3A_781 : memref<1x288xi32, #tpu.memory_space<hbm>> -> memref<288xi32, #tpu.memory_space<hbm>>
          %dma_start3A_783 = arith.constant 0 : i32
          %dma_start3A_784 = tpu.memref_slice %arg7[%run_scoped3A_739, %dma_start3A_783] : memref<2x288xi32, #tpu.memory_space<vmem>> -> memref<1x288xi32, #tpu.memory_space<vmem>>
          %dma_start3A_785 = tpu.memref_squeeze %dma_start3A_784 : memref<1x288xi32, #tpu.memory_space<vmem>> -> memref<288xi32, #tpu.memory_space<vmem>>
          %dma_start3A_786 = arith.constant 0 : i32
          %dma_start3A_787 = tpu.memref_slice %arg5[%add3A_738, %dma_start3A_786] : memref<6144x288xi32, #tpu.memory_space<hbm>> -> memref<1x288xi32, #tpu.memory_space<hbm>>
          %dma_start3A_788 = tpu.memref_squeeze %dma_start3A_787 : memref<1x288xi32, #tpu.memory_space<hbm>> -> memref<288xi32, #tpu.memory_space<hbm>>
          tpu.enqueue_dma source(%dma_start3A_788 : memref<288xi32, #tpu.memory_space<hbm>>) target(%dma_start3A_785 : memref<288xi32, #tpu.memory_space<vmem>>) target_semaphore(%run_scoped3A_776 : memref<!tpu.dma_semaphore, #tpu.memory_space<semaphore_mem>>)
          %dma_wait3A_789 = arith.constant 0 : i32
          %dma_wait3A_790 = tpu.memref_slice %arg7[%run_scoped3A_739, %dma_wait3A_789] : memref<2x288xi32, #tpu.memory_space<vmem>> -> memref<1x288xi32, #tpu.memory_space<vmem>>
          %dma_wait3A_791 = tpu.memref_squeeze %dma_wait3A_790 : memref<1x288xi32, #tpu.memory_space<vmem>> -> memref<288xi32, #tpu.memory_space<vmem>>
          %dma_wait3A_792 = arith.constant 0 : i32
          %dma_wait3A_793 = tpu.memref_slice %arg5[%add3A_738, %dma_wait3A_792] : memref<6144x288xi32, #tpu.memory_space<hbm>> -> memref<1x288xi32, #tpu.memory_space<hbm>>
          %dma_wait3A_794 = tpu.memref_squeeze %dma_wait3A_793 : memref<1x288xi32, #tpu.memory_space<hbm>> -> memref<288xi32, #tpu.memory_space<hbm>>
          %dma_wait3A_795 = arith.constant 0 : i32
          %dma_wait3A_796 = tpu.memref_slice %arg7[%run_scoped3A_739, %dma_wait3A_795] : memref<2x288xi32, #tpu.memory_space<vmem>> -> memref<1x288xi32, #tpu.memory_space<vmem>>
          %dma_wait3A_797 = tpu.memref_squeeze %dma_wait3A_796 : memref<1x288xi32, #tpu.memory_space<vmem>> -> memref<288xi32, #tpu.memory_space<vmem>>
          %dma_wait3A_798 = arith.constant 0 : i32
          %dma_wait3A_799 = tpu.memref_slice %arg5[%add3A_738, %dma_wait3A_798] : memref<6144x288xi32, #tpu.memory_space<hbm>> -> memref<1x288xi32, #tpu.memory_space<hbm>>
          %dma_wait3A_800 = tpu.memref_squeeze %dma_wait3A_799 : memref<1x288xi32, #tpu.memory_space<hbm>> -> memref<288xi32, #tpu.memory_space<hbm>>
          tpu.wait_dma2 semaphore(%run_scoped3A_776 : memref<!tpu.dma_semaphore, #tpu.memory_space<semaphore_mem>>) src(%dma_wait3A_800 : memref<288xi32, #tpu.memory_space<hbm>>) dst(%dma_wait3A_797 : memref<288xi32, #tpu.memory_space<vmem>>)
          tpu.yield
        }) : () -> ()
        %dma_start3A_740 = arith.constant 1 : i32
        %dma_start3A_741 = arith.constant 1 : i32
        %dma_start3A_742 = arith.constant 0 : i32
        %dma_start3A_743 = arith.constant 0 : i32
        %dma_start3A_744 = tpu.memref_slice %arg8[%dma_start3A_741, %dma_start3A_742, %dma_start3A_743] : memref<2x32x304xf32, #tpu.memory_space<vmem>> -> memref<1x32x304xf32, #tpu.memory_space<vmem>>
        %dma_start3A_745 = tpu.memref_squeeze %dma_start3A_744 : memref<1x32x304xf32, #tpu.memory_space<vmem>> -> memref<32x304xf32, #tpu.memory_space<vmem>>
        %dma_start3A_746 = arith.constant 0 : i32
        %dma_start3A_747 = tpu.memref_slice %arg7[%dma_start3A_740, %dma_start3A_746] : memref<2x288xi32, #tpu.memory_space<vmem>> -> memref<1x32xi32, #tpu.memory_space<vmem>>
        %dma_start3A_748 = tpu.memref_squeeze %dma_start3A_747 : memref<1x32xi32, #tpu.memory_space<vmem>> -> memref<32xi32, #tpu.memory_space<vmem>>
        %dma_start3A_749 = arith.constant 0 : i32
        %dma_start3A_750 = arith.constant 0 : i32
        %dma_start3A_751 = tpu.memref_slice %arg2[%dma_start3A_749, %dma_start3A_750] : memref<1330x304xf32, #tpu.memory_space<hbm>> -> memref<1330x304xf32, #tpu.memory_space<hbm>>
        tpu.enqueue_indirect_dma source(%dma_start3A_751 : memref<1330x304xf32, #tpu.memory_space<hbm>>) target(%dma_start3A_745 : memref<32x304xf32, #tpu.memory_space<vmem>>) offsets(%dma_start3A_748 : memref<32xi32, #tpu.memory_space<vmem>>) semaphore(%arg13 : memref<!tpu.dma_semaphore, #tpu.memory_space<semaphore_mem>>)
        %dma_start3A_752 = arith.constant 1 : i32
        %dma_start3A_753 = arith.constant 1 : i32
        %dma_start3A_754 = arith.constant 0 : i32
        %dma_start3A_755 = arith.constant 0 : i32
        %dma_start3A_756 = tpu.memref_slice %arg9[%dma_start3A_753, %dma_start3A_754, %dma_start3A_755] : memref<2x128x72xf32, #tpu.memory_space<vmem>> -> memref<1x128x72xf32, #tpu.memory_space<vmem>>
        %dma_start3A_757 = tpu.memref_squeeze %dma_start3A_756 : memref<1x128x72xf32, #tpu.memory_space<vmem>> -> memref<128x72xf32, #tpu.memory_space<vmem>>
        %dma_start3A_758 = arith.constant 32 : i32
        %dma_start3A_759 = tpu.memref_slice %arg7[%dma_start3A_752, %dma_start3A_758] : memref<2x288xi32, #tpu.memory_space<vmem>> -> memref<1x128xi32, #tpu.memory_space<vmem>>
        %dma_start3A_760 = tpu.memref_squeeze %dma_start3A_759 : memref<1x128xi32, #tpu.memory_space<vmem>> -> memref<128xi32, #tpu.memory_space<vmem>>
        %dma_start3A_761 = arith.constant 0 : i32
        %dma_start3A_762 = arith.constant 0 : i32
        %dma_start3A_763 = tpu.memref_slice %arg3[%dma_start3A_761, %dma_start3A_762] : memref<1182x72xf32, #tpu.memory_space<hbm>> -> memref<1182x72xf32, #tpu.memory_space<hbm>>
        tpu.enqueue_indirect_dma source(%dma_start3A_763 : memref<1182x72xf32, #tpu.memory_space<hbm>>) target(%dma_start3A_757 : memref<128x72xf32, #tpu.memory_space<vmem>>) offsets(%dma_start3A_760 : memref<128xi32, #tpu.memory_space<vmem>>) semaphore(%arg13 : memref<!tpu.dma_semaphore, #tpu.memory_space<semaphore_mem>>)
        %dma_start3A_764 = arith.constant 1 : i32
        %dma_start3A_765 = arith.constant 1 : i32
        %dma_start3A_766 = arith.constant 0 : i32
        %dma_start3A_767 = arith.constant 0 : i32
        %dma_start3A_768 = tpu.memref_slice %arg10[%dma_start3A_765, %dma_start3A_766, %dma_start3A_767] : memref<2x128x200xf32, #tpu.memory_space<vmem>> -> memref<1x128x200xf32, #tpu.memory_space<vmem>>
        %dma_start3A_769 = tpu.memref_squeeze %dma_start3A_768 : memref<1x128x200xf32, #tpu.memory_space<vmem>> -> memref<128x200xf32, #tpu.memory_space<vmem>>
        %dma_start3A_770 = arith.constant 160 : i32
        %dma_start3A_771 = tpu.memref_slice %arg7[%dma_start3A_764, %dma_start3A_770] : memref<2x288xi32, #tpu.memory_space<vmem>> -> memref<1x128xi32, #tpu.memory_space<vmem>>
        %dma_start3A_772 = tpu.memref_squeeze %dma_start3A_771 : memref<1x128xi32, #tpu.memory_space<vmem>> -> memref<128xi32, #tpu.memory_space<vmem>>
        %dma_start3A_773 = arith.constant 0 : i32
        %dma_start3A_774 = arith.constant 0 : i32
        %dma_start3A_775 = tpu.memref_slice %arg4[%dma_start3A_773, %dma_start3A_774] : memref<2744x200xf32, #tpu.memory_space<hbm>> -> memref<2744x200xf32, #tpu.memory_space<hbm>>
        tpu.enqueue_indirect_dma source(%dma_start3A_775 : memref<2744x200xf32, #tpu.memory_space<hbm>>) target(%dma_start3A_769 : memref<128x200xf32, #tpu.memory_space<vmem>>) offsets(%dma_start3A_772 : memref<128xi32, #tpu.memory_space<vmem>>) semaphore(%arg13 : memref<!tpu.dma_semaphore, #tpu.memory_space<semaphore_mem>>)
      } else {
      }
      %dma_wait3A_353 = arith.constant 0 : i32
      %dma_wait3A_354 = arith.constant 0 : i32
      %dma_wait3A_355 = arith.constant 0 : i32
      %dma_wait3A_356 = tpu.memref_slice %arg8[%dma_wait3A_353, %dma_wait3A_354, %dma_wait3A_355] : memref<2x32x304xf32, #tpu.memory_space<vmem>> -> memref<1x32x304xf32, #tpu.memory_space<vmem>>
      %dma_wait3A_357 = tpu.memref_squeeze %dma_wait3A_356 : memref<1x32x304xf32, #tpu.memory_space<vmem>> -> memref<32x304xf32, #tpu.memory_space<vmem>>
      %dma_wait3A_358 = arith.constant 0 : i32
      %dma_wait3A_359 = arith.constant 0 : i32
      %dma_wait3A_360 = tpu.memref_slice %arg2[%dma_wait3A_358, %dma_wait3A_359] : memref<1330x304xf32, #tpu.memory_space<hbm>> -> memref<32x304xf32, #tpu.memory_space<hbm>>
      %dma_wait3A_361 = arith.constant 0 : i32
      %dma_wait3A_362 = arith.constant 0 : i32
      %dma_wait3A_363 = tpu.memref_slice %arg8[%dma_wait3A_353, %dma_wait3A_361, %dma_wait3A_362] : memref<2x32x304xf32, #tpu.memory_space<vmem>> -> memref<1x32x304xf32, #tpu.memory_space<vmem>>
      %dma_wait3A_364 = tpu.memref_squeeze %dma_wait3A_363 : memref<1x32x304xf32, #tpu.memory_space<vmem>> -> memref<32x304xf32, #tpu.memory_space<vmem>>
      %dma_wait3A_365 = arith.constant 0 : i32
      %dma_wait3A_366 = arith.constant 0 : i32
      %dma_wait3A_367 = tpu.memref_slice %arg2[%dma_wait3A_365, %dma_wait3A_366] : memref<1330x304xf32, #tpu.memory_space<hbm>> -> memref<32x304xf32, #tpu.memory_space<hbm>>
      tpu.wait_dma2 semaphore(%arg12 : memref<!tpu.dma_semaphore, #tpu.memory_space<semaphore_mem>>) src(%dma_wait3A_367 : memref<32x304xf32, #tpu.memory_space<hbm>>) dst(%dma_wait3A_364 : memref<32x304xf32, #tpu.memory_space<vmem>>)
      %dma_wait3A_368 = arith.constant 0 : i32
      %dma_wait3A_369 = arith.constant 0 : i32
      %dma_wait3A_370 = arith.constant 0 : i32
      %dma_wait3A_371 = tpu.memref_slice %arg9[%dma_wait3A_368, %dma_wait3A_369, %dma_wait3A_370] : memref<2x128x72xf32, #tpu.memory_space<vmem>> -> memref<1x128x72xf32, #tpu.memory_space<vmem>>
      %dma_wait3A_372 = tpu.memref_squeeze %dma_wait3A_371 : memref<1x128x72xf32, #tpu.memory_space<vmem>> -> memref<128x72xf32, #tpu.memory_space<vmem>>
      %dma_wait3A_373 = arith.constant 0 : i32
      %dma_wait3A_374 = arith.constant 0 : i32
      %dma_wait3A_375 = tpu.memref_slice %arg3[%dma_wait3A_373, %dma_wait3A_374] : memref<1182x72xf32, #tpu.memory_space<hbm>> -> memref<128x72xf32, #tpu.memory_space<hbm>>
      %dma_wait3A_376 = arith.constant 0 : i32
      %dma_wait3A_377 = arith.constant 0 : i32
      %dma_wait3A_378 = tpu.memref_slice %arg9[%dma_wait3A_368, %dma_wait3A_376, %dma_wait3A_377] : memref<2x128x72xf32, #tpu.memory_space<vmem>> -> memref<1x128x72xf32, #tpu.memory_space<vmem>>
      %dma_wait3A_379 = tpu.memref_squeeze %dma_wait3A_378 : memref<1x128x72xf32, #tpu.memory_space<vmem>> -> memref<128x72xf32, #tpu.memory_space<vmem>>
      %dma_wait3A_380 = arith.constant 0 : i32
      %dma_wait3A_381 = arith.constant 0 : i32
      %dma_wait3A_382 = tpu.memref_slice %arg3[%dma_wait3A_380, %dma_wait3A_381] : memref<1182x72xf32, #tpu.memory_space<hbm>> -> memref<128x72xf32, #tpu.memory_space<hbm>>
      tpu.wait_dma2 semaphore(%arg12 : memref<!tpu.dma_semaphore, #tpu.memory_space<semaphore_mem>>) src(%dma_wait3A_382 : memref<128x72xf32, #tpu.memory_space<hbm>>) dst(%dma_wait3A_379 : memref<128x72xf32, #tpu.memory_space<vmem>>)
      %dma_wait3A_383 = arith.constant 0 : i32
      %dma_wait3A_384 = arith.constant 0 : i32
      %dma_wait3A_385 = arith.constant 0 : i32
      %dma_wait3A_386 = tpu.memref_slice %arg10[%dma_wait3A_383, %dma_wait3A_384, %dma_wait3A_385] : memref<2x128x200xf32, #tpu.memory_space<vmem>> -> memref<1x128x200xf32, #tpu.memory_space<vmem>>
      %dma_wait3A_387 = tpu.memref_squeeze %dma_wait3A_386 : memref<1x128x200xf32, #tpu.memory_space<vmem>> -> memref<128x200xf32, #tpu.memory_space<vmem>>
      %dma_wait3A_388 = arith.constant 0 : i32
      %dma_wait3A_389 = arith.constant 0 : i32
      %dma_wait3A_390 = tpu.memref_slice %arg4[%dma_wait3A_388, %dma_wait3A_389] : memref<2744x200xf32, #tpu.memory_space<hbm>> -> memref<128x200xf32, #tpu.memory_space<hbm>>
      %dma_wait3A_391 = arith.constant 0 : i32
      %dma_wait3A_392 = arith.constant 0 : i32
      %dma_wait3A_393 = tpu.memref_slice %arg10[%dma_wait3A_383, %dma_wait3A_391, %dma_wait3A_392] : memref<2x128x200xf32, #tpu.memory_space<vmem>> -> memref<1x128x200xf32, #tpu.memory_space<vmem>>
      %dma_wait3A_394 = tpu.memref_squeeze %dma_wait3A_393 : memref<1x128x200xf32, #tpu.memory_space<vmem>> -> memref<128x200xf32, #tpu.memory_space<vmem>>
      %dma_wait3A_395 = arith.constant 0 : i32
      %dma_wait3A_396 = arith.constant 0 : i32
      %dma_wait3A_397 = tpu.memref_slice %arg4[%dma_wait3A_395, %dma_wait3A_396] : memref<2744x200xf32, #tpu.memory_space<hbm>> -> memref<128x200xf32, #tpu.memory_space<hbm>>
      tpu.wait_dma2 semaphore(%arg12 : memref<!tpu.dma_semaphore, #tpu.memory_space<semaphore_mem>>) src(%dma_wait3A_397 : memref<128x200xf32, #tpu.memory_space<hbm>>) dst(%dma_wait3A_394 : memref<128x200xf32, #tpu.memory_space<vmem>>)
      %scan3A_398 = arith.constant 0 : i32
      %scan3A_399 = arith.constant 0 : i32
      %scan3A_400 = arith.constant 32 : i32
      %scan3A_401 = arith.addi %scan3A_399, %scan3A_400 : i32
      %scan3A_402 = arith.constant 1 : i32
      scf.for %scan3A_732 = %scan3A_399 to %scan3A_401 step %scan3A_402  : i32 {
        %add3A_733 = arith.constant 96 : i32
        %add3A_734 = arith.addi %add3A_733, %scan3A_732 : i32
        %get3A = arith.constant 0 : i32
        %get3A_735 = arith.index_cast %get3A : i32 to index
        %get3A_736 = arith.index_cast %add3A_734 : i32 to index
        %get3A_737 = arith.constant 143 : index
        %get3A_738 = tpu.vector_load %arg10[%get3A_735, %get3A_736, %get3A_737] {strides = array<i32>} : memref<2x128x200xf32, #tpu.memory_space<vmem>>, vector<16xf32>,
        %swap3A = arith.constant 0 : i32
        %swap3A_739 = arith.index_cast %swap3A : i32 to index
        %swap3A_740 = arith.index_cast %scan3A_732 : i32 to index
        %swap3A_741 = arith.constant 143 : index
        %swap3A_742 = tpu.vector_load %arg11[%swap3A_739, %swap3A_740, %swap3A_741] {strides = array<i32>} : memref<2x32x159xf32, #tpu.memory_space<vmem>>, vector<16xf32>,
        tpu.vector_store %arg11[%swap3A_739, %swap3A_740, %swap3A_741], %get3A_738 {strides = array<i32>} : memref<2x32x159xf32, #tpu.memory_space<vmem>>, vector<16xf32>,
        %get3A_743 = arith.constant 0 : i32
        %get3A_744 = arith.constant 0 : i32
        %get3A_745 = tpu.memref_slice %arg8[%get3A_743, %scan3A_732, %get3A_744] : memref<2x32x304xf32, #tpu.memory_space<vmem>> -> memref<1x1x304xf32, #tpu.memory_space<vmem>>
        %get3A_746 = tpu.memref_squeeze %get3A_745 : memref<1x1x304xf32, #tpu.memory_space<vmem>> -> memref<304xf32, #tpu.memory_space<vmem>>
        %get3A_747 = arith.constant 288 : index
        %get3A_748 = tpu.vector_load %get3A_746[%get3A_747] {strides = array<i32>} : memref<304xf32, #tpu.memory_space<vmem>>, vector<16xf32>,
        %add3A_749 = arith.constant 0 : i32
        %add3A_750 = arith.addi %add3A_749, %scan3A_732 : i32
        %get3A_751 = arith.constant 0 : i32
        %get3A_752 = arith.constant 0 : i32
        %get3A_753 = tpu.memref_slice %arg9[%get3A_751, %add3A_750, %get3A_752] : memref<2x128x72xf32, #tpu.memory_space<vmem>> -> memref<1x1x72xf32, #tpu.memory_space<vmem>>
        %get3A_754 = tpu.memref_squeeze %get3A_753 : memref<1x1x72xf32, #tpu.memory_space<vmem>> -> memref<72xf32, #tpu.memory_space<vmem>>
        %get3A_755 = arith.constant 0 : index
        %get3A_756 = tpu.vector_load %get3A_754[%get3A_755] {strides = array<i32>} : memref<72xf32, #tpu.memory_space<vmem>>, vector<16xf32>,
        %lt3A_757 = arith.constant 3 : i32
        %lt3A_758 = vector.broadcast %lt3A_757 : i32 to vector<16xi32>
        %lt3A_759 = arith.cmpi slt, %iota3A, %lt3A_758 : vector<16xi32>
        %select_n3A = arith.select %lt3A_759, %get3A_748, %get3A_756 : vector<16xi1>, vector<16xf32>
        %add3A_760 = arith.constant 0 : i32
        %add3A_761 = arith.addi %add3A_760, %scan3A_732 : i32
        %swap3A_762 = arith.constant 0 : i32
        %swap3A_763 = arith.constant 0 : i32
        %swap3A_764 = tpu.memref_slice %arg9[%swap3A_762, %add3A_761, %swap3A_763] : memref<2x128x72xf32, #tpu.memory_space<vmem>> -> memref<1x1x72xf32, #tpu.memory_space<vmem>>
        %swap3A_765 = tpu.memref_squeeze %swap3A_764 : memref<1x1x72xf32, #tpu.memory_space<vmem>> -> memref<72xf32, #tpu.memory_space<vmem>>
        %swap3A_766 = arith.constant 0 : index
        %swap3A_767 = tpu.vector_load %swap3A_765[%swap3A_766] {strides = array<i32>} : memref<72xf32, #tpu.memory_space<vmem>>, vector<16xf32>,
        tpu.vector_store %swap3A_765[%swap3A_766], %select_n3A {strides = array<i32>} : memref<72xf32, #tpu.memory_space<vmem>>, vector<16xf32>,
        %add3A_768 = arith.constant 0 : i32
        %add3A_769 = arith.addi %add3A_768, %scan3A_732 : i32
        %get3A_770 = arith.constant 0 : i32
        %get3A_771 = arith.constant 0 : i32
        %get3A_772 = tpu.memref_slice %arg9[%get3A_770, %add3A_769, %get3A_771] : memref<2x128x72xf32, #tpu.memory_space<vmem>> -> memref<1x1x72xf32, #tpu.memory_space<vmem>>
        %get3A_773 = tpu.memref_squeeze %get3A_772 : memref<1x1x72xf32, #tpu.memory_space<vmem>> -> memref<72xf32, #tpu.memory_space<vmem>>
        %get3A_774 = arith.constant 48 : index
        %get3A_775 = tpu.vector_load %get3A_773[%get3A_774] {strides = array<i32>} : memref<72xf32, #tpu.memory_space<vmem>>, vector<16xf32>,
        %add3A_776 = arith.constant 32 : i32
        %add3A_777 = arith.addi %add3A_776, %scan3A_732 : i32
        %get3A_778 = arith.constant 0 : i32
        %get3A_779 = arith.constant 0 : i32
        %get3A_780 = tpu.memref_slice %arg9[%get3A_778, %add3A_777, %get3A_779] : memref<2x128x72xf32, #tpu.memory_space<vmem>> -> memref<1x1x72xf32, #tpu.memory_space<vmem>>
        %get3A_781 = tpu.memref_squeeze %get3A_780 : memref<1x1x72xf32, #tpu.memory_space<vmem>> -> memref<72xf32, #tpu.memory_space<vmem>>
        %get3A_782 = arith.constant 0 : index
        %get3A_783 = tpu.vector_load %get3A_781[%get3A_782] {strides = array<i32>} : memref<72xf32, #tpu.memory_space<vmem>>, vector<16xf32>,
        %lt3A_784 = arith.constant 6 : i32
        %lt3A_785 = vector.broadcast %lt3A_784 : i32 to vector<16xi32>
        %lt3A_786 = arith.cmpi slt, %iota3A, %lt3A_785 : vector<16xi32>
        %select_n3A_787 = arith.select %lt3A_786, %get3A_775, %get3A_783 : vector<16xi1>, vector<16xf32>
        %add3A_788 = arith.constant 32 : i32
        %add3A_789 = arith.addi %add3A_788, %scan3A_732 : i32
        %swap3A_790 = arith.constant 0 : i32
        %swap3A_791 = arith.constant 0 : i32
        %swap3A_792 = tpu.memref_slice %arg9[%swap3A_790, %add3A_789, %swap3A_791] : memref<2x128x72xf32, #tpu.memory_space<vmem>> -> memref<1x1x72xf32, #tpu.memory_space<vmem>>
        %swap3A_793 = tpu.memref_squeeze %swap3A_792 : memref<1x1x72xf32, #tpu.memory_space<vmem>> -> memref<72xf32, #tpu.memory_space<vmem>>
        %swap3A_794 = arith.constant 0 : index
        %swap3A_795 = tpu.vector_load %swap3A_793[%swap3A_794] {strides = array<i32>} : memref<72xf32, #tpu.memory_space<vmem>>, vector<16xf32>,
        tpu.vector_store %swap3A_793[%swap3A_794], %select_n3A_787 {strides = array<i32>} : memref<72xf32, #tpu.memory_space<vmem>>, vector<16xf32>,
        %add3A_796 = arith.constant 32 : i32
        %add3A_797 = arith.addi %add3A_796, %scan3A_732 : i32
        %get3A_798 = arith.constant 0 : i32
        %get3A_799 = arith.constant 0 : i32
        %get3A_800 = tpu.memref_slice %arg9[%get3A_798, %add3A_797, %get3A_799] : memref<2x128x72xf32, #tpu.memory_space<vmem>> -> memref<1x1x72xf32, #tpu.memory_space<vmem>>
        %get3A_801 = tpu.memref_squeeze %get3A_800 : memref<1x1x72xf32, #tpu.memory_space<vmem>> -> memref<72xf32, #tpu.memory_space<vmem>>
        %get3A_802 = arith.constant 56 : index
        %get3A_803 = tpu.vector_load %get3A_801[%get3A_802] {strides = array<i32>} : memref<72xf32, #tpu.memory_space<vmem>>, vector<16xf32>,
        %add3A_804 = arith.constant 64 : i32
        %add3A_805 = arith.addi %add3A_804, %scan3A_732 : i32
        %get3A_806 = arith.constant 0 : i32
        %get3A_807 = arith.constant 0 : i32
        %get3A_808 = tpu.memref_slice %arg9[%get3A_806, %add3A_805, %get3A_807] : memref<2x128x72xf32, #tpu.memory_space<vmem>> -> memref<1x1x72xf32, #tpu.memory_space<vmem>>
        %get3A_809 = tpu.memref_squeeze %get3A_808 : memref<1x1x72xf32, #tpu.memory_space<vmem>> -> memref<72xf32, #tpu.memory_space<vmem>>
        %get3A_810 = arith.constant 0 : index
        %get3A_811 = tpu.vector_load %get3A_809[%get3A_810] {strides = array<i32>} : memref<72xf32, #tpu.memory_space<vmem>>, vector<16xf32>,
        %lt3A_812 = arith.constant 1 : i32
        %lt3A_813 = vector.broadcast %lt3A_812 : i32 to vector<16xi32>
        %lt3A_814 = arith.cmpi slt, %iota3A, %lt3A_813 : vector<16xi32>
        %select_n3A_815 = arith.select %lt3A_814, %get3A_803, %get3A_811 : vector<16xi1>, vector<16xf32>
        %add3A_816 = arith.constant 64 : i32
        %add3A_817 = arith.addi %add3A_816, %scan3A_732 : i32
        %swap3A_818 = arith.constant 0 : i32
        %swap3A_819 = arith.constant 0 : i32
        %swap3A_820 = tpu.memref_slice %arg9[%swap3A_818, %add3A_817, %swap3A_819] : memref<2x128x72xf32, #tpu.memory_space<vmem>> -> memref<1x1x72xf32, #tpu.memory_space<vmem>>
        %swap3A_821 = tpu.memref_squeeze %swap3A_820 : memref<1x1x72xf32, #tpu.memory_space<vmem>> -> memref<72xf32, #tpu.memory_space<vmem>>
        %swap3A_822 = arith.constant 0 : index
        %swap3A_823 = tpu.vector_load %swap3A_821[%swap3A_822] {strides = array<i32>} : memref<72xf32, #tpu.memory_space<vmem>>, vector<16xf32>,
        tpu.vector_store %swap3A_821[%swap3A_822], %select_n3A_815 {strides = array<i32>} : memref<72xf32, #tpu.memory_space<vmem>>, vector<16xf32>,
        %add3A_824 = arith.constant 64 : i32
        %add3A_825 = arith.addi %add3A_824, %scan3A_732 : i32
        %get3A_826 = arith.constant 0 : i32
        %get3A_827 = arith.constant 0 : i32
        %get3A_828 = tpu.memref_slice %arg9[%get3A_826, %add3A_825, %get3A_827] : memref<2x128x72xf32, #tpu.memory_space<vmem>> -> memref<1x1x72xf32, #tpu.memory_space<vmem>>
        %get3A_829 = tpu.memref_squeeze %get3A_828 : memref<1x1x72xf32, #tpu.memory_space<vmem>> -> memref<72xf32, #tpu.memory_space<vmem>>
        %get3A_830 = arith.constant 48 : index
        %get3A_831 = tpu.vector_load %get3A_829[%get3A_830] {strides = array<i32>} : memref<72xf32, #tpu.memory_space<vmem>>, vector<16xf32>,
        %add3A_832 = arith.constant 96 : i32
        %add3A_833 = arith.addi %add3A_832, %scan3A_732 : i32
        %get3A_834 = arith.constant 0 : i32
        %get3A_835 = arith.constant 0 : i32
        %get3A_836 = tpu.memref_slice %arg9[%get3A_834, %add3A_833, %get3A_835] : memref<2x128x72xf32, #tpu.memory_space<vmem>> -> memref<1x1x72xf32, #tpu.memory_space<vmem>>
        %get3A_837 = tpu.memref_squeeze %get3A_836 : memref<1x1x72xf32, #tpu.memory_space<vmem>> -> memref<72xf32, #tpu.memory_space<vmem>>
        %get3A_838 = arith.constant 0 : index
        %get3A_839 = tpu.vector_load %get3A_837[%get3A_838] {strides = array<i32>} : memref<72xf32, #tpu.memory_space<vmem>>, vector<16xf32>,
        %lt3A_840 = arith.constant 4 : i32
        %lt3A_841 = vector.broadcast %lt3A_840 : i32 to vector<16xi32>
        %lt3A_842 = arith.cmpi slt, %iota3A, %lt3A_841 : vector<16xi32>
        %select_n3A_843 = arith.select %lt3A_842, %get3A_831, %get3A_839 : vector<16xi1>, vector<16xf32>
        %add3A_844 = arith.constant 96 : i32
        %add3A_845 = arith.addi %add3A_844, %scan3A_732 : i32
        %swap3A_846 = arith.constant 0 : i32
        %swap3A_847 = arith.constant 0 : i32
        %swap3A_848 = tpu.memref_slice %arg9[%swap3A_846, %add3A_845, %swap3A_847] : memref<2x128x72xf32, #tpu.memory_space<vmem>> -> memref<1x1x72xf32, #tpu.memory_space<vmem>>
        %swap3A_849 = tpu.memref_squeeze %swap3A_848 : memref<1x1x72xf32, #tpu.memory_space<vmem>> -> memref<72xf32, #tpu.memory_space<vmem>>
        %swap3A_850 = arith.constant 0 : index
        %swap3A_851 = tpu.vector_load %swap3A_849[%swap3A_850] {strides = array<i32>} : memref<72xf32, #tpu.memory_space<vmem>>, vector<16xf32>,
        tpu.vector_store %swap3A_849[%swap3A_850], %select_n3A_843 {strides = array<i32>} : memref<72xf32, #tpu.memory_space<vmem>>, vector<16xf32>,
        %add3A_852 = arith.constant 96 : i32
        %add3A_853 = arith.addi %add3A_852, %scan3A_732 : i32
        %get3A_854 = arith.constant 0 : i32
        %get3A_855 = arith.constant 0 : i32
        %get3A_856 = tpu.memref_slice %arg9[%get3A_854, %add3A_853, %get3A_855] : memref<2x128x72xf32, #tpu.memory_space<vmem>> -> memref<1x1x72xf32, #tpu.memory_space<vmem>>
        %get3A_857 = tpu.memref_squeeze %get3A_856 : memref<1x1x72xf32, #tpu.memory_space<vmem>> -> memref<72xf32, #tpu.memory_space<vmem>>
        %get3A_858 = arith.constant 48 : index
        %get3A_859 = tpu.vector_load %get3A_857[%get3A_858] {strides = array<i32>} : memref<72xf32, #tpu.memory_space<vmem>>, vector<16xf32>,
        %add3A_860 = arith.constant 0 : i32
        %add3A_861 = arith.addi %add3A_860, %scan3A_732 : i32
        %get3A_862 = arith.constant 0 : i32
        %get3A_863 = arith.constant 0 : i32
        %get3A_864 = tpu.memref_slice %arg10[%get3A_862, %add3A_861, %get3A_863] : memref<2x128x200xf32, #tpu.memory_space<vmem>> -> memref<1x1x200xf32, #tpu.memory_space<vmem>>
        %get3A_865 = tpu.memref_squeeze %get3A_864 : memref<1x1x200xf32, #tpu.memory_space<vmem>> -> memref<200xf32, #tpu.memory_space<vmem>>
        %get3A_866 = arith.constant 0 : index
        %get3A_867 = tpu.vector_load %get3A_865[%get3A_866] {strides = array<i32>} : memref<200xf32, #tpu.memory_space<vmem>>, vector<16xf32>,
        %lt3A_868 = arith.constant 7 : i32
        %lt3A_869 = vector.broadcast %lt3A_868 : i32 to vector<16xi32>
        %lt3A_870 = arith.cmpi slt, %iota3A, %lt3A_869 : vector<16xi32>
        %select_n3A_871 = arith.select %lt3A_870, %get3A_859, %get3A_867 : vector<16xi1>, vector<16xf32>
        %add3A_872 = arith.constant 0 : i32
        %add3A_873 = arith.addi %add3A_872, %scan3A_732 : i32
        %swap3A_874 = arith.constant 0 : i32
        %swap3A_875 = arith.constant 0 : i32
        %swap3A_876 = tpu.memref_slice %arg10[%swap3A_874, %add3A_873, %swap3A_875] : memref<2x128x200xf32, #tpu.memory_space<vmem>> -> memref<1x1x200xf32, #tpu.memory_space<vmem>>
        %swap3A_877 = tpu.memref_squeeze %swap3A_876 : memref<1x1x200xf32, #tpu.memory_space<vmem>> -> memref<200xf32, #tpu.memory_space<vmem>>
        %swap3A_878 = arith.constant 0 : index
        %swap3A_879 = tpu.vector_load %swap3A_877[%swap3A_878] {strides = array<i32>} : memref<200xf32, #tpu.memory_space<vmem>>, vector<16xf32>,
        tpu.vector_store %swap3A_877[%swap3A_878], %select_n3A_871 {strides = array<i32>} : memref<200xf32, #tpu.memory_space<vmem>>, vector<16xf32>,
        %add3A_880 = arith.constant 0 : i32
        %add3A_881 = arith.addi %add3A_880, %scan3A_732 : i32
        %get3A_882 = arith.constant 0 : i32
        %get3A_883 = arith.constant 0 : i32
        %get3A_884 = tpu.memref_slice %arg10[%get3A_882, %add3A_881, %get3A_883] : memref<2x128x200xf32, #tpu.memory_space<vmem>> -> memref<1x1x200xf32, #tpu.memory_space<vmem>>
        %get3A_885 = tpu.memref_squeeze %get3A_884 : memref<1x1x200xf32, #tpu.memory_space<vmem>> -> memref<200xf32, #tpu.memory_space<vmem>>
        %get3A_886 = arith.constant 160 : index
        %get3A_887 = tpu.vector_load %get3A_885[%get3A_886] {strides = array<i32>} : memref<200xf32, #tpu.memory_space<vmem>>, vector<16xf32>,
        %add3A_888 = arith.constant 32 : i32
        %add3A_889 = arith.addi %add3A_888, %scan3A_732 : i32
        %get3A_890 = arith.constant 0 : i32
        %get3A_891 = arith.constant 0 : i32
        %get3A_892 = tpu.memref_slice %arg10[%get3A_890, %add3A_889, %get3A_891] : memref<2x128x200xf32, #tpu.memory_space<vmem>> -> memref<1x1x200xf32, #tpu.memory_space<vmem>>
        %get3A_893 = tpu.memref_squeeze %get3A_892 : memref<1x1x200xf32, #tpu.memory_space<vmem>> -> memref<200xf32, #tpu.memory_space<vmem>>
        %get3A_894 = arith.constant 0 : index
        %get3A_895 = tpu.vector_load %get3A_893[%get3A_894] {strides = array<i32>} : memref<200xf32, #tpu.memory_space<vmem>>, vector<16xf32>,
        %lt3A_896 = arith.constant 1 : i32
        %lt3A_897 = vector.broadcast %lt3A_896 : i32 to vector<16xi32>
        %lt3A_898 = arith.cmpi slt, %iota3A, %lt3A_897 : vector<16xi32>
        %select_n3A_899 = arith.select %lt3A_898, %get3A_887, %get3A_895 : vector<16xi1>, vector<16xf32>
        %add3A_900 = arith.constant 32 : i32
        %add3A_901 = arith.addi %add3A_900, %scan3A_732 : i32
        %swap3A_902 = arith.constant 0 : i32
        %swap3A_903 = arith.constant 0 : i32
        %swap3A_904 = tpu.memref_slice %arg10[%swap3A_902, %add3A_901, %swap3A_903] : memref<2x128x200xf32, #tpu.memory_space<vmem>> -> memref<1x1x200xf32, #tpu.memory_space<vmem>>
        %swap3A_905 = tpu.memref_squeeze %swap3A_904 : memref<1x1x200xf32, #tpu.memory_space<vmem>> -> memref<200xf32, #tpu.memory_space<vmem>>
        %swap3A_906 = arith.constant 0 : index
        %swap3A_907 = tpu.vector_load %swap3A_905[%swap3A_906] {strides = array<i32>} : memref<200xf32, #tpu.memory_space<vmem>>, vector<16xf32>,
        tpu.vector_store %swap3A_905[%swap3A_906], %select_n3A_899 {strides = array<i32>} : memref<200xf32, #tpu.memory_space<vmem>>, vector<16xf32>,
        %add3A_908 = arith.constant 32 : i32
        %add3A_909 = arith.addi %add3A_908, %scan3A_732 : i32
        %get3A_910 = arith.constant 0 : i32
        %get3A_911 = arith.constant 0 : i32
        %get3A_912 = tpu.memref_slice %arg10[%get3A_910, %add3A_909, %get3A_911] : memref<2x128x200xf32, #tpu.memory_space<vmem>> -> memref<1x1x200xf32, #tpu.memory_space<vmem>>
        %get3A_913 = tpu.memref_squeeze %get3A_912 : memref<1x1x200xf32, #tpu.memory_space<vmem>> -> memref<200xf32, #tpu.memory_space<vmem>>
        %get3A_914 = arith.constant 152 : index
        %get3A_915 = tpu.vector_load %get3A_913[%get3A_914] {strides = array<i32>} : memref<200xf32, #tpu.memory_space<vmem>>, vector<16xf32>,
        %add3A_916 = arith.constant 64 : i32
        %add3A_917 = arith.addi %add3A_916, %scan3A_732 : i32
        %get3A_918 = arith.constant 0 : i32
        %get3A_919 = arith.constant 0 : i32
        %get3A_920 = tpu.memref_slice %arg10[%get3A_918, %add3A_917, %get3A_919] : memref<2x128x200xf32, #tpu.memory_space<vmem>> -> memref<1x1x200xf32, #tpu.memory_space<vmem>>
        %get3A_921 = tpu.memref_squeeze %get3A_920 : memref<1x1x200xf32, #tpu.memory_space<vmem>> -> memref<200xf32, #tpu.memory_space<vmem>>
        %get3A_922 = arith.constant 0 : index
        %get3A_923 = tpu.vector_load %get3A_921[%get3A_922] {strides = array<i32>} : memref<200xf32, #tpu.memory_space<vmem>>, vector<16xf32>,
        %lt3A_924 = arith.constant 3 : i32
        %lt3A_925 = vector.broadcast %lt3A_924 : i32 to vector<16xi32>
        %lt3A_926 = arith.cmpi slt, %iota3A, %lt3A_925 : vector<16xi32>
        %select_n3A_927 = arith.select %lt3A_926, %get3A_915, %get3A_923 : vector<16xi1>, vector<16xf32>
        %add3A_928 = arith.constant 64 : i32
        %add3A_929 = arith.addi %add3A_928, %scan3A_732 : i32
        %swap3A_930 = arith.constant 0 : i32
        %swap3A_931 = arith.constant 0 : i32
        %swap3A_932 = tpu.memref_slice %arg10[%swap3A_930, %add3A_929, %swap3A_931] : memref<2x128x200xf32, #tpu.memory_space<vmem>> -> memref<1x1x200xf32, #tpu.memory_space<vmem>>
        %swap3A_933 = tpu.memref_squeeze %swap3A_932 : memref<1x1x200xf32, #tpu.memory_space<vmem>> -> memref<200xf32, #tpu.memory_space<vmem>>
        %swap3A_934 = arith.constant 0 : index
        %swap3A_935 = tpu.vector_load %swap3A_933[%swap3A_934] {strides = array<i32>} : memref<200xf32, #tpu.memory_space<vmem>>, vector<16xf32>,
        tpu.vector_store %swap3A_933[%swap3A_934], %select_n3A_927 {strides = array<i32>} : memref<200xf32, #tpu.memory_space<vmem>>, vector<16xf32>,
        %add3A_936 = arith.constant 64 : i32
        %add3A_937 = arith.addi %add3A_936, %scan3A_732 : i32
        %get3A_938 = arith.constant 0 : i32
        %get3A_939 = arith.constant 0 : i32
        %get3A_940 = tpu.memref_slice %arg10[%get3A_938, %add3A_937, %get3A_939] : memref<2x128x200xf32, #tpu.memory_space<vmem>> -> memref<1x1x200xf32, #tpu.memory_space<vmem>>
        %get3A_941 = tpu.memref_squeeze %get3A_940 : memref<1x1x200xf32, #tpu.memory_space<vmem>> -> memref<200xf32, #tpu.memory_space<vmem>>
        %get3A_942 = arith.constant 152 : index
        %get3A_943 = tpu.vector_load %get3A_941[%get3A_942] {strides = array<i32>} : memref<200xf32, #tpu.memory_space<vmem>>, vector<16xf32>,
        %add3A_944 = arith.constant 96 : i32
        %add3A_945 = arith.addi %add3A_944, %scan3A_732 : i32
        %get3A_946 = arith.constant 0 : i32
        %get3A_947 = arith.constant 0 : i32
        %get3A_948 = tpu.memref_slice %arg10[%get3A_946, %add3A_945, %get3A_947] : memref<2x128x200xf32, #tpu.memory_space<vmem>> -> memref<1x1x200xf32, #tpu.memory_space<vmem>>
        %get3A_949 = tpu.memref_squeeze %get3A_948 : memref<1x1x200xf32, #tpu.memory_space<vmem>> -> memref<200xf32, #tpu.memory_space<vmem>>
        %get3A_950 = arith.constant 0 : index
        %get3A_951 = tpu.vector_load %get3A_949[%get3A_950] {strides = array<i32>} : memref<200xf32, #tpu.memory_space<vmem>>, vector<16xf32>,
        %lt3A_952 = arith.constant 5 : i32
        %lt3A_953 = vector.broadcast %lt3A_952 : i32 to vector<16xi32>
        %lt3A_954 = arith.cmpi slt, %iota3A, %lt3A_953 : vector<16xi32>
        %select_n3A_955 = arith.select %lt3A_954, %get3A_943, %get3A_951 : vector<16xi1>, vector<16xf32>
        %add3A_956 = arith.constant 96 : i32
        %add3A_957 = arith.addi %add3A_956, %scan3A_732 : i32
        %swap3A_958 = arith.constant 0 : i32
        %swap3A_959 = arith.constant 0 : i32
        %swap3A_960 = tpu.memref_slice %arg10[%swap3A_958, %add3A_957, %swap3A_959] : memref<2x128x200xf32, #tpu.memory_space<vmem>> -> memref<1x1x200xf32, #tpu.memory_space<vmem>>
        %swap3A_961 = tpu.memref_squeeze %swap3A_960 : memref<1x1x200xf32, #tpu.memory_space<vmem>> -> memref<200xf32, #tpu.memory_space<vmem>>
        %swap3A_962 = arith.constant 0 : index
        %swap3A_963 = tpu.vector_load %swap3A_961[%swap3A_962] {strides = array<i32>} : memref<200xf32, #tpu.memory_space<vmem>>, vector<16xf32>,
        tpu.vector_store %swap3A_961[%swap3A_962], %select_n3A_955 {strides = array<i32>} : memref<200xf32, #tpu.memory_space<vmem>>, vector<16xf32>,
      }
      %scan3A_403 = arith.constant 32 : i32
      %add3A_404 = arith.addi %mul3A_2, %add3A_348 : i32
      %mul3A_405 = arith.constant 32 : i32
      %mul3A_406 = arith.muli %add3A_404, %mul3A_405 : i32
      %dma_start3A_407 = arith.constant 0 : i32
      %dma_start3A_408 = arith.constant 0 : i32
      %dma_start3A_409 = arith.constant 0 : i32
      %dma_start3A_410 = tpu.memref_slice %arg8[%dma_start3A_407, %dma_start3A_408, %dma_start3A_409] : memref<2x32x304xf32, #tpu.memory_space<vmem>> -> memref<1x32x288xf32, #tpu.memory_space<vmem>>
      %dma_start3A_411 = tpu.memref_squeeze %dma_start3A_410 : memref<1x32x288xf32, #tpu.memory_space<vmem>> -> memref<32x288xf32, #tpu.memory_space<vmem>>
      %dma_start3A_412 = arith.constant 0 : i32
      %dma_start3A_413 = tpu.memref_slice %arg6[%mul3A_406, %dma_start3A_412] : memref<196608x1111xf32, #tpu.memory_space<hbm>> -> memref<32x288xf32, #tpu.memory_space<hbm>>
      %dma_start3A_414 = arith.constant 0 : i32
      %dma_start3A_415 = tpu.memref_slice %arg6[%mul3A_406, %dma_start3A_414] : memref<196608x1111xf32, #tpu.memory_space<hbm>> -> memref<32x288xf32, #tpu.memory_space<hbm>>
      %dma_start3A_416 = arith.constant 0 : i32
      %dma_start3A_417 = arith.constant 0 : i32
      %dma_start3A_418 = tpu.memref_slice %arg8[%dma_start3A_407, %dma_start3A_416, %dma_start3A_417] : memref<2x32x304xf32, #tpu.memory_space<vmem>> -> memref<1x32x288xf32, #tpu.memory_space<vmem>>
      %dma_start3A_419 = tpu.memref_squeeze %dma_start3A_418 : memref<1x32x288xf32, #tpu.memory_space<vmem>> -> memref<32x288xf32, #tpu.memory_space<vmem>>
      tpu.enqueue_dma source(%dma_start3A_419 : memref<32x288xf32, #tpu.memory_space<vmem>>) target(%dma_start3A_415 : memref<32x288xf32, #tpu.memory_space<hbm>>) target_semaphore(%arg14 : memref<!tpu.dma_semaphore, #tpu.memory_space<semaphore_mem>>)
      %dma_start3A_420 = arith.constant 0 : i32
      %dma_start3A_421 = arith.constant 0 : i32
      %dma_start3A_422 = arith.constant 0 : i32
      %dma_start3A_423 = tpu.memref_slice %arg9[%dma_start3A_420, %dma_start3A_421, %dma_start3A_422] : memref<2x128x72xf32, #tpu.memory_space<vmem>> -> memref<1x32x48xf32, #tpu.memory_space<vmem>>
      %dma_start3A_424 = tpu.memref_squeeze %dma_start3A_423 : memref<1x32x48xf32, #tpu.memory_space<vmem>> -> memref<32x48xf32, #tpu.memory_space<vmem>>
      %dma_start3A_425 = arith.constant 288 : i32
      %dma_start3A_426 = tpu.memref_slice %arg6[%mul3A_406, %dma_start3A_425] : memref<196608x1111xf32, #tpu.memory_space<hbm>> -> memref<32x48xf32, #tpu.memory_space<hbm>>
      %dma_start3A_427 = arith.constant 288 : i32
      %dma_start3A_428 = tpu.memref_slice %arg6[%mul3A_406, %dma_start3A_427] : memref<196608x1111xf32, #tpu.memory_space<hbm>> -> memref<32x48xf32, #tpu.memory_space<hbm>>
      %dma_start3A_429 = arith.constant 0 : i32
      %dma_start3A_430 = arith.constant 0 : i32
      %dma_start3A_431 = tpu.memref_slice %arg9[%dma_start3A_420, %dma_start3A_429, %dma_start3A_430] : memref<2x128x72xf32, #tpu.memory_space<vmem>> -> memref<1x32x48xf32, #tpu.memory_space<vmem>>
      %dma_start3A_432 = tpu.memref_squeeze %dma_start3A_431 : memref<1x32x48xf32, #tpu.memory_space<vmem>> -> memref<32x48xf32, #tpu.memory_space<vmem>>
      tpu.enqueue_dma source(%dma_start3A_432 : memref<32x48xf32, #tpu.memory_space<vmem>>) target(%dma_start3A_428 : memref<32x48xf32, #tpu.memory_space<hbm>>) target_semaphore(%arg14 : memref<!tpu.dma_semaphore, #tpu.memory_space<semaphore_mem>>)
      %dma_start3A_433 = arith.constant 0 : i32
      %dma_start3A_434 = arith.constant 32 : i32
      %dma_start3A_435 = arith.constant 0 : i32
      %dma_start3A_436 = tpu.memref_slice %arg9[%dma_start3A_433, %dma_start3A_434, %dma_start3A_435] : memref<2x128x72xf32, #tpu.memory_space<vmem>> -> memref<1x32x56xf32, #tpu.memory_space<vmem>>
      %dma_start3A_437 = tpu.memref_squeeze %dma_start3A_436 : memref<1x32x56xf32, #tpu.memory_space<vmem>> -> memref<32x56xf32, #tpu.memory_space<vmem>>
      %dma_start3A_438 = arith.constant 336 : i32
      %dma_start3A_439 = tpu.memref_slice %arg6[%mul3A_406, %dma_start3A_438] : memref<196608x1111xf32, #tpu.memory_space<hbm>> -> memref<32x56xf32, #tpu.memory_space<hbm>>
      %dma_start3A_440 = arith.constant 336 : i32
      %dma_start3A_441 = tpu.memref_slice %arg6[%mul3A_406, %dma_start3A_440] : memref<196608x1111xf32, #tpu.memory_space<hbm>> -> memref<32x56xf32, #tpu.memory_space<hbm>>
      %dma_start3A_442 = arith.constant 32 : i32
      %dma_start3A_443 = arith.constant 0 : i32
      %dma_start3A_444 = tpu.memref_slice %arg9[%dma_start3A_433, %dma_start3A_442, %dma_start3A_443] : memref<2x128x72xf32, #tpu.memory_space<vmem>> -> memref<1x32x56xf32, #tpu.memory_space<vmem>>
      %dma_start3A_445 = tpu.memref_squeeze %dma_start3A_444 : memref<1x32x56xf32, #tpu.memory_space<vmem>> -> memref<32x56xf32, #tpu.memory_space<vmem>>
      tpu.enqueue_dma source(%dma_start3A_445 : memref<32x56xf32, #tpu.memory_space<vmem>>) target(%dma_start3A_441 : memref<32x56xf32, #tpu.memory_space<hbm>>) target_semaphore(%arg14 : memref<!tpu.dma_semaphore, #tpu.memory_space<semaphore_mem>>)
      %dma_start3A_446 = arith.constant 0 : i32
      %dma_start3A_447 = arith.constant 64 : i32
      %dma_start3A_448 = arith.constant 0 : i32
      %dma_start3A_449 = tpu.memref_slice %arg9[%dma_start3A_446, %dma_start3A_447, %dma_start3A_448] : memref<2x128x72xf32, #tpu.memory_space<vmem>> -> memref<1x32x48xf32, #tpu.memory_space<vmem>>
      %dma_start3A_450 = tpu.memref_squeeze %dma_start3A_449 : memref<1x32x48xf32, #tpu.memory_space<vmem>> -> memref<32x48xf32, #tpu.memory_space<vmem>>
      %dma_start3A_451 = arith.constant 392 : i32
      %dma_start3A_452 = tpu.memref_slice %arg6[%mul3A_406, %dma_start3A_451] : memref<196608x1111xf32, #tpu.memory_space<hbm>> -> memref<32x48xf32, #tpu.memory_space<hbm>>
      %dma_start3A_453 = arith.constant 392 : i32
      %dma_start3A_454 = tpu.memref_slice %arg6[%mul3A_406, %dma_start3A_453] : memref<196608x1111xf32, #tpu.memory_space<hbm>> -> memref<32x48xf32, #tpu.memory_space<hbm>>
      %dma_start3A_455 = arith.constant 64 : i32
      %dma_start3A_456 = arith.constant 0 : i32
      %dma_start3A_457 = tpu.memref_slice %arg9[%dma_start3A_446, %dma_start3A_455, %dma_start3A_456] : memref<2x128x72xf32, #tpu.memory_space<vmem>> -> memref<1x32x48xf32, #tpu.memory_space<vmem>>
      %dma_start3A_458 = tpu.memref_squeeze %dma_start3A_457 : memref<1x32x48xf32, #tpu.memory_space<vmem>> -> memref<32x48xf32, #tpu.memory_space<vmem>>
      tpu.enqueue_dma source(%dma_start3A_458 : memref<32x48xf32, #tpu.memory_space<vmem>>) target(%dma_start3A_454 : memref<32x48xf32, #tpu.memory_space<hbm>>) target_semaphore(%arg14 : memref<!tpu.dma_semaphore, #tpu.memory_space<semaphore_mem>>)
      %dma_start3A_459 = arith.constant 0 : i32
      %dma_start3A_460 = arith.constant 96 : i32
      %dma_start3A_461 = arith.constant 0 : i32
      %dma_start3A_462 = tpu.memref_slice %arg9[%dma_start3A_459, %dma_start3A_460, %dma_start3A_461] : memref<2x128x72xf32, #tpu.memory_space<vmem>> -> memref<1x32x48xf32, #tpu.memory_space<vmem>>
      %dma_start3A_463 = tpu.memref_squeeze %dma_start3A_462 : memref<1x32x48xf32, #tpu.memory_space<vmem>> -> memref<32x48xf32, #tpu.memory_space<vmem>>
      %dma_start3A_464 = arith.constant 440 : i32
      %dma_start3A_465 = tpu.memref_slice %arg6[%mul3A_406, %dma_start3A_464] : memref<196608x1111xf32, #tpu.memory_space<hbm>> -> memref<32x48xf32, #tpu.memory_space<hbm>>
      %dma_start3A_466 = arith.constant 440 : i32
      %dma_start3A_467 = tpu.memref_slice %arg6[%mul3A_406, %dma_start3A_466] : memref<196608x1111xf32, #tpu.memory_space<hbm>> -> memref<32x48xf32, #tpu.memory_space<hbm>>
      %dma_start3A_468 = arith.constant 96 : i32
      %dma_start3A_469 = arith.constant 0 : i32
      %dma_start3A_470 = tpu.memref_slice %arg9[%dma_start3A_459, %dma_start3A_468, %dma_start3A_469] : memref<2x128x72xf32, #tpu.memory_space<vmem>> -> memref<1x32x48xf32, #tpu.memory_space<vmem>>
      %dma_start3A_471 = tpu.memref_squeeze %dma_start3A_470 : memref<1x32x48xf32, #tpu.memory_space<vmem>> -> memref<32x48xf32, #tpu.memory_space<vmem>>
      tpu.enqueue_dma source(%dma_start3A_471 : memref<32x48xf32, #tpu.memory_space<vmem>>) target(%dma_start3A_467 : memref<32x48xf32, #tpu.memory_space<hbm>>) target_semaphore(%arg14 : memref<!tpu.dma_semaphore, #tpu.memory_space<semaphore_mem>>)
      %dma_start3A_472 = arith.constant 0 : i32
      %dma_start3A_473 = arith.constant 0 : i32
      %dma_start3A_474 = arith.constant 0 : i32
      %dma_start3A_475 = tpu.memref_slice %arg10[%dma_start3A_472, %dma_start3A_473, %dma_start3A_474] : memref<2x128x200xf32, #tpu.memory_space<vmem>> -> memref<1x32x160xf32, #tpu.memory_space<vmem>>
      %dma_start3A_476 = tpu.memref_squeeze %dma_start3A_475 : memref<1x32x160xf32, #tpu.memory_space<vmem>> -> memref<32x160xf32, #tpu.memory_space<vmem>>
      %dma_start3A_477 = arith.constant 488 : i32
      %dma_start3A_478 = tpu.memref_slice %arg6[%mul3A_406, %dma_start3A_477] : memref<196608x1111xf32, #tpu.memory_space<hbm>> -> memref<32x160xf32, #tpu.memory_space<hbm>>
      %dma_start3A_479 = arith.constant 488 : i32
      %dma_start3A_480 = tpu.memref_slice %arg6[%mul3A_406, %dma_start3A_479] : memref<196608x1111xf32, #tpu.memory_space<hbm>> -> memref<32x160xf32, #tpu.memory_space<hbm>>
      %dma_start3A_481 = arith.constant 0 : i32
      %dma_start3A_482 = arith.constant 0 : i32
      %dma_start3A_483 = tpu.memref_slice %arg10[%dma_start3A_472, %dma_start3A_481, %dma_start3A_482] : memref<2x128x200xf32, #tpu.memory_space<vmem>> -> memref<1x32x160xf32, #tpu.memory_space<vmem>>
      %dma_start3A_484 = tpu.memref_squeeze %dma_start3A_483 : memref<1x32x160xf32, #tpu.memory_space<vmem>> -> memref<32x160xf32, #tpu.memory_space<vmem>>
      tpu.enqueue_dma source(%dma_start3A_484 : memref<32x160xf32, #tpu.memory_space<vmem>>) target(%dma_start3A_480 : memref<32x160xf32, #tpu.memory_space<hbm>>) target_semaphore(%arg14 : memref<!tpu.dma_semaphore, #tpu.memory_space<semaphore_mem>>)
      %dma_start3A_485 = arith.constant 0 : i32
      %dma_start3A_486 = arith.constant 32 : i32
      %dma_start3A_487 = arith.constant 0 : i32
      %dma_start3A_488 = tpu.memref_slice %arg10[%dma_start3A_485, %dma_start3A_486, %dma_start3A_487] : memref<2x128x200xf32, #tpu.memory_space<vmem>> -> memref<1x32x152xf32, #tpu.memory_space<vmem>>
      %dma_start3A_489 = tpu.memref_squeeze %dma_start3A_488 : memref<1x32x152xf32, #tpu.memory_space<vmem>> -> memref<32x152xf32, #tpu.memory_space<vmem>>
      %dma_start3A_490 = arith.constant 648 : i32
      %dma_start3A_491 = tpu.memref_slice %arg6[%mul3A_406, %dma_start3A_490] : memref<196608x1111xf32, #tpu.memory_space<hbm>> -> memref<32x152xf32, #tpu.memory_space<hbm>>
      %dma_start3A_492 = arith.constant 648 : i32
      %dma_start3A_493 = tpu.memref_slice %arg6[%mul3A_406, %dma_start3A_492] : memref<196608x1111xf32, #tpu.memory_space<hbm>> -> memref<32x152xf32, #tpu.memory_space<hbm>>
      %dma_start3A_494 = arith.constant 32 : i32
      %dma_start3A_495 = arith.constant 0 : i32
      %dma_start3A_496 = tpu.memref_slice %arg10[%dma_start3A_485, %dma_start3A_494, %dma_start3A_495] : memref<2x128x200xf32, #tpu.memory_space<vmem>> -> memref<1x32x152xf32, #tpu.memory_space<vmem>>
      %dma_start3A_497 = tpu.memref_squeeze %dma_start3A_496 : memref<1x32x152xf32, #tpu.memory_space<vmem>> -> memref<32x152xf32, #tpu.memory_space<vmem>>
      tpu.enqueue_dma source(%dma_start3A_497 : memref<32x152xf32, #tpu.memory_space<vmem>>) target(%dma_start3A_493 : memref<32x152xf32, #tpu.memory_space<hbm>>) target_semaphore(%arg14 : memref<!tpu.dma_semaphore, #tpu.memory_space<semaphore_mem>>)
      %dma_start3A_498 = arith.constant 0 : i32
      %dma_start3A_499 = arith.constant 64 : i32
      %dma_start3A_500 = arith.constant 0 : i32
      %dma_start3A_501 = tpu.memref_slice %arg10[%dma_start3A_498, %dma_start3A_499, %dma_start3A_500] : memref<2x128x200xf32, #tpu.memory_space<vmem>> -> memref<1x32x152xf32, #tpu.memory_space<vmem>>
      %dma_start3A_502 = tpu.memref_squeeze %dma_start3A_501 : memref<1x32x152xf32, #tpu.memory_space<vmem>> -> memref<32x152xf32, #tpu.memory_space<vmem>>
      %dma_start3A_503 = arith.constant 800 : i32
      %dma_start3A_504 = tpu.memref_slice %arg6[%mul3A_406, %dma_start3A_503] : memref<196608x1111xf32, #tpu.memory_space<hbm>> -> memref<32x152xf32, #tpu.memory_space<hbm>>
      %dma_start3A_505 = arith.constant 800 : i32
      %dma_start3A_506 = tpu.memref_slice %arg6[%mul3A_406, %dma_start3A_505] : memref<196608x1111xf32, #tpu.memory_space<hbm>> -> memref<32x152xf32, #tpu.memory_space<hbm>>
      %dma_start3A_507 = arith.constant 64 : i32
      %dma_start3A_508 = arith.constant 0 : i32
      %dma_start3A_509 = tpu.memref_slice %arg10[%dma_start3A_498, %dma_start3A_507, %dma_start3A_508] : memref<2x128x200xf32, #tpu.memory_space<vmem>> -> memref<1x32x152xf32, #tpu.memory_space<vmem>>
      %dma_start3A_510 = tpu.memref_squeeze %dma_start3A_509 : memref<1x32x152xf32, #tpu.memory_space<vmem>> -> memref<32x152xf32, #tpu.memory_space<vmem>>
      tpu.enqueue_dma source(%dma_start3A_510 : memref<32x152xf32, #tpu.memory_space<vmem>>) target(%dma_start3A_506 : memref<32x152xf32, #tpu.memory_space<hbm>>) target_semaphore(%arg14 : memref<!tpu.dma_semaphore, #tpu.memory_space<semaphore_mem>>)
      %dma_start3A_511 = arith.constant 0 : i32
      %dma_start3A_512 = arith.constant 96 : i32
      %dma_start3A_513 = arith.constant 0 : i32
      %dma_start3A_514 = tpu.memref_slice %arg10[%dma_start3A_511, %dma_start3A_512, %dma_start3A_513] : memref<2x128x200xf32, #tpu.memory_space<vmem>> -> memref<1x32x152xf32, #tpu.memory_space<vmem>>
      %dma_start3A_515 = tpu.memref_squeeze %dma_start3A_514 : memref<1x32x152xf32, #tpu.memory_space<vmem>> -> memref<32x152xf32, #tpu.memory_space<vmem>>
      %dma_start3A_516 = arith.constant 952 : i32
      %dma_start3A_517 = tpu.memref_slice %arg6[%mul3A_406, %dma_start3A_516] : memref<196608x1111xf32, #tpu.memory_space<hbm>> -> memref<32x152xf32, #tpu.memory_space<hbm>>
      %dma_start3A_518 = arith.constant 952 : i32
      %dma_start3A_519 = tpu.memref_slice %arg6[%mul3A_406, %dma_start3A_518] : memref<196608x1111xf32, #tpu.memory_space<hbm>> -> memref<32x152xf32, #tpu.memory_space<hbm>>
      %dma_start3A_520 = arith.constant 96 : i32
      %dma_start3A_521 = arith.constant 0 : i32
      %dma_start3A_522 = tpu.memref_slice %arg10[%dma_start3A_511, %dma_start3A_520, %dma_start3A_521] : memref<2x128x200xf32, #tpu.memory_space<vmem>> -> memref<1x32x152xf32, #tpu.memory_space<vmem>>
      %dma_start3A_523 = tpu.memref_squeeze %dma_start3A_522 : memref<1x32x152xf32, #tpu.memory_space<vmem>> -> memref<32x152xf32, #tpu.memory_space<vmem>>
      tpu.enqueue_dma source(%dma_start3A_523 : memref<32x152xf32, #tpu.memory_space<vmem>>) target(%dma_start3A_519 : memref<32x152xf32, #tpu.memory_space<hbm>>) target_semaphore(%arg14 : memref<!tpu.dma_semaphore, #tpu.memory_space<semaphore_mem>>)
      %dma_start3A_524 = arith.constant 0 : i32
      %dma_start3A_525 = arith.constant 0 : i32
      %dma_start3A_526 = arith.constant 152 : i32
      %dma_start3A_527 = tpu.memref_slice %arg11[%dma_start3A_524, %dma_start3A_525, %dma_start3A_526] : memref<2x32x159xf32, #tpu.memory_space<vmem>> -> memref<1x32x7xf32, #tpu.memory_space<vmem>>
      %dma_start3A_528 = tpu.memref_squeeze %dma_start3A_527 : memref<1x32x7xf32, #tpu.memory_space<vmem>> -> memref<32x7xf32, #tpu.memory_space<vmem>>
      %dma_start3A_529 = arith.constant 1104 : i32
      %dma_start3A_530 = tpu.memref_slice %arg6[%mul3A_406, %dma_start3A_529] : memref<196608x1111xf32, #tpu.memory_space<hbm>> -> memref<32x7xf32, #tpu.memory_space<hbm>>
      %dma_start3A_531 = arith.constant 1104 : i32
      %dma_start3A_532 = tpu.memref_slice %arg6[%mul3A_406, %dma_start3A_531] : memref<196608x1111xf32, #tpu.memory_space<hbm>> -> memref<32x7xf32, #tpu.memory_space<hbm>>
      %dma_start3A_533 = arith.constant 0 : i32
      %dma_start3A_534 = arith.constant 152 : i32
      %dma_start3A_535 = tpu.memref_slice %arg11[%dma_start3A_524, %dma_start3A_533, %dma_start3A_534] : memref<2x32x159xf32, #tpu.memory_space<vmem>> -> memref<1x32x7xf32, #tpu.memory_space<vmem>>
      %dma_start3A_536 = tpu.memref_squeeze %dma_start3A_535 : memref<1x32x7xf32, #tpu.memory_space<vmem>> -> memref<32x7xf32, #tpu.memory_space<vmem>>
      tpu.enqueue_dma source(%dma_start3A_536 : memref<32x7xf32, #tpu.memory_space<vmem>>) target(%dma_start3A_532 : memref<32x7xf32, #tpu.memory_space<hbm>>) target_semaphore(%arg14 : memref<!tpu.dma_semaphore, #tpu.memory_space<semaphore_mem>>)
      %mul3A_537 = arith.constant 2 : i32
      %mul3A_538 = arith.muli %mul3A_537, %scan3A_344 : i32
      %add3A_539 = arith.constant 1 : i32
      %add3A_540 = arith.addi %mul3A_538, %add3A_539 : i32
      %add3A_541 = arith.constant 1 : i32
      %add3A_542 = arith.addi %add3A_540, %add3A_541 : i32
      %lt3A_543 = arith.constant 192 : i32
      %lt3A_544 = arith.cmpi slt, %add3A_542, %lt3A_543 : i32
      %convert_element_type3A_545 = arith.extui %lt3A_544 : i1 to i32
      %cond3A_546 = arith.constant 0 : i32
      %cond3A_547 = arith.cmpi ne, %convert_element_type3A_545, %cond3A_546 : i32
      scf.if %cond3A_547 {
        %dma_wait3A_732 = arith.constant 0 : i32
        %dma_wait3A_733 = arith.constant 0 : i32
        %dma_wait3A_734 = arith.constant 0 : i32
        %dma_wait3A_735 = tpu.memref_slice %arg8[%dma_wait3A_732, %dma_wait3A_733, %dma_wait3A_734] : memref<2x32x304xf32, #tpu.memory_space<vmem>> -> memref<1x32x288xf32, #tpu.memory_space<vmem>>
        %dma_wait3A_736 = tpu.memref_squeeze %dma_wait3A_735 : memref<1x32x288xf32, #tpu.memory_space<vmem>> -> memref<32x288xf32, #tpu.memory_space<vmem>>
        %dma_wait3A_737 = arith.constant 0 : i32
        %dma_wait3A_738 = arith.constant 0 : i32
        %dma_wait3A_739 = tpu.memref_slice %arg6[%dma_wait3A_737, %dma_wait3A_738] : memref<196608x1111xf32, #tpu.memory_space<hbm>> -> memref<32x288xf32, #tpu.memory_space<hbm>>
        %dma_wait3A_740 = arith.constant 0 : i32
        %dma_wait3A_741 = arith.constant 0 : i32
        %dma_wait3A_742 = tpu.memref_slice %arg6[%dma_wait3A_740, %dma_wait3A_741] : memref<196608x1111xf32, #tpu.memory_space<hbm>> -> memref<32x288xf32, #tpu.memory_space<hbm>>
        %dma_wait3A_743 = arith.constant 0 : i32
        %dma_wait3A_744 = arith.constant 0 : i32
        %dma_wait3A_745 = tpu.memref_slice %arg8[%dma_wait3A_732, %dma_wait3A_743, %dma_wait3A_744] : memref<2x32x304xf32, #tpu.memory_space<vmem>> -> memref<1x32x288xf32, #tpu.memory_space<vmem>>
        %dma_wait3A_746 = tpu.memref_squeeze %dma_wait3A_745 : memref<1x32x288xf32, #tpu.memory_space<vmem>> -> memref<32x288xf32, #tpu.memory_space<vmem>>
        tpu.wait_dma2 semaphore(%arg14 : memref<!tpu.dma_semaphore, #tpu.memory_space<semaphore_mem>>) src(%dma_wait3A_746 : memref<32x288xf32, #tpu.memory_space<vmem>>) dst(%dma_wait3A_742 : memref<32x288xf32, #tpu.memory_space<hbm>>)
        %dma_wait3A_747 = arith.constant 0 : i32
        %dma_wait3A_748 = arith.constant 0 : i32
        %dma_wait3A_749 = arith.constant 0 : i32
        %dma_wait3A_750 = tpu.memref_slice %arg9[%dma_wait3A_747, %dma_wait3A_748, %dma_wait3A_749] : memref<2x128x72xf32, #tpu.memory_space<vmem>> -> memref<1x32x48xf32, #tpu.memory_space<vmem>>
        %dma_wait3A_751 = tpu.memref_squeeze %dma_wait3A_750 : memref<1x32x48xf32, #tpu.memory_space<vmem>> -> memref<32x48xf32, #tpu.memory_space<vmem>>
        %dma_wait3A_752 = arith.constant 0 : i32
        %dma_wait3A_753 = arith.constant 288 : i32
        %dma_wait3A_754 = tpu.memref_slice %arg6[%dma_wait3A_752, %dma_wait3A_753] : memref<196608x1111xf32, #tpu.memory_space<hbm>> -> memref<32x48xf32, #tpu.memory_space<hbm>>
        %dma_wait3A_755 = arith.constant 0 : i32
        %dma_wait3A_756 = arith.constant 288 : i32
        %dma_wait3A_757 = tpu.memref_slice %arg6[%dma_wait3A_755, %dma_wait3A_756] : memref<196608x1111xf32, #tpu.memory_space<hbm>> -> memref<32x48xf32, #tpu.memory_space<hbm>>
        %dma_wait3A_758 = arith.constant 0 : i32
        %dma_wait3A_759 = arith.constant 0 : i32
        %dma_wait3A_760 = tpu.memref_slice %arg9[%dma_wait3A_747, %dma_wait3A_758, %dma_wait3A_759] : memref<2x128x72xf32, #tpu.memory_space<vmem>> -> memref<1x32x48xf32, #tpu.memory_space<vmem>>
        %dma_wait3A_761 = tpu.memref_squeeze %dma_wait3A_760 : memref<1x32x48xf32, #tpu.memory_space<vmem>> -> memref<32x48xf32, #tpu.memory_space<vmem>>
        tpu.wait_dma2 semaphore(%arg14 : memref<!tpu.dma_semaphore, #tpu.memory_space<semaphore_mem>>) src(%dma_wait3A_761 : memref<32x48xf32, #tpu.memory_space<vmem>>) dst(%dma_wait3A_757 : memref<32x48xf32, #tpu.memory_space<hbm>>)
        %dma_wait3A_762 = arith.constant 0 : i32
        %dma_wait3A_763 = arith.constant 32 : i32
        %dma_wait3A_764 = arith.constant 0 : i32
        %dma_wait3A_765 = tpu.memref_slice %arg9[%dma_wait3A_762, %dma_wait3A_763, %dma_wait3A_764] : memref<2x128x72xf32, #tpu.memory_space<vmem>> -> memref<1x32x56xf32, #tpu.memory_space<vmem>>
        %dma_wait3A_766 = tpu.memref_squeeze %dma_wait3A_765 : memref<1x32x56xf32, #tpu.memory_space<vmem>> -> memref<32x56xf32, #tpu.memory_space<vmem>>
        %dma_wait3A_767 = arith.constant 0 : i32
        %dma_wait3A_768 = arith.constant 336 : i32
        %dma_wait3A_769 = tpu.memref_slice %arg6[%dma_wait3A_767, %dma_wait3A_768] : memref<196608x1111xf32, #tpu.memory_space<hbm>> -> memref<32x56xf32, #tpu.memory_space<hbm>>
        %dma_wait3A_770 = arith.constant 0 : i32
        %dma_wait3A_771 = arith.constant 336 : i32
        %dma_wait3A_772 = tpu.memref_slice %arg6[%dma_wait3A_770, %dma_wait3A_771] : memref<196608x1111xf32, #tpu.memory_space<hbm>> -> memref<32x56xf32, #tpu.memory_space<hbm>>
        %dma_wait3A_773 = arith.constant 32 : i32
        %dma_wait3A_774 = arith.constant 0 : i32
        %dma_wait3A_775 = tpu.memref_slice %arg9[%dma_wait3A_762, %dma_wait3A_773, %dma_wait3A_774] : memref<2x128x72xf32, #tpu.memory_space<vmem>> -> memref<1x32x56xf32, #tpu.memory_space<vmem>>
        %dma_wait3A_776 = tpu.memref_squeeze %dma_wait3A_775 : memref<1x32x56xf32, #tpu.memory_space<vmem>> -> memref<32x56xf32, #tpu.memory_space<vmem>>
        tpu.wait_dma2 semaphore(%arg14 : memref<!tpu.dma_semaphore, #tpu.memory_space<semaphore_mem>>) src(%dma_wait3A_776 : memref<32x56xf32, #tpu.memory_space<vmem>>) dst(%dma_wait3A_772 : memref<32x56xf32, #tpu.memory_space<hbm>>)
        %dma_wait3A_777 = arith.constant 0 : i32
        %dma_wait3A_778 = arith.constant 64 : i32
        %dma_wait3A_779 = arith.constant 0 : i32
        %dma_wait3A_780 = tpu.memref_slice %arg9[%dma_wait3A_777, %dma_wait3A_778, %dma_wait3A_779] : memref<2x128x72xf32, #tpu.memory_space<vmem>> -> memref<1x32x48xf32, #tpu.memory_space<vmem>>
        %dma_wait3A_781 = tpu.memref_squeeze %dma_wait3A_780 : memref<1x32x48xf32, #tpu.memory_space<vmem>> -> memref<32x48xf32, #tpu.memory_space<vmem>>
        %dma_wait3A_782 = arith.constant 0 : i32
        %dma_wait3A_783 = arith.constant 392 : i32
        %dma_wait3A_784 = tpu.memref_slice %arg6[%dma_wait3A_782, %dma_wait3A_783] : memref<196608x1111xf32, #tpu.memory_space<hbm>> -> memref<32x48xf32, #tpu.memory_space<hbm>>
        %dma_wait3A_785 = arith.constant 0 : i32
        %dma_wait3A_786 = arith.constant 392 : i32
        %dma_wait3A_787 = tpu.memref_slice %arg6[%dma_wait3A_785, %dma_wait3A_786] : memref<196608x1111xf32, #tpu.memory_space<hbm>> -> memref<32x48xf32, #tpu.memory_space<hbm>>
        %dma_wait3A_788 = arith.constant 64 : i32
        %dma_wait3A_789 = arith.constant 0 : i32
        %dma_wait3A_790 = tpu.memref_slice %arg9[%dma_wait3A_777, %dma_wait3A_788, %dma_wait3A_789] : memref<2x128x72xf32, #tpu.memory_space<vmem>> -> memref<1x32x48xf32, #tpu.memory_space<vmem>>
        %dma_wait3A_791 = tpu.memref_squeeze %dma_wait3A_790 : memref<1x32x48xf32, #tpu.memory_space<vmem>> -> memref<32x48xf32, #tpu.memory_space<vmem>>
        tpu.wait_dma2 semaphore(%arg14 : memref<!tpu.dma_semaphore, #tpu.memory_space<semaphore_mem>>) src(%dma_wait3A_791 : memref<32x48xf32, #tpu.memory_space<vmem>>) dst(%dma_wait3A_787 : memref<32x48xf32, #tpu.memory_space<hbm>>)
        %dma_wait3A_792 = arith.constant 0 : i32
        %dma_wait3A_793 = arith.constant 96 : i32
        %dma_wait3A_794 = arith.constant 0 : i32
        %dma_wait3A_795 = tpu.memref_slice %arg9[%dma_wait3A_792, %dma_wait3A_793, %dma_wait3A_794] : memref<2x128x72xf32, #tpu.memory_space<vmem>> -> memref<1x32x48xf32, #tpu.memory_space<vmem>>
        %dma_wait3A_796 = tpu.memref_squeeze %dma_wait3A_795 : memref<1x32x48xf32, #tpu.memory_space<vmem>> -> memref<32x48xf32, #tpu.memory_space<vmem>>
        %dma_wait3A_797 = arith.constant 0 : i32
        %dma_wait3A_798 = arith.constant 440 : i32
        %dma_wait3A_799 = tpu.memref_slice %arg6[%dma_wait3A_797, %dma_wait3A_798] : memref<196608x1111xf32, #tpu.memory_space<hbm>> -> memref<32x48xf32, #tpu.memory_space<hbm>>
        %dma_wait3A_800 = arith.constant 0 : i32
        %dma_wait3A_801 = arith.constant 440 : i32
        %dma_wait3A_802 = tpu.memref_slice %arg6[%dma_wait3A_800, %dma_wait3A_801] : memref<196608x1111xf32, #tpu.memory_space<hbm>> -> memref<32x48xf32, #tpu.memory_space<hbm>>
        %dma_wait3A_803 = arith.constant 96 : i32
        %dma_wait3A_804 = arith.constant 0 : i32
        %dma_wait3A_805 = tpu.memref_slice %arg9[%dma_wait3A_792, %dma_wait3A_803, %dma_wait3A_804] : memref<2x128x72xf32, #tpu.memory_space<vmem>> -> memref<1x32x48xf32, #tpu.memory_space<vmem>>
        %dma_wait3A_806 = tpu.memref_squeeze %dma_wait3A_805 : memref<1x32x48xf32, #tpu.memory_space<vmem>> -> memref<32x48xf32, #tpu.memory_space<vmem>>
        tpu.wait_dma2 semaphore(%arg14 : memref<!tpu.dma_semaphore, #tpu.memory_space<semaphore_mem>>) src(%dma_wait3A_806 : memref<32x48xf32, #tpu.memory_space<vmem>>) dst(%dma_wait3A_802 : memref<32x48xf32, #tpu.memory_space<hbm>>)
        %dma_wait3A_807 = arith.constant 0 : i32
        %dma_wait3A_808 = arith.constant 0 : i32
        %dma_wait3A_809 = arith.constant 0 : i32
        %dma_wait3A_810 = tpu.memref_slice %arg10[%dma_wait3A_807, %dma_wait3A_808, %dma_wait3A_809] : memref<2x128x200xf32, #tpu.memory_space<vmem>> -> memref<1x32x160xf32, #tpu.memory_space<vmem>>
        %dma_wait3A_811 = tpu.memref_squeeze %dma_wait3A_810 : memref<1x32x160xf32, #tpu.memory_space<vmem>> -> memref<32x160xf32, #tpu.memory_space<vmem>>
        %dma_wait3A_812 = arith.constant 0 : i32
        %dma_wait3A_813 = arith.constant 488 : i32
        %dma_wait3A_814 = tpu.memref_slice %arg6[%dma_wait3A_812, %dma_wait3A_813] : memref<196608x1111xf32, #tpu.memory_space<hbm>> -> memref<32x160xf32, #tpu.memory_space<hbm>>
        %dma_wait3A_815 = arith.constant 0 : i32
        %dma_wait3A_816 = arith.constant 488 : i32
        %dma_wait3A_817 = tpu.memref_slice %arg6[%dma_wait3A_815, %dma_wait3A_816] : memref<196608x1111xf32, #tpu.memory_space<hbm>> -> memref<32x160xf32, #tpu.memory_space<hbm>>
        %dma_wait3A_818 = arith.constant 0 : i32
        %dma_wait3A_819 = arith.constant 0 : i32
        %dma_wait3A_820 = tpu.memref_slice %arg10[%dma_wait3A_807, %dma_wait3A_818, %dma_wait3A_819] : memref<2x128x200xf32, #tpu.memory_space<vmem>> -> memref<1x32x160xf32, #tpu.memory_space<vmem>>
        %dma_wait3A_821 = tpu.memref_squeeze %dma_wait3A_820 : memref<1x32x160xf32, #tpu.memory_space<vmem>> -> memref<32x160xf32, #tpu.memory_space<vmem>>
        tpu.wait_dma2 semaphore(%arg14 : memref<!tpu.dma_semaphore, #tpu.memory_space<semaphore_mem>>) src(%dma_wait3A_821 : memref<32x160xf32, #tpu.memory_space<vmem>>) dst(%dma_wait3A_817 : memref<32x160xf32, #tpu.memory_space<hbm>>)
        %dma_wait3A_822 = arith.constant 0 : i32
        %dma_wait3A_823 = arith.constant 32 : i32
        %dma_wait3A_824 = arith.constant 0 : i32
        %dma_wait3A_825 = tpu.memref_slice %arg10[%dma_wait3A_822, %dma_wait3A_823, %dma_wait3A_824] : memref<2x128x200xf32, #tpu.memory_space<vmem>> -> memref<1x32x152xf32, #tpu.memory_space<vmem>>
        %dma_wait3A_826 = tpu.memref_squeeze %dma_wait3A_825 : memref<1x32x152xf32, #tpu.memory_space<vmem>> -> memref<32x152xf32, #tpu.memory_space<vmem>>
        %dma_wait3A_827 = arith.constant 0 : i32
        %dma_wait3A_828 = arith.constant 648 : i32
        %dma_wait3A_829 = tpu.memref_slice %arg6[%dma_wait3A_827, %dma_wait3A_828] : memref<196608x1111xf32, #tpu.memory_space<hbm>> -> memref<32x152xf32, #tpu.memory_space<hbm>>
        %dma_wait3A_830 = arith.constant 0 : i32
        %dma_wait3A_831 = arith.constant 648 : i32
        %dma_wait3A_832 = tpu.memref_slice %arg6[%dma_wait3A_830, %dma_wait3A_831] : memref<196608x1111xf32, #tpu.memory_space<hbm>> -> memref<32x152xf32, #tpu.memory_space<hbm>>
        %dma_wait3A_833 = arith.constant 32 : i32
        %dma_wait3A_834 = arith.constant 0 : i32
        %dma_wait3A_835 = tpu.memref_slice %arg10[%dma_wait3A_822, %dma_wait3A_833, %dma_wait3A_834] : memref<2x128x200xf32, #tpu.memory_space<vmem>> -> memref<1x32x152xf32, #tpu.memory_space<vmem>>
        %dma_wait3A_836 = tpu.memref_squeeze %dma_wait3A_835 : memref<1x32x152xf32, #tpu.memory_space<vmem>> -> memref<32x152xf32, #tpu.memory_space<vmem>>
        tpu.wait_dma2 semaphore(%arg14 : memref<!tpu.dma_semaphore, #tpu.memory_space<semaphore_mem>>) src(%dma_wait3A_836 : memref<32x152xf32, #tpu.memory_space<vmem>>) dst(%dma_wait3A_832 : memref<32x152xf32, #tpu.memory_space<hbm>>)
        %dma_wait3A_837 = arith.constant 0 : i32
        %dma_wait3A_838 = arith.constant 64 : i32
        %dma_wait3A_839 = arith.constant 0 : i32
        %dma_wait3A_840 = tpu.memref_slice %arg10[%dma_wait3A_837, %dma_wait3A_838, %dma_wait3A_839] : memref<2x128x200xf32, #tpu.memory_space<vmem>> -> memref<1x32x152xf32, #tpu.memory_space<vmem>>
        %dma_wait3A_841 = tpu.memref_squeeze %dma_wait3A_840 : memref<1x32x152xf32, #tpu.memory_space<vmem>> -> memref<32x152xf32, #tpu.memory_space<vmem>>
        %dma_wait3A_842 = arith.constant 0 : i32
        %dma_wait3A_843 = arith.constant 800 : i32
        %dma_wait3A_844 = tpu.memref_slice %arg6[%dma_wait3A_842, %dma_wait3A_843] : memref<196608x1111xf32, #tpu.memory_space<hbm>> -> memref<32x152xf32, #tpu.memory_space<hbm>>
        %dma_wait3A_845 = arith.constant 0 : i32
        %dma_wait3A_846 = arith.constant 800 : i32
        %dma_wait3A_847 = tpu.memref_slice %arg6[%dma_wait3A_845, %dma_wait3A_846] : memref<196608x1111xf32, #tpu.memory_space<hbm>> -> memref<32x152xf32, #tpu.memory_space<hbm>>
        %dma_wait3A_848 = arith.constant 64 : i32
        %dma_wait3A_849 = arith.constant 0 : i32
        %dma_wait3A_850 = tpu.memref_slice %arg10[%dma_wait3A_837, %dma_wait3A_848, %dma_wait3A_849] : memref<2x128x200xf32, #tpu.memory_space<vmem>> -> memref<1x32x152xf32, #tpu.memory_space<vmem>>
        %dma_wait3A_851 = tpu.memref_squeeze %dma_wait3A_850 : memref<1x32x152xf32, #tpu.memory_space<vmem>> -> memref<32x152xf32, #tpu.memory_space<vmem>>
        tpu.wait_dma2 semaphore(%arg14 : memref<!tpu.dma_semaphore, #tpu.memory_space<semaphore_mem>>) src(%dma_wait3A_851 : memref<32x152xf32, #tpu.memory_space<vmem>>) dst(%dma_wait3A_847 : memref<32x152xf32, #tpu.memory_space<hbm>>)
        %dma_wait3A_852 = arith.constant 0 : i32
        %dma_wait3A_853 = arith.constant 96 : i32
        %dma_wait3A_854 = arith.constant 0 : i32
        %dma_wait3A_855 = tpu.memref_slice %arg10[%dma_wait3A_852, %dma_wait3A_853, %dma_wait3A_854] : memref<2x128x200xf32, #tpu.memory_space<vmem>> -> memref<1x32x152xf32, #tpu.memory_space<vmem>>
        %dma_wait3A_856 = tpu.memref_squeeze %dma_wait3A_855 : memref<1x32x152xf32, #tpu.memory_space<vmem>> -> memref<32x152xf32, #tpu.memory_space<vmem>>
        %dma_wait3A_857 = arith.constant 0 : i32
        %dma_wait3A_858 = arith.constant 952 : i32
        %dma_wait3A_859 = tpu.memref_slice %arg6[%dma_wait3A_857, %dma_wait3A_858] : memref<196608x1111xf32, #tpu.memory_space<hbm>> -> memref<32x152xf32, #tpu.memory_space<hbm>>
        %dma_wait3A_860 = arith.constant 0 : i32
        %dma_wait3A_861 = arith.constant 952 : i32
        %dma_wait3A_862 = tpu.memref_slice %arg6[%dma_wait3A_860, %dma_wait3A_861] : memref<196608x1111xf32, #tpu.memory_space<hbm>> -> memref<32x152xf32, #tpu.memory_space<hbm>>
        %dma_wait3A_863 = arith.constant 96 : i32
        %dma_wait3A_864 = arith.constant 0 : i32
        %dma_wait3A_865 = tpu.memref_slice %arg10[%dma_wait3A_852, %dma_wait3A_863, %dma_wait3A_864] : memref<2x128x200xf32, #tpu.memory_space<vmem>> -> memref<1x32x152xf32, #tpu.memory_space<vmem>>
        %dma_wait3A_866 = tpu.memref_squeeze %dma_wait3A_865 : memref<1x32x152xf32, #tpu.memory_space<vmem>> -> memref<32x152xf32, #tpu.memory_space<vmem>>
        tpu.wait_dma2 semaphore(%arg14 : memref<!tpu.dma_semaphore, #tpu.memory_space<semaphore_mem>>) src(%dma_wait3A_866 : memref<32x152xf32, #tpu.memory_space<vmem>>) dst(%dma_wait3A_862 : memref<32x152xf32, #tpu.memory_space<hbm>>)
        %dma_wait3A_867 = arith.constant 0 : i32
        %dma_wait3A_868 = arith.constant 0 : i32
        %dma_wait3A_869 = arith.constant 152 : i32
        %dma_wait3A_870 = tpu.memref_slice %arg11[%dma_wait3A_867, %dma_wait3A_868, %dma_wait3A_869] : memref<2x32x159xf32, #tpu.memory_space<vmem>> -> memref<1x32x7xf32, #tpu.memory_space<vmem>>
        %dma_wait3A_871 = tpu.memref_squeeze %dma_wait3A_870 : memref<1x32x7xf32, #tpu.memory_space<vmem>> -> memref<32x7xf32, #tpu.memory_space<vmem>>
        %dma_wait3A_872 = arith.constant 0 : i32
        %dma_wait3A_873 = arith.constant 1104 : i32
        %dma_wait3A_874 = tpu.memref_slice %arg6[%dma_wait3A_872, %dma_wait3A_873] : memref<196608x1111xf32, #tpu.memory_space<hbm>> -> memref<32x7xf32, #tpu.memory_space<hbm>>
        %dma_wait3A_875 = arith.constant 0 : i32
        %dma_wait3A_876 = arith.constant 1104 : i32
        %dma_wait3A_877 = tpu.memref_slice %arg6[%dma_wait3A_875, %dma_wait3A_876] : memref<196608x1111xf32, #tpu.memory_space<hbm>> -> memref<32x7xf32, #tpu.memory_space<hbm>>
        %dma_wait3A_878 = arith.constant 0 : i32
        %dma_wait3A_879 = arith.constant 152 : i32
        %dma_wait3A_880 = tpu.memref_slice %arg11[%dma_wait3A_867, %dma_wait3A_878, %dma_wait3A_879] : memref<2x32x159xf32, #tpu.memory_space<vmem>> -> memref<1x32x7xf32, #tpu.memory_space<vmem>>
        %dma_wait3A_881 = tpu.memref_squeeze %dma_wait3A_880 : memref<1x32x7xf32, #tpu.memory_space<vmem>> -> memref<32x7xf32, #tpu.memory_space<vmem>>
        tpu.wait_dma2 semaphore(%arg14 : memref<!tpu.dma_semaphore, #tpu.memory_space<semaphore_mem>>) src(%dma_wait3A_881 : memref<32x7xf32, #tpu.memory_space<vmem>>) dst(%dma_wait3A_877 : memref<32x7xf32, #tpu.memory_space<hbm>>)
        %add3A_882 = arith.constant 1 : i32
        %add3A_883 = arith.addi %add3A_540, %add3A_882 : i32
        %add3A_884 = arith.addi %mul3A_2, %add3A_883 : i32
        %run_scoped3A_885 = arith.constant 0 : i32
        "tpu.region"() ({
          %run_scoped3A_922 = tpu.sem_alloc : memref<!tpu.dma_semaphore, #tpu.memory_space<semaphore_mem>>
          %dma_start3A_923 = arith.constant 0 : i32
          %dma_start3A_924 = tpu.memref_slice %arg7[%run_scoped3A_885, %dma_start3A_923] : memref<2x288xi32, #tpu.memory_space<vmem>> -> memref<1x288xi32, #tpu.memory_space<vmem>>
          %dma_start3A_925 = tpu.memref_squeeze %dma_start3A_924 : memref<1x288xi32, #tpu.memory_space<vmem>> -> memref<288xi32, #tpu.memory_space<vmem>>
          %dma_start3A_926 = arith.constant 0 : i32
          %dma_start3A_927 = tpu.memref_slice %arg5[%add3A_884, %dma_start3A_926] : memref<6144x288xi32, #tpu.memory_space<hbm>> -> memref<1x288xi32, #tpu.memory_space<hbm>>
          %dma_start3A_928 = tpu.memref_squeeze %dma_start3A_927 : memref<1x288xi32, #tpu.memory_space<hbm>> -> memref<288xi32, #tpu.memory_space<hbm>>
          %dma_start3A_929 = arith.constant 0 : i32
          %dma_start3A_930 = tpu.memref_slice %arg7[%run_scoped3A_885, %dma_start3A_929] : memref<2x288xi32, #tpu.memory_space<vmem>> -> memref<1x288xi32, #tpu.memory_space<vmem>>
          %dma_start3A_931 = tpu.memref_squeeze %dma_start3A_930 : memref<1x288xi32, #tpu.memory_space<vmem>> -> memref<288xi32, #tpu.memory_space<vmem>>
          %dma_start3A_932 = arith.constant 0 : i32
          %dma_start3A_933 = tpu.memref_slice %arg5[%add3A_884, %dma_start3A_932] : memref<6144x288xi32, #tpu.memory_space<hbm>> -> memref<1x288xi32, #tpu.memory_space<hbm>>
          %dma_start3A_934 = tpu.memref_squeeze %dma_start3A_933 : memref<1x288xi32, #tpu.memory_space<hbm>> -> memref<288xi32, #tpu.memory_space<hbm>>
          tpu.enqueue_dma source(%dma_start3A_934 : memref<288xi32, #tpu.memory_space<hbm>>) target(%dma_start3A_931 : memref<288xi32, #tpu.memory_space<vmem>>) target_semaphore(%run_scoped3A_922 : memref<!tpu.dma_semaphore, #tpu.memory_space<semaphore_mem>>)
          %dma_wait3A_935 = arith.constant 0 : i32
          %dma_wait3A_936 = tpu.memref_slice %arg7[%run_scoped3A_885, %dma_wait3A_935] : memref<2x288xi32, #tpu.memory_space<vmem>> -> memref<1x288xi32, #tpu.memory_space<vmem>>
          %dma_wait3A_937 = tpu.memref_squeeze %dma_wait3A_936 : memref<1x288xi32, #tpu.memory_space<vmem>> -> memref<288xi32, #tpu.memory_space<vmem>>
          %dma_wait3A_938 = arith.constant 0 : i32
          %dma_wait3A_939 = tpu.memref_slice %arg5[%add3A_884, %dma_wait3A_938] : memref<6144x288xi32, #tpu.memory_space<hbm>> -> memref<1x288xi32, #tpu.memory_space<hbm>>
          %dma_wait3A_940 = tpu.memref_squeeze %dma_wait3A_939 : memref<1x288xi32, #tpu.memory_space<hbm>> -> memref<288xi32, #tpu.memory_space<hbm>>
          %dma_wait3A_941 = arith.constant 0 : i32
          %dma_wait3A_942 = tpu.memref_slice %arg7[%run_scoped3A_885, %dma_wait3A_941] : memref<2x288xi32, #tpu.memory_space<vmem>> -> memref<1x288xi32, #tpu.memory_space<vmem>>
          %dma_wait3A_943 = tpu.memref_squeeze %dma_wait3A_942 : memref<1x288xi32, #tpu.memory_space<vmem>> -> memref<288xi32, #tpu.memory_space<vmem>>
          %dma_wait3A_944 = arith.constant 0 : i32
          %dma_wait3A_945 = tpu.memref_slice %arg5[%add3A_884, %dma_wait3A_944] : memref<6144x288xi32, #tpu.memory_space<hbm>> -> memref<1x288xi32, #tpu.memory_space<hbm>>
          %dma_wait3A_946 = tpu.memref_squeeze %dma_wait3A_945 : memref<1x288xi32, #tpu.memory_space<hbm>> -> memref<288xi32, #tpu.memory_space<hbm>>
          tpu.wait_dma2 semaphore(%run_scoped3A_922 : memref<!tpu.dma_semaphore, #tpu.memory_space<semaphore_mem>>) src(%dma_wait3A_946 : memref<288xi32, #tpu.memory_space<hbm>>) dst(%dma_wait3A_943 : memref<288xi32, #tpu.memory_space<vmem>>)
          tpu.yield
        }) : () -> ()
        %dma_start3A_886 = arith.constant 0 : i32
        %dma_start3A_887 = arith.constant 0 : i32
        %dma_start3A_888 = arith.constant 0 : i32
        %dma_start3A_889 = arith.constant 0 : i32
        %dma_start3A_890 = tpu.memref_slice %arg8[%dma_start3A_887, %dma_start3A_888, %dma_start3A_889] : memref<2x32x304xf32, #tpu.memory_space<vmem>> -> memref<1x32x304xf32, #tpu.memory_space<vmem>>
        %dma_start3A_891 = tpu.memref_squeeze %dma_start3A_890 : memref<1x32x304xf32, #tpu.memory_space<vmem>> -> memref<32x304xf32, #tpu.memory_space<vmem>>
        %dma_start3A_892 = arith.constant 0 : i32
        %dma_start3A_893 = tpu.memref_slice %arg7[%dma_start3A_886, %dma_start3A_892] : memref<2x288xi32, #tpu.memory_space<vmem>> -> memref<1x32xi32, #tpu.memory_space<vmem>>
        %dma_start3A_894 = tpu.memref_squeeze %dma_start3A_893 : memref<1x32xi32, #tpu.memory_space<vmem>> -> memref<32xi32, #tpu.memory_space<vmem>>
        %dma_start3A_895 = arith.constant 0 : i32
        %dma_start3A_896 = arith.constant 0 : i32
        %dma_start3A_897 = tpu.memref_slice %arg2[%dma_start3A_895, %dma_start3A_896] : memref<1330x304xf32, #tpu.memory_space<hbm>> -> memref<1330x304xf32, #tpu.memory_space<hbm>>
        tpu.enqueue_indirect_dma source(%dma_start3A_897 : memref<1330x304xf32, #tpu.memory_space<hbm>>) target(%dma_start3A_891 : memref<32x304xf32, #tpu.memory_space<vmem>>) offsets(%dma_start3A_894 : memref<32xi32, #tpu.memory_space<vmem>>) semaphore(%arg12 : memref<!tpu.dma_semaphore, #tpu.memory_space<semaphore_mem>>)
        %dma_start3A_898 = arith.constant 0 : i32
        %dma_start3A_899 = arith.constant 0 : i32
        %dma_start3A_900 = arith.constant 0 : i32
        %dma_start3A_901 = arith.constant 0 : i32
        %dma_start3A_902 = tpu.memref_slice %arg9[%dma_start3A_899, %dma_start3A_900, %dma_start3A_901] : memref<2x128x72xf32, #tpu.memory_space<vmem>> -> memref<1x128x72xf32, #tpu.memory_space<vmem>>
        %dma_start3A_903 = tpu.memref_squeeze %dma_start3A_902 : memref<1x128x72xf32, #tpu.memory_space<vmem>> -> memref<128x72xf32, #tpu.memory_space<vmem>>
        %dma_start3A_904 = arith.constant 32 : i32
        %dma_start3A_905 = tpu.memref_slice %arg7[%dma_start3A_898, %dma_start3A_904] : memref<2x288xi32, #tpu.memory_space<vmem>> -> memref<1x128xi32, #tpu.memory_space<vmem>>
        %dma_start3A_906 = tpu.memref_squeeze %dma_start3A_905 : memref<1x128xi32, #tpu.memory_space<vmem>> -> memref<128xi32, #tpu.memory_space<vmem>>
        %dma_start3A_907 = arith.constant 0 : i32
        %dma_start3A_908 = arith.constant 0 : i32
        %dma_start3A_909 = tpu.memref_slice %arg3[%dma_start3A_907, %dma_start3A_908] : memref<1182x72xf32, #tpu.memory_space<hbm>> -> memref<1182x72xf32, #tpu.memory_space<hbm>>
        tpu.enqueue_indirect_dma source(%dma_start3A_909 : memref<1182x72xf32, #tpu.memory_space<hbm>>) target(%dma_start3A_903 : memref<128x72xf32, #tpu.memory_space<vmem>>) offsets(%dma_start3A_906 : memref<128xi32, #tpu.memory_space<vmem>>) semaphore(%arg12 : memref<!tpu.dma_semaphore, #tpu.memory_space<semaphore_mem>>)
        %dma_start3A_910 = arith.constant 0 : i32
        %dma_start3A_911 = arith.constant 0 : i32
        %dma_start3A_912 = arith.constant 0 : i32
        %dma_start3A_913 = arith.constant 0 : i32
        %dma_start3A_914 = tpu.memref_slice %arg10[%dma_start3A_911, %dma_start3A_912, %dma_start3A_913] : memref<2x128x200xf32, #tpu.memory_space<vmem>> -> memref<1x128x200xf32, #tpu.memory_space<vmem>>
        %dma_start3A_915 = tpu.memref_squeeze %dma_start3A_914 : memref<1x128x200xf32, #tpu.memory_space<vmem>> -> memref<128x200xf32, #tpu.memory_space<vmem>>
        %dma_start3A_916 = arith.constant 160 : i32
        %dma_start3A_917 = tpu.memref_slice %arg7[%dma_start3A_910, %dma_start3A_916] : memref<2x288xi32, #tpu.memory_space<vmem>> -> memref<1x128xi32, #tpu.memory_space<vmem>>
        %dma_start3A_918 = tpu.memref_squeeze %dma_start3A_917 : memref<1x128xi32, #tpu.memory_space<vmem>> -> memref<128xi32, #tpu.memory_space<vmem>>
        %dma_start3A_919 = arith.constant 0 : i32
        %dma_start3A_920 = arith.constant 0 : i32
        %dma_start3A_921 = tpu.memref_slice %arg4[%dma_start3A_919, %dma_start3A_920] : memref<2744x200xf32, #tpu.memory_space<hbm>> -> memref<2744x200xf32, #tpu.memory_space<hbm>>
        tpu.enqueue_indirect_dma source(%dma_start3A_921 : memref<2744x200xf32, #tpu.memory_space<hbm>>) target(%dma_start3A_915 : memref<128x200xf32, #tpu.memory_space<vmem>>) offsets(%dma_start3A_918 : memref<128xi32, #tpu.memory_space<vmem>>) semaphore(%arg12 : memref<!tpu.dma_semaphore, #tpu.memory_space<semaphore_mem>>)
      } else {
      }
      %dma_wait3A_548 = arith.constant 1 : i32
      %dma_wait3A_549 = arith.constant 0 : i32
      %dma_wait3A_550 = arith.constant 0 : i32
      %dma_wait3A_551 = tpu.memref_slice %arg8[%dma_wait3A_548, %dma_wait3A_549, %dma_wait3A_550] : memref<2x32x304xf32, #tpu.memory_space<vmem>> -> memref<1x32x304xf32, #tpu.memory_space<vmem>>
      %dma_wait3A_552 = tpu.memref_squeeze %dma_wait3A_551 : memref<1x32x304xf32, #tpu.memory_space<vmem>> -> memref<32x304xf32, #tpu.memory_space<vmem>>
      %dma_wait3A_553 = arith.constant 0 : i32
      %dma_wait3A_554 = arith.constant 0 : i32
      %dma_wait3A_555 = tpu.memref_slice %arg2[%dma_wait3A_553, %dma_wait3A_554] : memref<1330x304xf32, #tpu.memory_space<hbm>> -> memref<32x304xf32, #tpu.memory_space<hbm>>
      %dma_wait3A_556 = arith.constant 0 : i32
      %dma_wait3A_557 = arith.constant 0 : i32
      %dma_wait3A_558 = tpu.memref_slice %arg8[%dma_wait3A_548, %dma_wait3A_556, %dma_wait3A_557] : memref<2x32x304xf32, #tpu.memory_space<vmem>> -> memref<1x32x304xf32, #tpu.memory_space<vmem>>
      %dma_wait3A_559 = tpu.memref_squeeze %dma_wait3A_558 : memref<1x32x304xf32, #tpu.memory_space<vmem>> -> memref<32x304xf32, #tpu.memory_space<vmem>>
      %dma_wait3A_560 = arith.constant 0 : i32
      %dma_wait3A_561 = arith.constant 0 : i32
      %dma_wait3A_562 = tpu.memref_slice %arg2[%dma_wait3A_560, %dma_wait3A_561] : memref<1330x304xf32, #tpu.memory_space<hbm>> -> memref<32x304xf32, #tpu.memory_space<hbm>>
      tpu.wait_dma2 semaphore(%arg13 : memref<!tpu.dma_semaphore, #tpu.memory_space<semaphore_mem>>) src(%dma_wait3A_562 : memref<32x304xf32, #tpu.memory_space<hbm>>) dst(%dma_wait3A_559 : memref<32x304xf32, #tpu.memory_space<vmem>>)
      %dma_wait3A_563 = arith.constant 1 : i32
      %dma_wait3A_564 = arith.constant 0 : i32
      %dma_wait3A_565 = arith.constant 0 : i32
      %dma_wait3A_566 = tpu.memref_slice %arg9[%dma_wait3A_563, %dma_wait3A_564, %dma_wait3A_565] : memref<2x128x72xf32, #tpu.memory_space<vmem>> -> memref<1x128x72xf32, #tpu.memory_space<vmem>>
      %dma_wait3A_567 = tpu.memref_squeeze %dma_wait3A_566 : memref<1x128x72xf32, #tpu.memory_space<vmem>> -> memref<128x72xf32, #tpu.memory_space<vmem>>
      %dma_wait3A_568 = arith.constant 0 : i32
      %dma_wait3A_569 = arith.constant 0 : i32
      %dma_wait3A_570 = tpu.memref_slice %arg3[%dma_wait3A_568, %dma_wait3A_569] : memref<1182x72xf32, #tpu.memory_space<hbm>> -> memref<128x72xf32, #tpu.memory_space<hbm>>
      %dma_wait3A_571 = arith.constant 0 : i32
      %dma_wait3A_572 = arith.constant 0 : i32
      %dma_wait3A_573 = tpu.memref_slice %arg9[%dma_wait3A_563, %dma_wait3A_571, %dma_wait3A_572] : memref<2x128x72xf32, #tpu.memory_space<vmem>> -> memref<1x128x72xf32, #tpu.memory_space<vmem>>
      %dma_wait3A_574 = tpu.memref_squeeze %dma_wait3A_573 : memref<1x128x72xf32, #tpu.memory_space<vmem>> -> memref<128x72xf32, #tpu.memory_space<vmem>>
      %dma_wait3A_575 = arith.constant 0 : i32
      %dma_wait3A_576 = arith.constant 0 : i32
      %dma_wait3A_577 = tpu.memref_slice %arg3[%dma_wait3A_575, %dma_wait3A_576] : memref<1182x72xf32, #tpu.memory_space<hbm>> -> memref<128x72xf32, #tpu.memory_space<hbm>>
      tpu.wait_dma2 semaphore(%arg13 : memref<!tpu.dma_semaphore, #tpu.memory_space<semaphore_mem>>) src(%dma_wait3A_577 : memref<128x72xf32, #tpu.memory_space<hbm>>) dst(%dma_wait3A_574 : memref<128x72xf32, #tpu.memory_space<vmem>>)
      %dma_wait3A_578 = arith.constant 1 : i32
      %dma_wait3A_579 = arith.constant 0 : i32
      %dma_wait3A_580 = arith.constant 0 : i32
      %dma_wait3A_581 = tpu.memref_slice %arg10[%dma_wait3A_578, %dma_wait3A_579, %dma_wait3A_580] : memref<2x128x200xf32, #tpu.memory_space<vmem>> -> memref<1x128x200xf32, #tpu.memory_space<vmem>>
      %dma_wait3A_582 = tpu.memref_squeeze %dma_wait3A_581 : memref<1x128x200xf32, #tpu.memory_space<vmem>> -> memref<128x200xf32, #tpu.memory_space<vmem>>
      %dma_wait3A_583 = arith.constant 0 : i32
      %dma_wait3A_584 = arith.constant 0 : i32
      %dma_wait3A_585 = tpu.memref_slice %arg4[%dma_wait3A_583, %dma_wait3A_584] : memref<2744x200xf32, #tpu.memory_space<hbm>> -> memref<128x200xf32, #tpu.memory_space<hbm>>
      %dma_wait3A_586 = arith.constant 0 : i32
      %dma_wait3A_587 = arith.constant 0 : i32
      %dma_wait3A_588 = tpu.memref_slice %arg10[%dma_wait3A_578, %dma_wait3A_586, %dma_wait3A_587] : memref<2x128x200xf32, #tpu.memory_space<vmem>> -> memref<1x128x200xf32, #tpu.memory_space<vmem>>
      %dma_wait3A_589 = tpu.memref_squeeze %dma_wait3A_588 : memref<1x128x200xf32, #tpu.memory_space<vmem>> -> memref<128x200xf32, #tpu.memory_space<vmem>>
      %dma_wait3A_590 = arith.constant 0 : i32
      %dma_wait3A_591 = arith.constant 0 : i32
      %dma_wait3A_592 = tpu.memref_slice %arg4[%dma_wait3A_590, %dma_wait3A_591] : memref<2744x200xf32, #tpu.memory_space<hbm>> -> memref<128x200xf32, #tpu.memory_space<hbm>>
      tpu.wait_dma2 semaphore(%arg13 : memref<!tpu.dma_semaphore, #tpu.memory_space<semaphore_mem>>) src(%dma_wait3A_592 : memref<128x200xf32, #tpu.memory_space<hbm>>) dst(%dma_wait3A_589 : memref<128x200xf32, #tpu.memory_space<vmem>>)
      %scan3A_593 = arith.constant 0 : i32
      %scan3A_594 = arith.constant 0 : i32
      %scan3A_595 = arith.constant 32 : i32
      %scan3A_596 = arith.addi %scan3A_594, %scan3A_595 : i32
      %scan3A_597 = arith.constant 1 : i32
      scf.for %scan3A_732 = %scan3A_594 to %scan3A_596 step %scan3A_597  : i32 {
        %add3A_733 = arith.constant 96 : i32
        %add3A_734 = arith.addi %add3A_733, %scan3A_732 : i32
        %get3A = arith.constant 1 : i32
        %get3A_735 = arith.index_cast %get3A : i32 to index
        %get3A_736 = arith.index_cast %add3A_734 : i32 to index
        %get3A_737 = arith.constant 143 : index
        %get3A_738 = tpu.vector_load %arg10[%get3A_735, %get3A_736, %get3A_737] {strides = array<i32>} : memref<2x128x200xf32, #tpu.memory_space<vmem>>, vector<16xf32>,
        %swap3A = arith.constant 1 : i32
        %swap3A_739 = arith.index_cast %swap3A : i32 to index
        %swap3A_740 = arith.index_cast %scan3A_732 : i32 to index
        %swap3A_741 = arith.constant 143 : index
        %swap3A_742 = tpu.vector_load %arg11[%swap3A_739, %swap3A_740, %swap3A_741] {strides = array<i32>} : memref<2x32x159xf32, #tpu.memory_space<vmem>>, vector<16xf32>,
        tpu.vector_store %arg11[%swap3A_739, %swap3A_740, %swap3A_741], %get3A_738 {strides = array<i32>} : memref<2x32x159xf32, #tpu.memory_space<vmem>>, vector<16xf32>,
        %get3A_743 = arith.constant 1 : i32
        %get3A_744 = arith.constant 0 : i32
        %get3A_745 = tpu.memref_slice %arg8[%get3A_743, %scan3A_732, %get3A_744] : memref<2x32x304xf32, #tpu.memory_space<vmem>> -> memref<1x1x304xf32, #tpu.memory_space<vmem>>
        %get3A_746 = tpu.memref_squeeze %get3A_745 : memref<1x1x304xf32, #tpu.memory_space<vmem>> -> memref<304xf32, #tpu.memory_space<vmem>>
        %get3A_747 = arith.constant 288 : index
        %get3A_748 = tpu.vector_load %get3A_746[%get3A_747] {strides = array<i32>} : memref<304xf32, #tpu.memory_space<vmem>>, vector<16xf32>,
        %add3A_749 = arith.constant 0 : i32
        %add3A_750 = arith.addi %add3A_749, %scan3A_732 : i32
        %get3A_751 = arith.constant 1 : i32
        %get3A_752 = arith.constant 0 : i32
        %get3A_753 = tpu.memref_slice %arg9[%get3A_751, %add3A_750, %get3A_752] : memref<2x128x72xf32, #tpu.memory_space<vmem>> -> memref<1x1x72xf32, #tpu.memory_space<vmem>>
        %get3A_754 = tpu.memref_squeeze %get3A_753 : memref<1x1x72xf32, #tpu.memory_space<vmem>> -> memref<72xf32, #tpu.memory_space<vmem>>
        %get3A_755 = arith.constant 0 : index
        %get3A_756 = tpu.vector_load %get3A_754[%get3A_755] {strides = array<i32>} : memref<72xf32, #tpu.memory_space<vmem>>, vector<16xf32>,
        %lt3A_757 = arith.constant 3 : i32
        %lt3A_758 = vector.broadcast %lt3A_757 : i32 to vector<16xi32>
        %lt3A_759 = arith.cmpi slt, %iota3A, %lt3A_758 : vector<16xi32>
        %select_n3A = arith.select %lt3A_759, %get3A_748, %get3A_756 : vector<16xi1>, vector<16xf32>
        %add3A_760 = arith.constant 0 : i32
        %add3A_761 = arith.addi %add3A_760, %scan3A_732 : i32
        %swap3A_762 = arith.constant 1 : i32
        %swap3A_763 = arith.constant 0 : i32
        %swap3A_764 = tpu.memref_slice %arg9[%swap3A_762, %add3A_761, %swap3A_763] : memref<2x128x72xf32, #tpu.memory_space<vmem>> -> memref<1x1x72xf32, #tpu.memory_space<vmem>>
        %swap3A_765 = tpu.memref_squeeze %swap3A_764 : memref<1x1x72xf32, #tpu.memory_space<vmem>> -> memref<72xf32, #tpu.memory_space<vmem>>
        %swap3A_766 = arith.constant 0 : index
        %swap3A_767 = tpu.vector_load %swap3A_765[%swap3A_766] {strides = array<i32>} : memref<72xf32, #tpu.memory_space<vmem>>, vector<16xf32>,
        tpu.vector_store %swap3A_765[%swap3A_766], %select_n3A {strides = array<i32>} : memref<72xf32, #tpu.memory_space<vmem>>, vector<16xf32>,
        %add3A_768 = arith.constant 0 : i32
        %add3A_769 = arith.addi %add3A_768, %scan3A_732 : i32
        %get3A_770 = arith.constant 1 : i32
        %get3A_771 = arith.constant 0 : i32
        %get3A_772 = tpu.memref_slice %arg9[%get3A_770, %add3A_769, %get3A_771] : memref<2x128x72xf32, #tpu.memory_space<vmem>> -> memref<1x1x72xf32, #tpu.memory_space<vmem>>
        %get3A_773 = tpu.memref_squeeze %get3A_772 : memref<1x1x72xf32, #tpu.memory_space<vmem>> -> memref<72xf32, #tpu.memory_space<vmem>>
        %get3A_774 = arith.constant 48 : index
        %get3A_775 = tpu.vector_load %get3A_773[%get3A_774] {strides = array<i32>} : memref<72xf32, #tpu.memory_space<vmem>>, vector<16xf32>,
        %add3A_776 = arith.constant 32 : i32
        %add3A_777 = arith.addi %add3A_776, %scan3A_732 : i32
        %get3A_778 = arith.constant 1 : i32
        %get3A_779 = arith.constant 0 : i32
        %get3A_780 = tpu.memref_slice %arg9[%get3A_778, %add3A_777, %get3A_779] : memref<2x128x72xf32, #tpu.memory_space<vmem>> -> memref<1x1x72xf32, #tpu.memory_space<vmem>>
        %get3A_781 = tpu.memref_squeeze %get3A_780 : memref<1x1x72xf32, #tpu.memory_space<vmem>> -> memref<72xf32, #tpu.memory_space<vmem>>
        %get3A_782 = arith.constant 0 : index
        %get3A_783 = tpu.vector_load %get3A_781[%get3A_782] {strides = array<i32>} : memref<72xf32, #tpu.memory_space<vmem>>, vector<16xf32>,
        %lt3A_784 = arith.constant 6 : i32
        %lt3A_785 = vector.broadcast %lt3A_784 : i32 to vector<16xi32>
        %lt3A_786 = arith.cmpi slt, %iota3A, %lt3A_785 : vector<16xi32>
        %select_n3A_787 = arith.select %lt3A_786, %get3A_775, %get3A_783 : vector<16xi1>, vector<16xf32>
        %add3A_788 = arith.constant 32 : i32
        %add3A_789 = arith.addi %add3A_788, %scan3A_732 : i32
        %swap3A_790 = arith.constant 1 : i32
        %swap3A_791 = arith.constant 0 : i32
        %swap3A_792 = tpu.memref_slice %arg9[%swap3A_790, %add3A_789, %swap3A_791] : memref<2x128x72xf32, #tpu.memory_space<vmem>> -> memref<1x1x72xf32, #tpu.memory_space<vmem>>
        %swap3A_793 = tpu.memref_squeeze %swap3A_792 : memref<1x1x72xf32, #tpu.memory_space<vmem>> -> memref<72xf32, #tpu.memory_space<vmem>>
        %swap3A_794 = arith.constant 0 : index
        %swap3A_795 = tpu.vector_load %swap3A_793[%swap3A_794] {strides = array<i32>} : memref<72xf32, #tpu.memory_space<vmem>>, vector<16xf32>,
        tpu.vector_store %swap3A_793[%swap3A_794], %select_n3A_787 {strides = array<i32>} : memref<72xf32, #tpu.memory_space<vmem>>, vector<16xf32>,
        %add3A_796 = arith.constant 32 : i32
        %add3A_797 = arith.addi %add3A_796, %scan3A_732 : i32
        %get3A_798 = arith.constant 1 : i32
        %get3A_799 = arith.constant 0 : i32
        %get3A_800 = tpu.memref_slice %arg9[%get3A_798, %add3A_797, %get3A_799] : memref<2x128x72xf32, #tpu.memory_space<vmem>> -> memref<1x1x72xf32, #tpu.memory_space<vmem>>
        %get3A_801 = tpu.memref_squeeze %get3A_800 : memref<1x1x72xf32, #tpu.memory_space<vmem>> -> memref<72xf32, #tpu.memory_space<vmem>>
        %get3A_802 = arith.constant 56 : index
        %get3A_803 = tpu.vector_load %get3A_801[%get3A_802] {strides = array<i32>} : memref<72xf32, #tpu.memory_space<vmem>>, vector<16xf32>,
        %add3A_804 = arith.constant 64 : i32
        %add3A_805 = arith.addi %add3A_804, %scan3A_732 : i32
        %get3A_806 = arith.constant 1 : i32
        %get3A_807 = arith.constant 0 : i32
        %get3A_808 = tpu.memref_slice %arg9[%get3A_806, %add3A_805, %get3A_807] : memref<2x128x72xf32, #tpu.memory_space<vmem>> -> memref<1x1x72xf32, #tpu.memory_space<vmem>>
        %get3A_809 = tpu.memref_squeeze %get3A_808 : memref<1x1x72xf32, #tpu.memory_space<vmem>> -> memref<72xf32, #tpu.memory_space<vmem>>
        %get3A_810 = arith.constant 0 : index
        %get3A_811 = tpu.vector_load %get3A_809[%get3A_810] {strides = array<i32>} : memref<72xf32, #tpu.memory_space<vmem>>, vector<16xf32>,
        %lt3A_812 = arith.constant 1 : i32
        %lt3A_813 = vector.broadcast %lt3A_812 : i32 to vector<16xi32>
        %lt3A_814 = arith.cmpi slt, %iota3A, %lt3A_813 : vector<16xi32>
        %select_n3A_815 = arith.select %lt3A_814, %get3A_803, %get3A_811 : vector<16xi1>, vector<16xf32>
        %add3A_816 = arith.constant 64 : i32
        %add3A_817 = arith.addi %add3A_816, %scan3A_732 : i32
        %swap3A_818 = arith.constant 1 : i32
        %swap3A_819 = arith.constant 0 : i32
        %swap3A_820 = tpu.memref_slice %arg9[%swap3A_818, %add3A_817, %swap3A_819] : memref<2x128x72xf32, #tpu.memory_space<vmem>> -> memref<1x1x72xf32, #tpu.memory_space<vmem>>
        %swap3A_821 = tpu.memref_squeeze %swap3A_820 : memref<1x1x72xf32, #tpu.memory_space<vmem>> -> memref<72xf32, #tpu.memory_space<vmem>>
        %swap3A_822 = arith.constant 0 : index
        %swap3A_823 = tpu.vector_load %swap3A_821[%swap3A_822] {strides = array<i32>} : memref<72xf32, #tpu.memory_space<vmem>>, vector<16xf32>,
        tpu.vector_store %swap3A_821[%swap3A_822], %select_n3A_815 {strides = array<i32>} : memref<72xf32, #tpu.memory_space<vmem>>, vector<16xf32>,
        %add3A_824 = arith.constant 64 : i32
        %add3A_825 = arith.addi %add3A_824, %scan3A_732 : i32
        %get3A_826 = arith.constant 1 : i32
        %get3A_827 = arith.constant 0 : i32
        %get3A_828 = tpu.memref_slice %arg9[%get3A_826, %add3A_825, %get3A_827] : memref<2x128x72xf32, #tpu.memory_space<vmem>> -> memref<1x1x72xf32, #tpu.memory_space<vmem>>
        %get3A_829 = tpu.memref_squeeze %get3A_828 : memref<1x1x72xf32, #tpu.memory_space<vmem>> -> memref<72xf32, #tpu.memory_space<vmem>>
        %get3A_830 = arith.constant 48 : index
        %get3A_831 = tpu.vector_load %get3A_829[%get3A_830] {strides = array<i32>} : memref<72xf32, #tpu.memory_space<vmem>>, vector<16xf32>,
        %add3A_832 = arith.constant 96 : i32
        %add3A_833 = arith.addi %add3A_832, %scan3A_732 : i32
        %get3A_834 = arith.constant 1 : i32
        %get3A_835 = arith.constant 0 : i32
        %get3A_836 = tpu.memref_slice %arg9[%get3A_834, %add3A_833, %get3A_835] : memref<2x128x72xf32, #tpu.memory_space<vmem>> -> memref<1x1x72xf32, #tpu.memory_space<vmem>>
        %get3A_837 = tpu.memref_squeeze %get3A_836 : memref<1x1x72xf32, #tpu.memory_space<vmem>> -> memref<72xf32, #tpu.memory_space<vmem>>
        %get3A_838 = arith.constant 0 : index
        %get3A_839 = tpu.vector_load %get3A_837[%get3A_838] {strides = array<i32>} : memref<72xf32, #tpu.memory_space<vmem>>, vector<16xf32>,
        %lt3A_840 = arith.constant 4 : i32
        %lt3A_841 = vector.broadcast %lt3A_840 : i32 to vector<16xi32>
        %lt3A_842 = arith.cmpi slt, %iota3A, %lt3A_841 : vector<16xi32>
        %select_n3A_843 = arith.select %lt3A_842, %get3A_831, %get3A_839 : vector<16xi1>, vector<16xf32>
        %add3A_844 = arith.constant 96 : i32
        %add3A_845 = arith.addi %add3A_844, %scan3A_732 : i32
        %swap3A_846 = arith.constant 1 : i32
        %swap3A_847 = arith.constant 0 : i32
        %swap3A_848 = tpu.memref_slice %arg9[%swap3A_846, %add3A_845, %swap3A_847] : memref<2x128x72xf32, #tpu.memory_space<vmem>> -> memref<1x1x72xf32, #tpu.memory_space<vmem>>
        %swap3A_849 = tpu.memref_squeeze %swap3A_848 : memref<1x1x72xf32, #tpu.memory_space<vmem>> -> memref<72xf32, #tpu.memory_space<vmem>>
        %swap3A_850 = arith.constant 0 : index
        %swap3A_851 = tpu.vector_load %swap3A_849[%swap3A_850] {strides = array<i32>} : memref<72xf32, #tpu.memory_space<vmem>>, vector<16xf32>,
        tpu.vector_store %swap3A_849[%swap3A_850], %select_n3A_843 {strides = array<i32>} : memref<72xf32, #tpu.memory_space<vmem>>, vector<16xf32>,
        %add3A_852 = arith.constant 96 : i32
        %add3A_853 = arith.addi %add3A_852, %scan3A_732 : i32
        %get3A_854 = arith.constant 1 : i32
        %get3A_855 = arith.constant 0 : i32
        %get3A_856 = tpu.memref_slice %arg9[%get3A_854, %add3A_853, %get3A_855] : memref<2x128x72xf32, #tpu.memory_space<vmem>> -> memref<1x1x72xf32, #tpu.memory_space<vmem>>
        %get3A_857 = tpu.memref_squeeze %get3A_856 : memref<1x1x72xf32, #tpu.memory_space<vmem>> -> memref<72xf32, #tpu.memory_space<vmem>>
        %get3A_858 = arith.constant 48 : index
        %get3A_859 = tpu.vector_load %get3A_857[%get3A_858] {strides = array<i32>} : memref<72xf32, #tpu.memory_space<vmem>>, vector<16xf32>,
        %add3A_860 = arith.constant 0 : i32
        %add3A_861 = arith.addi %add3A_860, %scan3A_732 : i32
        %get3A_862 = arith.constant 1 : i32
        %get3A_863 = arith.constant 0 : i32
        %get3A_864 = tpu.memref_slice %arg10[%get3A_862, %add3A_861, %get3A_863] : memref<2x128x200xf32, #tpu.memory_space<vmem>> -> memref<1x1x200xf32, #tpu.memory_space<vmem>>
        %get3A_865 = tpu.memref_squeeze %get3A_864 : memref<1x1x200xf32, #tpu.memory_space<vmem>> -> memref<200xf32, #tpu.memory_space<vmem>>
        %get3A_866 = arith.constant 0 : index
        %get3A_867 = tpu.vector_load %get3A_865[%get3A_866] {strides = array<i32>} : memref<200xf32, #tpu.memory_space<vmem>>, vector<16xf32>,
        %lt3A_868 = arith.constant 7 : i32
        %lt3A_869 = vector.broadcast %lt3A_868 : i32 to vector<16xi32>
        %lt3A_870 = arith.cmpi slt, %iota3A, %lt3A_869 : vector<16xi32>
        %select_n3A_871 = arith.select %lt3A_870, %get3A_859, %get3A_867 : vector<16xi1>, vector<16xf32>
        %add3A_872 = arith.constant 0 : i32
        %add3A_873 = arith.addi %add3A_872, %scan3A_732 : i32
        %swap3A_874 = arith.constant 1 : i32
        %swap3A_875 = arith.constant 0 : i32
        %swap3A_876 = tpu.memref_slice %arg10[%swap3A_874, %add3A_873, %swap3A_875] : memref<2x128x200xf32, #tpu.memory_space<vmem>> -> memref<1x1x200xf32, #tpu.memory_space<vmem>>
        %swap3A_877 = tpu.memref_squeeze %swap3A_876 : memref<1x1x200xf32, #tpu.memory_space<vmem>> -> memref<200xf32, #tpu.memory_space<vmem>>
        %swap3A_878 = arith.constant 0 : index
        %swap3A_879 = tpu.vector_load %swap3A_877[%swap3A_878] {strides = array<i32>} : memref<200xf32, #tpu.memory_space<vmem>>, vector<16xf32>,
        tpu.vector_store %swap3A_877[%swap3A_878], %select_n3A_871 {strides = array<i32>} : memref<200xf32, #tpu.memory_space<vmem>>, vector<16xf32>,
        %add3A_880 = arith.constant 0 : i32
        %add3A_881 = arith.addi %add3A_880, %scan3A_732 : i32
        %get3A_882 = arith.constant 1 : i32
        %get3A_883 = arith.constant 0 : i32
        %get3A_884 = tpu.memref_slice %arg10[%get3A_882, %add3A_881, %get3A_883] : memref<2x128x200xf32, #tpu.memory_space<vmem>> -> memref<1x1x200xf32, #tpu.memory_space<vmem>>
        %get3A_885 = tpu.memref_squeeze %get3A_884 : memref<1x1x200xf32, #tpu.memory_space<vmem>> -> memref<200xf32, #tpu.memory_space<vmem>>
        %get3A_886 = arith.constant 160 : index
        %get3A_887 = tpu.vector_load %get3A_885[%get3A_886] {strides = array<i32>} : memref<200xf32, #tpu.memory_space<vmem>>, vector<16xf32>,
        %add3A_888 = arith.constant 32 : i32
        %add3A_889 = arith.addi %add3A_888, %scan3A_732 : i32
        %get3A_890 = arith.constant 1 : i32
        %get3A_891 = arith.constant 0 : i32
        %get3A_892 = tpu.memref_slice %arg10[%get3A_890, %add3A_889, %get3A_891] : memref<2x128x200xf32, #tpu.memory_space<vmem>> -> memref<1x1x200xf32, #tpu.memory_space<vmem>>
        %get3A_893 = tpu.memref_squeeze %get3A_892 : memref<1x1x200xf32, #tpu.memory_space<vmem>> -> memref<200xf32, #tpu.memory_space<vmem>>
        %get3A_894 = arith.constant 0 : index
        %get3A_895 = tpu.vector_load %get3A_893[%get3A_894] {strides = array<i32>} : memref<200xf32, #tpu.memory_space<vmem>>, vector<16xf32>,
        %lt3A_896 = arith.constant 1 : i32
        %lt3A_897 = vector.broadcast %lt3A_896 : i32 to vector<16xi32>
        %lt3A_898 = arith.cmpi slt, %iota3A, %lt3A_897 : vector<16xi32>
        %select_n3A_899 = arith.select %lt3A_898, %get3A_887, %get3A_895 : vector<16xi1>, vector<16xf32>
        %add3A_900 = arith.constant 32 : i32
        %add3A_901 = arith.addi %add3A_900, %scan3A_732 : i32
        %swap3A_902 = arith.constant 1 : i32
        %swap3A_903 = arith.constant 0 : i32
        %swap3A_904 = tpu.memref_slice %arg10[%swap3A_902, %add3A_901, %swap3A_903] : memref<2x128x200xf32, #tpu.memory_space<vmem>> -> memref<1x1x200xf32, #tpu.memory_space<vmem>>
        %swap3A_905 = tpu.memref_squeeze %swap3A_904 : memref<1x1x200xf32, #tpu.memory_space<vmem>> -> memref<200xf32, #tpu.memory_space<vmem>>
        %swap3A_906 = arith.constant 0 : index
        %swap3A_907 = tpu.vector_load %swap3A_905[%swap3A_906] {strides = array<i32>} : memref<200xf32, #tpu.memory_space<vmem>>, vector<16xf32>,
        tpu.vector_store %swap3A_905[%swap3A_906], %select_n3A_899 {strides = array<i32>} : memref<200xf32, #tpu.memory_space<vmem>>, vector<16xf32>,
        %add3A_908 = arith.constant 32 : i32
        %add3A_909 = arith.addi %add3A_908, %scan3A_732 : i32
        %get3A_910 = arith.constant 1 : i32
        %get3A_911 = arith.constant 0 : i32
        %get3A_912 = tpu.memref_slice %arg10[%get3A_910, %add3A_909, %get3A_911] : memref<2x128x200xf32, #tpu.memory_space<vmem>> -> memref<1x1x200xf32, #tpu.memory_space<vmem>>
        %get3A_913 = tpu.memref_squeeze %get3A_912 : memref<1x1x200xf32, #tpu.memory_space<vmem>> -> memref<200xf32, #tpu.memory_space<vmem>>
        %get3A_914 = arith.constant 152 : index
        %get3A_915 = tpu.vector_load %get3A_913[%get3A_914] {strides = array<i32>} : memref<200xf32, #tpu.memory_space<vmem>>, vector<16xf32>,
        %add3A_916 = arith.constant 64 : i32
        %add3A_917 = arith.addi %add3A_916, %scan3A_732 : i32
        %get3A_918 = arith.constant 1 : i32
        %get3A_919 = arith.constant 0 : i32
        %get3A_920 = tpu.memref_slice %arg10[%get3A_918, %add3A_917, %get3A_919] : memref<2x128x200xf32, #tpu.memory_space<vmem>> -> memref<1x1x200xf32, #tpu.memory_space<vmem>>
        %get3A_921 = tpu.memref_squeeze %get3A_920 : memref<1x1x200xf32, #tpu.memory_space<vmem>> -> memref<200xf32, #tpu.memory_space<vmem>>
        %get3A_922 = arith.constant 0 : index
        %get3A_923 = tpu.vector_load %get3A_921[%get3A_922] {strides = array<i32>} : memref<200xf32, #tpu.memory_space<vmem>>, vector<16xf32>,
        %lt3A_924 = arith.constant 3 : i32
        %lt3A_925 = vector.broadcast %lt3A_924 : i32 to vector<16xi32>
        %lt3A_926 = arith.cmpi slt, %iota3A, %lt3A_925 : vector<16xi32>
        %select_n3A_927 = arith.select %lt3A_926, %get3A_915, %get3A_923 : vector<16xi1>, vector<16xf32>
        %add3A_928 = arith.constant 64 : i32
        %add3A_929 = arith.addi %add3A_928, %scan3A_732 : i32
        %swap3A_930 = arith.constant 1 : i32
        %swap3A_931 = arith.constant 0 : i32
        %swap3A_932 = tpu.memref_slice %arg10[%swap3A_930, %add3A_929, %swap3A_931] : memref<2x128x200xf32, #tpu.memory_space<vmem>> -> memref<1x1x200xf32, #tpu.memory_space<vmem>>
        %swap3A_933 = tpu.memref_squeeze %swap3A_932 : memref<1x1x200xf32, #tpu.memory_space<vmem>> -> memref<200xf32, #tpu.memory_space<vmem>>
        %swap3A_934 = arith.constant 0 : index
        %swap3A_935 = tpu.vector_load %swap3A_933[%swap3A_934] {strides = array<i32>} : memref<200xf32, #tpu.memory_space<vmem>>, vector<16xf32>,
        tpu.vector_store %swap3A_933[%swap3A_934], %select_n3A_927 {strides = array<i32>} : memref<200xf32, #tpu.memory_space<vmem>>, vector<16xf32>,
        %add3A_936 = arith.constant 64 : i32
        %add3A_937 = arith.addi %add3A_936, %scan3A_732 : i32
        %get3A_938 = arith.constant 1 : i32
        %get3A_939 = arith.constant 0 : i32
        %get3A_940 = tpu.memref_slice %arg10[%get3A_938, %add3A_937, %get3A_939] : memref<2x128x200xf32, #tpu.memory_space<vmem>> -> memref<1x1x200xf32, #tpu.memory_space<vmem>>
        %get3A_941 = tpu.memref_squeeze %get3A_940 : memref<1x1x200xf32, #tpu.memory_space<vmem>> -> memref<200xf32, #tpu.memory_space<vmem>>
        %get3A_942 = arith.constant 152 : index
        %get3A_943 = tpu.vector_load %get3A_941[%get3A_942] {strides = array<i32>} : memref<200xf32, #tpu.memory_space<vmem>>, vector<16xf32>,
        %add3A_944 = arith.constant 96 : i32
        %add3A_945 = arith.addi %add3A_944, %scan3A_732 : i32
        %get3A_946 = arith.constant 1 : i32
        %get3A_947 = arith.constant 0 : i32
        %get3A_948 = tpu.memref_slice %arg10[%get3A_946, %add3A_945, %get3A_947] : memref<2x128x200xf32, #tpu.memory_space<vmem>> -> memref<1x1x200xf32, #tpu.memory_space<vmem>>
        %get3A_949 = tpu.memref_squeeze %get3A_948 : memref<1x1x200xf32, #tpu.memory_space<vmem>> -> memref<200xf32, #tpu.memory_space<vmem>>
        %get3A_950 = arith.constant 0 : index
        %get3A_951 = tpu.vector_load %get3A_949[%get3A_950] {strides = array<i32>} : memref<200xf32, #tpu.memory_space<vmem>>, vector<16xf32>,
        %lt3A_952 = arith.constant 5 : i32
        %lt3A_953 = vector.broadcast %lt3A_952 : i32 to vector<16xi32>
        %lt3A_954 = arith.cmpi slt, %iota3A, %lt3A_953 : vector<16xi32>
        %select_n3A_955 = arith.select %lt3A_954, %get3A_943, %get3A_951 : vector<16xi1>, vector<16xf32>
        %add3A_956 = arith.constant 96 : i32
        %add3A_957 = arith.addi %add3A_956, %scan3A_732 : i32
        %swap3A_958 = arith.constant 1 : i32
        %swap3A_959 = arith.constant 0 : i32
        %swap3A_960 = tpu.memref_slice %arg10[%swap3A_958, %add3A_957, %swap3A_959] : memref<2x128x200xf32, #tpu.memory_space<vmem>> -> memref<1x1x200xf32, #tpu.memory_space<vmem>>
        %swap3A_961 = tpu.memref_squeeze %swap3A_960 : memref<1x1x200xf32, #tpu.memory_space<vmem>> -> memref<200xf32, #tpu.memory_space<vmem>>
        %swap3A_962 = arith.constant 0 : index
        %swap3A_963 = tpu.vector_load %swap3A_961[%swap3A_962] {strides = array<i32>} : memref<200xf32, #tpu.memory_space<vmem>>, vector<16xf32>,
        tpu.vector_store %swap3A_961[%swap3A_962], %select_n3A_955 {strides = array<i32>} : memref<200xf32, #tpu.memory_space<vmem>>, vector<16xf32>,
      }
      %scan3A_598 = arith.constant 32 : i32
      %add3A_599 = arith.addi %mul3A_2, %add3A_540 : i32
      %mul3A_600 = arith.constant 32 : i32
      %mul3A_601 = arith.muli %add3A_599, %mul3A_600 : i32
      %dma_start3A_602 = arith.constant 1 : i32
      %dma_start3A_603 = arith.constant 0 : i32
      %dma_start3A_604 = arith.constant 0 : i32
      %dma_start3A_605 = tpu.memref_slice %arg8[%dma_start3A_602, %dma_start3A_603, %dma_start3A_604] : memref<2x32x304xf32, #tpu.memory_space<vmem>> -> memref<1x32x288xf32, #tpu.memory_space<vmem>>
      %dma_start3A_606 = tpu.memref_squeeze %dma_start3A_605 : memref<1x32x288xf32, #tpu.memory_space<vmem>> -> memref<32x288xf32, #tpu.memory_space<vmem>>
      %dma_start3A_607 = arith.constant 0 : i32
      %dma_start3A_608 = tpu.memref_slice %arg6[%mul3A_601, %dma_start3A_607] : memref<196608x1111xf32, #tpu.memory_space<hbm>> -> memref<32x288xf32, #tpu.memory_space<hbm>>
      %dma_start3A_609 = arith.constant 0 : i32
      %dma_start3A_610 = tpu.memref_slice %arg6[%mul3A_601, %dma_start3A_609] : memref<196608x1111xf32, #tpu.memory_space<hbm>> -> memref<32x288xf32, #tpu.memory_space<hbm>>
      %dma_start3A_611 = arith.constant 0 : i32
      %dma_start3A_612 = arith.constant 0 : i32
      %dma_start3A_613 = tpu.memref_slice %arg8[%dma_start3A_602, %dma_start3A_611, %dma_start3A_612] : memref<2x32x304xf32, #tpu.memory_space<vmem>> -> memref<1x32x288xf32, #tpu.memory_space<vmem>>
      %dma_start3A_614 = tpu.memref_squeeze %dma_start3A_613 : memref<1x32x288xf32, #tpu.memory_space<vmem>> -> memref<32x288xf32, #tpu.memory_space<vmem>>
      tpu.enqueue_dma source(%dma_start3A_614 : memref<32x288xf32, #tpu.memory_space<vmem>>) target(%dma_start3A_610 : memref<32x288xf32, #tpu.memory_space<hbm>>) target_semaphore(%arg15 : memref<!tpu.dma_semaphore, #tpu.memory_space<semaphore_mem>>)
      %dma_start3A_615 = arith.constant 1 : i32
      %dma_start3A_616 = arith.constant 0 : i32
      %dma_start3A_617 = arith.constant 0 : i32
      %dma_start3A_618 = tpu.memref_slice %arg9[%dma_start3A_615, %dma_start3A_616, %dma_start3A_617] : memref<2x128x72xf32, #tpu.memory_space<vmem>> -> memref<1x32x48xf32, #tpu.memory_space<vmem>>
      %dma_start3A_619 = tpu.memref_squeeze %dma_start3A_618 : memref<1x32x48xf32, #tpu.memory_space<vmem>> -> memref<32x48xf32, #tpu.memory_space<vmem>>
      %dma_start3A_620 = arith.constant 288 : i32
      %dma_start3A_621 = tpu.memref_slice %arg6[%mul3A_601, %dma_start3A_620] : memref<196608x1111xf32, #tpu.memory_space<hbm>> -> memref<32x48xf32, #tpu.memory_space<hbm>>
      %dma_start3A_622 = arith.constant 288 : i32
      %dma_start3A_623 = tpu.memref_slice %arg6[%mul3A_601, %dma_start3A_622] : memref<196608x1111xf32, #tpu.memory_space<hbm>> -> memref<32x48xf32, #tpu.memory_space<hbm>>
      %dma_start3A_624 = arith.constant 0 : i32
      %dma_start3A_625 = arith.constant 0 : i32
      %dma_start3A_626 = tpu.memref_slice %arg9[%dma_start3A_615, %dma_start3A_624, %dma_start3A_625] : memref<2x128x72xf32, #tpu.memory_space<vmem>> -> memref<1x32x48xf32, #tpu.memory_space<vmem>>
      %dma_start3A_627 = tpu.memref_squeeze %dma_start3A_626 : memref<1x32x48xf32, #tpu.memory_space<vmem>> -> memref<32x48xf32, #tpu.memory_space<vmem>>
      tpu.enqueue_dma source(%dma_start3A_627 : memref<32x48xf32, #tpu.memory_space<vmem>>) target(%dma_start3A_623 : memref<32x48xf32, #tpu.memory_space<hbm>>) target_semaphore(%arg15 : memref<!tpu.dma_semaphore, #tpu.memory_space<semaphore_mem>>)
      %dma_start3A_628 = arith.constant 1 : i32
      %dma_start3A_629 = arith.constant 32 : i32
      %dma_start3A_630 = arith.constant 0 : i32
      %dma_start3A_631 = tpu.memref_slice %arg9[%dma_start3A_628, %dma_start3A_629, %dma_start3A_630] : memref<2x128x72xf32, #tpu.memory_space<vmem>> -> memref<1x32x56xf32, #tpu.memory_space<vmem>>
      %dma_start3A_632 = tpu.memref_squeeze %dma_start3A_631 : memref<1x32x56xf32, #tpu.memory_space<vmem>> -> memref<32x56xf32, #tpu.memory_space<vmem>>
      %dma_start3A_633 = arith.constant 336 : i32
      %dma_start3A_634 = tpu.memref_slice %arg6[%mul3A_601, %dma_start3A_633] : memref<196608x1111xf32, #tpu.memory_space<hbm>> -> memref<32x56xf32, #tpu.memory_space<hbm>>
      %dma_start3A_635 = arith.constant 336 : i32
      %dma_start3A_636 = tpu.memref_slice %arg6[%mul3A_601, %dma_start3A_635] : memref<196608x1111xf32, #tpu.memory_space<hbm>> -> memref<32x56xf32, #tpu.memory_space<hbm>>
      %dma_start3A_637 = arith.constant 32 : i32
      %dma_start3A_638 = arith.constant 0 : i32
      %dma_start3A_639 = tpu.memref_slice %arg9[%dma_start3A_628, %dma_start3A_637, %dma_start3A_638] : memref<2x128x72xf32, #tpu.memory_space<vmem>> -> memref<1x32x56xf32, #tpu.memory_space<vmem>>
      %dma_start3A_640 = tpu.memref_squeeze %dma_start3A_639 : memref<1x32x56xf32, #tpu.memory_space<vmem>> -> memref<32x56xf32, #tpu.memory_space<vmem>>
      tpu.enqueue_dma source(%dma_start3A_640 : memref<32x56xf32, #tpu.memory_space<vmem>>) target(%dma_start3A_636 : memref<32x56xf32, #tpu.memory_space<hbm>>) target_semaphore(%arg15 : memref<!tpu.dma_semaphore, #tpu.memory_space<semaphore_mem>>)
      %dma_start3A_641 = arith.constant 1 : i32
      %dma_start3A_642 = arith.constant 64 : i32
      %dma_start3A_643 = arith.constant 0 : i32
      %dma_start3A_644 = tpu.memref_slice %arg9[%dma_start3A_641, %dma_start3A_642, %dma_start3A_643] : memref<2x128x72xf32, #tpu.memory_space<vmem>> -> memref<1x32x48xf32, #tpu.memory_space<vmem>>
      %dma_start3A_645 = tpu.memref_squeeze %dma_start3A_644 : memref<1x32x48xf32, #tpu.memory_space<vmem>> -> memref<32x48xf32, #tpu.memory_space<vmem>>
      %dma_start3A_646 = arith.constant 392 : i32
      %dma_start3A_647 = tpu.memref_slice %arg6[%mul3A_601, %dma_start3A_646] : memref<196608x1111xf32, #tpu.memory_space<hbm>> -> memref<32x48xf32, #tpu.memory_space<hbm>>
      %dma_start3A_648 = arith.constant 392 : i32
      %dma_start3A_649 = tpu.memref_slice %arg6[%mul3A_601, %dma_start3A_648] : memref<196608x1111xf32, #tpu.memory_space<hbm>> -> memref<32x48xf32, #tpu.memory_space<hbm>>
      %dma_start3A_650 = arith.constant 64 : i32
      %dma_start3A_651 = arith.constant 0 : i32
      %dma_start3A_652 = tpu.memref_slice %arg9[%dma_start3A_641, %dma_start3A_650, %dma_start3A_651] : memref<2x128x72xf32, #tpu.memory_space<vmem>> -> memref<1x32x48xf32, #tpu.memory_space<vmem>>
      %dma_start3A_653 = tpu.memref_squeeze %dma_start3A_652 : memref<1x32x48xf32, #tpu.memory_space<vmem>> -> memref<32x48xf32, #tpu.memory_space<vmem>>
      tpu.enqueue_dma source(%dma_start3A_653 : memref<32x48xf32, #tpu.memory_space<vmem>>) target(%dma_start3A_649 : memref<32x48xf32, #tpu.memory_space<hbm>>) target_semaphore(%arg15 : memref<!tpu.dma_semaphore, #tpu.memory_space<semaphore_mem>>)
      %dma_start3A_654 = arith.constant 1 : i32
      %dma_start3A_655 = arith.constant 96 : i32
      %dma_start3A_656 = arith.constant 0 : i32
      %dma_start3A_657 = tpu.memref_slice %arg9[%dma_start3A_654, %dma_start3A_655, %dma_start3A_656] : memref<2x128x72xf32, #tpu.memory_space<vmem>> -> memref<1x32x48xf32, #tpu.memory_space<vmem>>
      %dma_start3A_658 = tpu.memref_squeeze %dma_start3A_657 : memref<1x32x48xf32, #tpu.memory_space<vmem>> -> memref<32x48xf32, #tpu.memory_space<vmem>>
      %dma_start3A_659 = arith.constant 440 : i32
      %dma_start3A_660 = tpu.memref_slice %arg6[%mul3A_601, %dma_start3A_659] : memref<196608x1111xf32, #tpu.memory_space<hbm>> -> memref<32x48xf32, #tpu.memory_space<hbm>>
      %dma_start3A_661 = arith.constant 440 : i32
      %dma_start3A_662 = tpu.memref_slice %arg6[%mul3A_601, %dma_start3A_661] : memref<196608x1111xf32, #tpu.memory_space<hbm>> -> memref<32x48xf32, #tpu.memory_space<hbm>>
      %dma_start3A_663 = arith.constant 96 : i32
      %dma_start3A_664 = arith.constant 0 : i32
      %dma_start3A_665 = tpu.memref_slice %arg9[%dma_start3A_654, %dma_start3A_663, %dma_start3A_664] : memref<2x128x72xf32, #tpu.memory_space<vmem>> -> memref<1x32x48xf32, #tpu.memory_space<vmem>>
      %dma_start3A_666 = tpu.memref_squeeze %dma_start3A_665 : memref<1x32x48xf32, #tpu.memory_space<vmem>> -> memref<32x48xf32, #tpu.memory_space<vmem>>
      tpu.enqueue_dma source(%dma_start3A_666 : memref<32x48xf32, #tpu.memory_space<vmem>>) target(%dma_start3A_662 : memref<32x48xf32, #tpu.memory_space<hbm>>) target_semaphore(%arg15 : memref<!tpu.dma_semaphore, #tpu.memory_space<semaphore_mem>>)
      %dma_start3A_667 = arith.constant 1 : i32
      %dma_start3A_668 = arith.constant 0 : i32
      %dma_start3A_669 = arith.constant 0 : i32
      %dma_start3A_670 = tpu.memref_slice %arg10[%dma_start3A_667, %dma_start3A_668, %dma_start3A_669] : memref<2x128x200xf32, #tpu.memory_space<vmem>> -> memref<1x32x160xf32, #tpu.memory_space<vmem>>
      %dma_start3A_671 = tpu.memref_squeeze %dma_start3A_670 : memref<1x32x160xf32, #tpu.memory_space<vmem>> -> memref<32x160xf32, #tpu.memory_space<vmem>>
      %dma_start3A_672 = arith.constant 488 : i32
      %dma_start3A_673 = tpu.memref_slice %arg6[%mul3A_601, %dma_start3A_672] : memref<196608x1111xf32, #tpu.memory_space<hbm>> -> memref<32x160xf32, #tpu.memory_space<hbm>>
      %dma_start3A_674 = arith.constant 488 : i32
      %dma_start3A_675 = tpu.memref_slice %arg6[%mul3A_601, %dma_start3A_674] : memref<196608x1111xf32, #tpu.memory_space<hbm>> -> memref<32x160xf32, #tpu.memory_space<hbm>>
      %dma_start3A_676 = arith.constant 0 : i32
      %dma_start3A_677 = arith.constant 0 : i32
      %dma_start3A_678 = tpu.memref_slice %arg10[%dma_start3A_667, %dma_start3A_676, %dma_start3A_677] : memref<2x128x200xf32, #tpu.memory_space<vmem>> -> memref<1x32x160xf32, #tpu.memory_space<vmem>>
      %dma_start3A_679 = tpu.memref_squeeze %dma_start3A_678 : memref<1x32x160xf32, #tpu.memory_space<vmem>> -> memref<32x160xf32, #tpu.memory_space<vmem>>
      tpu.enqueue_dma source(%dma_start3A_679 : memref<32x160xf32, #tpu.memory_space<vmem>>) target(%dma_start3A_675 : memref<32x160xf32, #tpu.memory_space<hbm>>) target_semaphore(%arg15 : memref<!tpu.dma_semaphore, #tpu.memory_space<semaphore_mem>>)
      %dma_start3A_680 = arith.constant 1 : i32
      %dma_start3A_681 = arith.constant 32 : i32
      %dma_start3A_682 = arith.constant 0 : i32
      %dma_start3A_683 = tpu.memref_slice %arg10[%dma_start3A_680, %dma_start3A_681, %dma_start3A_682] : memref<2x128x200xf32, #tpu.memory_space<vmem>> -> memref<1x32x152xf32, #tpu.memory_space<vmem>>
      %dma_start3A_684 = tpu.memref_squeeze %dma_start3A_683 : memref<1x32x152xf32, #tpu.memory_space<vmem>> -> memref<32x152xf32, #tpu.memory_space<vmem>>
      %dma_start3A_685 = arith.constant 648 : i32
      %dma_start3A_686 = tpu.memref_slice %arg6[%mul3A_601, %dma_start3A_685] : memref<196608x1111xf32, #tpu.memory_space<hbm>> -> memref<32x152xf32, #tpu.memory_space<hbm>>
      %dma_start3A_687 = arith.constant 648 : i32
      %dma_start3A_688 = tpu.memref_slice %arg6[%mul3A_601, %dma_start3A_687] : memref<196608x1111xf32, #tpu.memory_space<hbm>> -> memref<32x152xf32, #tpu.memory_space<hbm>>
      %dma_start3A_689 = arith.constant 32 : i32
      %dma_start3A_690 = arith.constant 0 : i32
      %dma_start3A_691 = tpu.memref_slice %arg10[%dma_start3A_680, %dma_start3A_689, %dma_start3A_690] : memref<2x128x200xf32, #tpu.memory_space<vmem>> -> memref<1x32x152xf32, #tpu.memory_space<vmem>>
      %dma_start3A_692 = tpu.memref_squeeze %dma_start3A_691 : memref<1x32x152xf32, #tpu.memory_space<vmem>> -> memref<32x152xf32, #tpu.memory_space<vmem>>
      tpu.enqueue_dma source(%dma_start3A_692 : memref<32x152xf32, #tpu.memory_space<vmem>>) target(%dma_start3A_688 : memref<32x152xf32, #tpu.memory_space<hbm>>) target_semaphore(%arg15 : memref<!tpu.dma_semaphore, #tpu.memory_space<semaphore_mem>>)
      %dma_start3A_693 = arith.constant 1 : i32
      %dma_start3A_694 = arith.constant 64 : i32
      %dma_start3A_695 = arith.constant 0 : i32
      %dma_start3A_696 = tpu.memref_slice %arg10[%dma_start3A_693, %dma_start3A_694, %dma_start3A_695] : memref<2x128x200xf32, #tpu.memory_space<vmem>> -> memref<1x32x152xf32, #tpu.memory_space<vmem>>
      %dma_start3A_697 = tpu.memref_squeeze %dma_start3A_696 : memref<1x32x152xf32, #tpu.memory_space<vmem>> -> memref<32x152xf32, #tpu.memory_space<vmem>>
      %dma_start3A_698 = arith.constant 800 : i32
      %dma_start3A_699 = tpu.memref_slice %arg6[%mul3A_601, %dma_start3A_698] : memref<196608x1111xf32, #tpu.memory_space<hbm>> -> memref<32x152xf32, #tpu.memory_space<hbm>>
      %dma_start3A_700 = arith.constant 800 : i32
      %dma_start3A_701 = tpu.memref_slice %arg6[%mul3A_601, %dma_start3A_700] : memref<196608x1111xf32, #tpu.memory_space<hbm>> -> memref<32x152xf32, #tpu.memory_space<hbm>>
      %dma_start3A_702 = arith.constant 64 : i32
      %dma_start3A_703 = arith.constant 0 : i32
      %dma_start3A_704 = tpu.memref_slice %arg10[%dma_start3A_693, %dma_start3A_702, %dma_start3A_703] : memref<2x128x200xf32, #tpu.memory_space<vmem>> -> memref<1x32x152xf32, #tpu.memory_space<vmem>>
      %dma_start3A_705 = tpu.memref_squeeze %dma_start3A_704 : memref<1x32x152xf32, #tpu.memory_space<vmem>> -> memref<32x152xf32, #tpu.memory_space<vmem>>
      tpu.enqueue_dma source(%dma_start3A_705 : memref<32x152xf32, #tpu.memory_space<vmem>>) target(%dma_start3A_701 : memref<32x152xf32, #tpu.memory_space<hbm>>) target_semaphore(%arg15 : memref<!tpu.dma_semaphore, #tpu.memory_space<semaphore_mem>>)
      %dma_start3A_706 = arith.constant 1 : i32
      %dma_start3A_707 = arith.constant 96 : i32
      %dma_start3A_708 = arith.constant 0 : i32
      %dma_start3A_709 = tpu.memref_slice %arg10[%dma_start3A_706, %dma_start3A_707, %dma_start3A_708] : memref<2x128x200xf32, #tpu.memory_space<vmem>> -> memref<1x32x152xf32, #tpu.memory_space<vmem>>
      %dma_start3A_710 = tpu.memref_squeeze %dma_start3A_709 : memref<1x32x152xf32, #tpu.memory_space<vmem>> -> memref<32x152xf32, #tpu.memory_space<vmem>>
      %dma_start3A_711 = arith.constant 952 : i32
      %dma_start3A_712 = tpu.memref_slice %arg6[%mul3A_601, %dma_start3A_711] : memref<196608x1111xf32, #tpu.memory_space<hbm>> -> memref<32x152xf32, #tpu.memory_space<hbm>>
      %dma_start3A_713 = arith.constant 952 : i32
      %dma_start3A_714 = tpu.memref_slice %arg6[%mul3A_601, %dma_start3A_713] : memref<196608x1111xf32, #tpu.memory_space<hbm>> -> memref<32x152xf32, #tpu.memory_space<hbm>>
      %dma_start3A_715 = arith.constant 96 : i32
      %dma_start3A_716 = arith.constant 0 : i32
      %dma_start3A_717 = tpu.memref_slice %arg10[%dma_start3A_706, %dma_start3A_715, %dma_start3A_716] : memref<2x128x200xf32, #tpu.memory_space<vmem>> -> memref<1x32x152xf32, #tpu.memory_space<vmem>>
      %dma_start3A_718 = tpu.memref_squeeze %dma_start3A_717 : memref<1x32x152xf32, #tpu.memory_space<vmem>> -> memref<32x152xf32, #tpu.memory_space<vmem>>
      tpu.enqueue_dma source(%dma_start3A_718 : memref<32x152xf32, #tpu.memory_space<vmem>>) target(%dma_start3A_714 : memref<32x152xf32, #tpu.memory_space<hbm>>) target_semaphore(%arg15 : memref<!tpu.dma_semaphore, #tpu.memory_space<semaphore_mem>>)
      %dma_start3A_719 = arith.constant 1 : i32
      %dma_start3A_720 = arith.constant 0 : i32
      %dma_start3A_721 = arith.constant 152 : i32
      %dma_start3A_722 = tpu.memref_slice %arg11[%dma_start3A_719, %dma_start3A_720, %dma_start3A_721] : memref<2x32x159xf32, #tpu.memory_space<vmem>> -> memref<1x32x7xf32, #tpu.memory_space<vmem>>
      %dma_start3A_723 = tpu.memref_squeeze %dma_start3A_722 : memref<1x32x7xf32, #tpu.memory_space<vmem>> -> memref<32x7xf32, #tpu.memory_space<vmem>>
      %dma_start3A_724 = arith.constant 1104 : i32
      %dma_start3A_725 = tpu.memref_slice %arg6[%mul3A_601, %dma_start3A_724] : memref<196608x1111xf32, #tpu.memory_space<hbm>> -> memref<32x7xf32, #tpu.memory_space<hbm>>
      %dma_start3A_726 = arith.constant 1104 : i32
      %dma_start3A_727 = tpu.memref_slice %arg6[%mul3A_601, %dma_start3A_726] : memref<196608x1111xf32, #tpu.memory_space<hbm>> -> memref<32x7xf32, #tpu.memory_space<hbm>>
      %dma_start3A_728 = arith.constant 0 : i32
      %dma_start3A_729 = arith.constant 152 : i32
      %dma_start3A_730 = tpu.memref_slice %arg11[%dma_start3A_719, %dma_start3A_728, %dma_start3A_729] : memref<2x32x159xf32, #tpu.memory_space<vmem>> -> memref<1x32x7xf32, #tpu.memory_space<vmem>>
      %dma_start3A_731 = tpu.memref_squeeze %dma_start3A_730 : memref<1x32x7xf32, #tpu.memory_space<vmem>> -> memref<32x7xf32, #tpu.memory_space<vmem>>
      tpu.enqueue_dma source(%dma_start3A_731 : memref<32x7xf32, #tpu.memory_space<vmem>>) target(%dma_start3A_727 : memref<32x7xf32, #tpu.memory_space<hbm>>) target_semaphore(%arg15 : memref<!tpu.dma_semaphore, #tpu.memory_space<semaphore_mem>>)
    }
    %scan3A_44 = arith.constant 96 : i32
    %dma_wait3A = arith.constant 0 : i32
    %dma_wait3A_45 = arith.constant 0 : i32
    %dma_wait3A_46 = arith.constant 0 : i32
    %dma_wait3A_47 = tpu.memref_slice %arg8[%dma_wait3A, %dma_wait3A_45, %dma_wait3A_46] : memref<2x32x304xf32, #tpu.memory_space<vmem>> -> memref<1x32x288xf32, #tpu.memory_space<vmem>>
    %dma_wait3A_48 = tpu.memref_squeeze %dma_wait3A_47 : memref<1x32x288xf32, #tpu.memory_space<vmem>> -> memref<32x288xf32, #tpu.memory_space<vmem>>
    %dma_wait3A_49 = arith.constant 0 : i32
    %dma_wait3A_50 = arith.constant 0 : i32
    %dma_wait3A_51 = tpu.memref_slice %arg6[%dma_wait3A_49, %dma_wait3A_50] : memref<196608x1111xf32, #tpu.memory_space<hbm>> -> memref<32x288xf32, #tpu.memory_space<hbm>>
    %dma_wait3A_52 = arith.constant 0 : i32
    %dma_wait3A_53 = arith.constant 0 : i32
    %dma_wait3A_54 = tpu.memref_slice %arg6[%dma_wait3A_52, %dma_wait3A_53] : memref<196608x1111xf32, #tpu.memory_space<hbm>> -> memref<32x288xf32, #tpu.memory_space<hbm>>
    %dma_wait3A_55 = arith.constant 0 : i32
    %dma_wait3A_56 = arith.constant 0 : i32
    %dma_wait3A_57 = tpu.memref_slice %arg8[%dma_wait3A, %dma_wait3A_55, %dma_wait3A_56] : memref<2x32x304xf32, #tpu.memory_space<vmem>> -> memref<1x32x288xf32, #tpu.memory_space<vmem>>
    %dma_wait3A_58 = tpu.memref_squeeze %dma_wait3A_57 : memref<1x32x288xf32, #tpu.memory_space<vmem>> -> memref<32x288xf32, #tpu.memory_space<vmem>>
    tpu.wait_dma2 semaphore(%arg14 : memref<!tpu.dma_semaphore, #tpu.memory_space<semaphore_mem>>) src(%dma_wait3A_58 : memref<32x288xf32, #tpu.memory_space<vmem>>) dst(%dma_wait3A_54 : memref<32x288xf32, #tpu.memory_space<hbm>>)
    %dma_wait3A_59 = arith.constant 0 : i32
    %dma_wait3A_60 = arith.constant 0 : i32
    %dma_wait3A_61 = arith.constant 0 : i32
    %dma_wait3A_62 = tpu.memref_slice %arg9[%dma_wait3A_59, %dma_wait3A_60, %dma_wait3A_61] : memref<2x128x72xf32, #tpu.memory_space<vmem>> -> memref<1x32x48xf32, #tpu.memory_space<vmem>>
    %dma_wait3A_63 = tpu.memref_squeeze %dma_wait3A_62 : memref<1x32x48xf32, #tpu.memory_space<vmem>> -> memref<32x48xf32, #tpu.memory_space<vmem>>
    %dma_wait3A_64 = arith.constant 0 : i32
    %dma_wait3A_65 = arith.constant 288 : i32
    %dma_wait3A_66 = tpu.memref_slice %arg6[%dma_wait3A_64, %dma_wait3A_65] : memref<196608x1111xf32, #tpu.memory_space<hbm>> -> memref<32x48xf32, #tpu.memory_space<hbm>>
    %dma_wait3A_67 = arith.constant 0 : i32
    %dma_wait3A_68 = arith.constant 288 : i32
    %dma_wait3A_69 = tpu.memref_slice %arg6[%dma_wait3A_67, %dma_wait3A_68] : memref<196608x1111xf32, #tpu.memory_space<hbm>> -> memref<32x48xf32, #tpu.memory_space<hbm>>
    %dma_wait3A_70 = arith.constant 0 : i32
    %dma_wait3A_71 = arith.constant 0 : i32
    %dma_wait3A_72 = tpu.memref_slice %arg9[%dma_wait3A_59, %dma_wait3A_70, %dma_wait3A_71] : memref<2x128x72xf32, #tpu.memory_space<vmem>> -> memref<1x32x48xf32, #tpu.memory_space<vmem>>
    %dma_wait3A_73 = tpu.memref_squeeze %dma_wait3A_72 : memref<1x32x48xf32, #tpu.memory_space<vmem>> -> memref<32x48xf32, #tpu.memory_space<vmem>>
    tpu.wait_dma2 semaphore(%arg14 : memref<!tpu.dma_semaphore, #tpu.memory_space<semaphore_mem>>) src(%dma_wait3A_73 : memref<32x48xf32, #tpu.memory_space<vmem>>) dst(%dma_wait3A_69 : memref<32x48xf32, #tpu.memory_space<hbm>>)
    %dma_wait3A_74 = arith.constant 0 : i32
    %dma_wait3A_75 = arith.constant 32 : i32
    %dma_wait3A_76 = arith.constant 0 : i32
    %dma_wait3A_77 = tpu.memref_slice %arg9[%dma_wait3A_74, %dma_wait3A_75, %dma_wait3A_76] : memref<2x128x72xf32, #tpu.memory_space<vmem>> -> memref<1x32x56xf32, #tpu.memory_space<vmem>>
    %dma_wait3A_78 = tpu.memref_squeeze %dma_wait3A_77 : memref<1x32x56xf32, #tpu.memory_space<vmem>> -> memref<32x56xf32, #tpu.memory_space<vmem>>
    %dma_wait3A_79 = arith.constant 0 : i32
    %dma_wait3A_80 = arith.constant 336 : i32
    %dma_wait3A_81 = tpu.memref_slice %arg6[%dma_wait3A_79, %dma_wait3A_80] : memref<196608x1111xf32, #tpu.memory_space<hbm>> -> memref<32x56xf32, #tpu.memory_space<hbm>>
    %dma_wait3A_82 = arith.constant 0 : i32
    %dma_wait3A_83 = arith.constant 336 : i32
    %dma_wait3A_84 = tpu.memref_slice %arg6[%dma_wait3A_82, %dma_wait3A_83] : memref<196608x1111xf32, #tpu.memory_space<hbm>> -> memref<32x56xf32, #tpu.memory_space<hbm>>
    %dma_wait3A_85 = arith.constant 32 : i32
    %dma_wait3A_86 = arith.constant 0 : i32
    %dma_wait3A_87 = tpu.memref_slice %arg9[%dma_wait3A_74, %dma_wait3A_85, %dma_wait3A_86] : memref<2x128x72xf32, #tpu.memory_space<vmem>> -> memref<1x32x56xf32, #tpu.memory_space<vmem>>
    %dma_wait3A_88 = tpu.memref_squeeze %dma_wait3A_87 : memref<1x32x56xf32, #tpu.memory_space<vmem>> -> memref<32x56xf32, #tpu.memory_space<vmem>>
    tpu.wait_dma2 semaphore(%arg14 : memref<!tpu.dma_semaphore, #tpu.memory_space<semaphore_mem>>) src(%dma_wait3A_88 : memref<32x56xf32, #tpu.memory_space<vmem>>) dst(%dma_wait3A_84 : memref<32x56xf32, #tpu.memory_space<hbm>>)
    %dma_wait3A_89 = arith.constant 0 : i32
    %dma_wait3A_90 = arith.constant 64 : i32
    %dma_wait3A_91 = arith.constant 0 : i32
    %dma_wait3A_92 = tpu.memref_slice %arg9[%dma_wait3A_89, %dma_wait3A_90, %dma_wait3A_91] : memref<2x128x72xf32, #tpu.memory_space<vmem>> -> memref<1x32x48xf32, #tpu.memory_space<vmem>>
    %dma_wait3A_93 = tpu.memref_squeeze %dma_wait3A_92 : memref<1x32x48xf32, #tpu.memory_space<vmem>> -> memref<32x48xf32, #tpu.memory_space<vmem>>
    %dma_wait3A_94 = arith.constant 0 : i32
    %dma_wait3A_95 = arith.constant 392 : i32
    %dma_wait3A_96 = tpu.memref_slice %arg6[%dma_wait3A_94, %dma_wait3A_95] : memref<196608x1111xf32, #tpu.memory_space<hbm>> -> memref<32x48xf32, #tpu.memory_space<hbm>>
    %dma_wait3A_97 = arith.constant 0 : i32
    %dma_wait3A_98 = arith.constant 392 : i32
    %dma_wait3A_99 = tpu.memref_slice %arg6[%dma_wait3A_97, %dma_wait3A_98] : memref<196608x1111xf32, #tpu.memory_space<hbm>> -> memref<32x48xf32, #tpu.memory_space<hbm>>
    %dma_wait3A_100 = arith.constant 64 : i32
    %dma_wait3A_101 = arith.constant 0 : i32
    %dma_wait3A_102 = tpu.memref_slice %arg9[%dma_wait3A_89, %dma_wait3A_100, %dma_wait3A_101] : memref<2x128x72xf32, #tpu.memory_space<vmem>> -> memref<1x32x48xf32, #tpu.memory_space<vmem>>
    %dma_wait3A_103 = tpu.memref_squeeze %dma_wait3A_102 : memref<1x32x48xf32, #tpu.memory_space<vmem>> -> memref<32x48xf32, #tpu.memory_space<vmem>>
    tpu.wait_dma2 semaphore(%arg14 : memref<!tpu.dma_semaphore, #tpu.memory_space<semaphore_mem>>) src(%dma_wait3A_103 : memref<32x48xf32, #tpu.memory_space<vmem>>) dst(%dma_wait3A_99 : memref<32x48xf32, #tpu.memory_space<hbm>>)
    %dma_wait3A_104 = arith.constant 0 : i32
    %dma_wait3A_105 = arith.constant 96 : i32
    %dma_wait3A_106 = arith.constant 0 : i32
    %dma_wait3A_107 = tpu.memref_slice %arg9[%dma_wait3A_104, %dma_wait3A_105, %dma_wait3A_106] : memref<2x128x72xf32, #tpu.memory_space<vmem>> -> memref<1x32x48xf32, #tpu.memory_space<vmem>>
    %dma_wait3A_108 = tpu.memref_squeeze %dma_wait3A_107 : memref<1x32x48xf32, #tpu.memory_space<vmem>> -> memref<32x48xf32, #tpu.memory_space<vmem>>
    %dma_wait3A_109 = arith.constant 0 : i32
    %dma_wait3A_110 = arith.constant 440 : i32
    %dma_wait3A_111 = tpu.memref_slice %arg6[%dma_wait3A_109, %dma_wait3A_110] : memref<196608x1111xf32, #tpu.memory_space<hbm>> -> memref<32x48xf32, #tpu.memory_space<hbm>>
    %dma_wait3A_112 = arith.constant 0 : i32
    %dma_wait3A_113 = arith.constant 440 : i32
    %dma_wait3A_114 = tpu.memref_slice %arg6[%dma_wait3A_112, %dma_wait3A_113] : memref<196608x1111xf32, #tpu.memory_space<hbm>> -> memref<32x48xf32, #tpu.memory_space<hbm>>
    %dma_wait3A_115 = arith.constant 96 : i32
    %dma_wait3A_116 = arith.constant 0 : i32
    %dma_wait3A_117 = tpu.memref_slice %arg9[%dma_wait3A_104, %dma_wait3A_115, %dma_wait3A_116] : memref<2x128x72xf32, #tpu.memory_space<vmem>> -> memref<1x32x48xf32, #tpu.memory_space<vmem>>
    %dma_wait3A_118 = tpu.memref_squeeze %dma_wait3A_117 : memref<1x32x48xf32, #tpu.memory_space<vmem>> -> memref<32x48xf32, #tpu.memory_space<vmem>>
    tpu.wait_dma2 semaphore(%arg14 : memref<!tpu.dma_semaphore, #tpu.memory_space<semaphore_mem>>) src(%dma_wait3A_118 : memref<32x48xf32, #tpu.memory_space<vmem>>) dst(%dma_wait3A_114 : memref<32x48xf32, #tpu.memory_space<hbm>>)
    %dma_wait3A_119 = arith.constant 0 : i32
    %dma_wait3A_120 = arith.constant 0 : i32
    %dma_wait3A_121 = arith.constant 0 : i32
    %dma_wait3A_122 = tpu.memref_slice %arg10[%dma_wait3A_119, %dma_wait3A_120, %dma_wait3A_121] : memref<2x128x200xf32, #tpu.memory_space<vmem>> -> memref<1x32x160xf32, #tpu.memory_space<vmem>>
    %dma_wait3A_123 = tpu.memref_squeeze %dma_wait3A_122 : memref<1x32x160xf32, #tpu.memory_space<vmem>> -> memref<32x160xf32, #tpu.memory_space<vmem>>
    %dma_wait3A_124 = arith.constant 0 : i32
    %dma_wait3A_125 = arith.constant 488 : i32
    %dma_wait3A_126 = tpu.memref_slice %arg6[%dma_wait3A_124, %dma_wait3A_125] : memref<196608x1111xf32, #tpu.memory_space<hbm>> -> memref<32x160xf32, #tpu.memory_space<hbm>>
    %dma_wait3A_127 = arith.constant 0 : i32
    %dma_wait3A_128 = arith.constant 488 : i32
    %dma_wait3A_129 = tpu.memref_slice %arg6[%dma_wait3A_127, %dma_wait3A_128] : memref<196608x1111xf32, #tpu.memory_space<hbm>> -> memref<32x160xf32, #tpu.memory_space<hbm>>
    %dma_wait3A_130 = arith.constant 0 : i32
    %dma_wait3A_131 = arith.constant 0 : i32
    %dma_wait3A_132 = tpu.memref_slice %arg10[%dma_wait3A_119, %dma_wait3A_130, %dma_wait3A_131] : memref<2x128x200xf32, #tpu.memory_space<vmem>> -> memref<1x32x160xf32, #tpu.memory_space<vmem>>
    %dma_wait3A_133 = tpu.memref_squeeze %dma_wait3A_132 : memref<1x32x160xf32, #tpu.memory_space<vmem>> -> memref<32x160xf32, #tpu.memory_space<vmem>>
    tpu.wait_dma2 semaphore(%arg14 : memref<!tpu.dma_semaphore, #tpu.memory_space<semaphore_mem>>) src(%dma_wait3A_133 : memref<32x160xf32, #tpu.memory_space<vmem>>) dst(%dma_wait3A_129 : memref<32x160xf32, #tpu.memory_space<hbm>>)
    %dma_wait3A_134 = arith.constant 0 : i32
    %dma_wait3A_135 = arith.constant 32 : i32
    %dma_wait3A_136 = arith.constant 0 : i32
    %dma_wait3A_137 = tpu.memref_slice %arg10[%dma_wait3A_134, %dma_wait3A_135, %dma_wait3A_136] : memref<2x128x200xf32, #tpu.memory_space<vmem>> -> memref<1x32x152xf32, #tpu.memory_space<vmem>>
    %dma_wait3A_138 = tpu.memref_squeeze %dma_wait3A_137 : memref<1x32x152xf32, #tpu.memory_space<vmem>> -> memref<32x152xf32, #tpu.memory_space<vmem>>
    %dma_wait3A_139 = arith.constant 0 : i32
    %dma_wait3A_140 = arith.constant 648 : i32
    %dma_wait3A_141 = tpu.memref_slice %arg6[%dma_wait3A_139, %dma_wait3A_140] : memref<196608x1111xf32, #tpu.memory_space<hbm>> -> memref<32x152xf32, #tpu.memory_space<hbm>>
    %dma_wait3A_142 = arith.constant 0 : i32
    %dma_wait3A_143 = arith.constant 648 : i32
    %dma_wait3A_144 = tpu.memref_slice %arg6[%dma_wait3A_142, %dma_wait3A_143] : memref<196608x1111xf32, #tpu.memory_space<hbm>> -> memref<32x152xf32, #tpu.memory_space<hbm>>
    %dma_wait3A_145 = arith.constant 32 : i32
    %dma_wait3A_146 = arith.constant 0 : i32
    %dma_wait3A_147 = tpu.memref_slice %arg10[%dma_wait3A_134, %dma_wait3A_145, %dma_wait3A_146] : memref<2x128x200xf32, #tpu.memory_space<vmem>> -> memref<1x32x152xf32, #tpu.memory_space<vmem>>
    %dma_wait3A_148 = tpu.memref_squeeze %dma_wait3A_147 : memref<1x32x152xf32, #tpu.memory_space<vmem>> -> memref<32x152xf32, #tpu.memory_space<vmem>>
    tpu.wait_dma2 semaphore(%arg14 : memref<!tpu.dma_semaphore, #tpu.memory_space<semaphore_mem>>) src(%dma_wait3A_148 : memref<32x152xf32, #tpu.memory_space<vmem>>) dst(%dma_wait3A_144 : memref<32x152xf32, #tpu.memory_space<hbm>>)
    %dma_wait3A_149 = arith.constant 0 : i32
    %dma_wait3A_150 = arith.constant 64 : i32
    %dma_wait3A_151 = arith.constant 0 : i32
    %dma_wait3A_152 = tpu.memref_slice %arg10[%dma_wait3A_149, %dma_wait3A_150, %dma_wait3A_151] : memref<2x128x200xf32, #tpu.memory_space<vmem>> -> memref<1x32x152xf32, #tpu.memory_space<vmem>>
    %dma_wait3A_153 = tpu.memref_squeeze %dma_wait3A_152 : memref<1x32x152xf32, #tpu.memory_space<vmem>> -> memref<32x152xf32, #tpu.memory_space<vmem>>
    %dma_wait3A_154 = arith.constant 0 : i32
    %dma_wait3A_155 = arith.constant 800 : i32
    %dma_wait3A_156 = tpu.memref_slice %arg6[%dma_wait3A_154, %dma_wait3A_155] : memref<196608x1111xf32, #tpu.memory_space<hbm>> -> memref<32x152xf32, #tpu.memory_space<hbm>>
    %dma_wait3A_157 = arith.constant 0 : i32
    %dma_wait3A_158 = arith.constant 800 : i32
    %dma_wait3A_159 = tpu.memref_slice %arg6[%dma_wait3A_157, %dma_wait3A_158] : memref<196608x1111xf32, #tpu.memory_space<hbm>> -> memref<32x152xf32, #tpu.memory_space<hbm>>
    %dma_wait3A_160 = arith.constant 64 : i32
    %dma_wait3A_161 = arith.constant 0 : i32
    %dma_wait3A_162 = tpu.memref_slice %arg10[%dma_wait3A_149, %dma_wait3A_160, %dma_wait3A_161] : memref<2x128x200xf32, #tpu.memory_space<vmem>> -> memref<1x32x152xf32, #tpu.memory_space<vmem>>
    %dma_wait3A_163 = tpu.memref_squeeze %dma_wait3A_162 : memref<1x32x152xf32, #tpu.memory_space<vmem>> -> memref<32x152xf32, #tpu.memory_space<vmem>>
    tpu.wait_dma2 semaphore(%arg14 : memref<!tpu.dma_semaphore, #tpu.memory_space<semaphore_mem>>) src(%dma_wait3A_163 : memref<32x152xf32, #tpu.memory_space<vmem>>) dst(%dma_wait3A_159 : memref<32x152xf32, #tpu.memory_space<hbm>>)
    %dma_wait3A_164 = arith.constant 0 : i32
    %dma_wait3A_165 = arith.constant 96 : i32
    %dma_wait3A_166 = arith.constant 0 : i32
    %dma_wait3A_167 = tpu.memref_slice %arg10[%dma_wait3A_164, %dma_wait3A_165, %dma_wait3A_166] : memref<2x128x200xf32, #tpu.memory_space<vmem>> -> memref<1x32x152xf32, #tpu.memory_space<vmem>>
    %dma_wait3A_168 = tpu.memref_squeeze %dma_wait3A_167 : memref<1x32x152xf32, #tpu.memory_space<vmem>> -> memref<32x152xf32, #tpu.memory_space<vmem>>
    %dma_wait3A_169 = arith.constant 0 : i32
    %dma_wait3A_170 = arith.constant 952 : i32
    %dma_wait3A_171 = tpu.memref_slice %arg6[%dma_wait3A_169, %dma_wait3A_170] : memref<196608x1111xf32, #tpu.memory_space<hbm>> -> memref<32x152xf32, #tpu.memory_space<hbm>>
    %dma_wait3A_172 = arith.constant 0 : i32
    %dma_wait3A_173 = arith.constant 952 : i32
    %dma_wait3A_174 = tpu.memref_slice %arg6[%dma_wait3A_172, %dma_wait3A_173] : memref<196608x1111xf32, #tpu.memory_space<hbm>> -> memref<32x152xf32, #tpu.memory_space<hbm>>
    %dma_wait3A_175 = arith.constant 96 : i32
    %dma_wait3A_176 = arith.constant 0 : i32
    %dma_wait3A_177 = tpu.memref_slice %arg10[%dma_wait3A_164, %dma_wait3A_175, %dma_wait3A_176] : memref<2x128x200xf32, #tpu.memory_space<vmem>> -> memref<1x32x152xf32, #tpu.memory_space<vmem>>
    %dma_wait3A_178 = tpu.memref_squeeze %dma_wait3A_177 : memref<1x32x152xf32, #tpu.memory_space<vmem>> -> memref<32x152xf32, #tpu.memory_space<vmem>>
    tpu.wait_dma2 semaphore(%arg14 : memref<!tpu.dma_semaphore, #tpu.memory_space<semaphore_mem>>) src(%dma_wait3A_178 : memref<32x152xf32, #tpu.memory_space<vmem>>) dst(%dma_wait3A_174 : memref<32x152xf32, #tpu.memory_space<hbm>>)
    %dma_wait3A_179 = arith.constant 0 : i32
    %dma_wait3A_180 = arith.constant 0 : i32
    %dma_wait3A_181 = arith.constant 152 : i32
    %dma_wait3A_182 = tpu.memref_slice %arg11[%dma_wait3A_179, %dma_wait3A_180, %dma_wait3A_181] : memref<2x32x159xf32, #tpu.memory_space<vmem>> -> memref<1x32x7xf32, #tpu.memory_space<vmem>>
    %dma_wait3A_183 = tpu.memref_squeeze %dma_wait3A_182 : memref<1x32x7xf32, #tpu.memory_space<vmem>> -> memref<32x7xf32, #tpu.memory_space<vmem>>
    %dma_wait3A_184 = arith.constant 0 : i32
    %dma_wait3A_185 = arith.constant 1104 : i32
    %dma_wait3A_186 = tpu.memref_slice %arg6[%dma_wait3A_184, %dma_wait3A_185] : memref<196608x1111xf32, #tpu.memory_space<hbm>> -> memref<32x7xf32, #tpu.memory_space<hbm>>
    %dma_wait3A_187 = arith.constant 0 : i32
    %dma_wait3A_188 = arith.constant 1104 : i32
    %dma_wait3A_189 = tpu.memref_slice %arg6[%dma_wait3A_187, %dma_wait3A_188] : memref<196608x1111xf32, #tpu.memory_space<hbm>> -> memref<32x7xf32, #tpu.memory_space<hbm>>
    %dma_wait3A_190 = arith.constant 0 : i32
    %dma_wait3A_191 = arith.constant 152 : i32
    %dma_wait3A_192 = tpu.memref_slice %arg11[%dma_wait3A_179, %dma_wait3A_190, %dma_wait3A_191] : memref<2x32x159xf32, #tpu.memory_space<vmem>> -> memref<1x32x7xf32, #tpu.memory_space<vmem>>
    %dma_wait3A_193 = tpu.memref_squeeze %dma_wait3A_192 : memref<1x32x7xf32, #tpu.memory_space<vmem>> -> memref<32x7xf32, #tpu.memory_space<vmem>>
    tpu.wait_dma2 semaphore(%arg14 : memref<!tpu.dma_semaphore, #tpu.memory_space<semaphore_mem>>) src(%dma_wait3A_193 : memref<32x7xf32, #tpu.memory_space<vmem>>) dst(%dma_wait3A_189 : memref<32x7xf32, #tpu.memory_space<hbm>>)
    %dma_wait3A_194 = arith.constant 1 : i32
    %dma_wait3A_195 = arith.constant 0 : i32
    %dma_wait3A_196 = arith.constant 0 : i32
    %dma_wait3A_197 = tpu.memref_slice %arg8[%dma_wait3A_194, %dma_wait3A_195, %dma_wait3A_196] : memref<2x32x304xf32, #tpu.memory_space<vmem>> -> memref<1x32x288xf32, #tpu.memory_space<vmem>>
    %dma_wait3A_198 = tpu.memref_squeeze %dma_wait3A_197 : memref<1x32x288xf32, #tpu.memory_space<vmem>> -> memref<32x288xf32, #tpu.memory_space<vmem>>
    %dma_wait3A_199 = arith.constant 0 : i32
    %dma_wait3A_200 = arith.constant 0 : i32
    %dma_wait3A_201 = tpu.memref_slice %arg6[%dma_wait3A_199, %dma_wait3A_200] : memref<196608x1111xf32, #tpu.memory_space<hbm>> -> memref<32x288xf32, #tpu.memory_space<hbm>>
    %dma_wait3A_202 = arith.constant 0 : i32
    %dma_wait3A_203 = arith.constant 0 : i32
    %dma_wait3A_204 = tpu.memref_slice %arg6[%dma_wait3A_202, %dma_wait3A_203] : memref<196608x1111xf32, #tpu.memory_space<hbm>> -> memref<32x288xf32, #tpu.memory_space<hbm>>
    %dma_wait3A_205 = arith.constant 0 : i32
    %dma_wait3A_206 = arith.constant 0 : i32
    %dma_wait3A_207 = tpu.memref_slice %arg8[%dma_wait3A_194, %dma_wait3A_205, %dma_wait3A_206] : memref<2x32x304xf32, #tpu.memory_space<vmem>> -> memref<1x32x288xf32, #tpu.memory_space<vmem>>
    %dma_wait3A_208 = tpu.memref_squeeze %dma_wait3A_207 : memref<1x32x288xf32, #tpu.memory_space<vmem>> -> memref<32x288xf32, #tpu.memory_space<vmem>>
    tpu.wait_dma2 semaphore(%arg15 : memref<!tpu.dma_semaphore, #tpu.memory_space<semaphore_mem>>) src(%dma_wait3A_208 : memref<32x288xf32, #tpu.memory_space<vmem>>) dst(%dma_wait3A_204 : memref<32x288xf32, #tpu.memory_space<hbm>>)
    %dma_wait3A_209 = arith.constant 1 : i32
    %dma_wait3A_210 = arith.constant 0 : i32
    %dma_wait3A_211 = arith.constant 0 : i32
    %dma_wait3A_212 = tpu.memref_slice %arg9[%dma_wait3A_209, %dma_wait3A_210, %dma_wait3A_211] : memref<2x128x72xf32, #tpu.memory_space<vmem>> -> memref<1x32x48xf32, #tpu.memory_space<vmem>>
    %dma_wait3A_213 = tpu.memref_squeeze %dma_wait3A_212 : memref<1x32x48xf32, #tpu.memory_space<vmem>> -> memref<32x48xf32, #tpu.memory_space<vmem>>
    %dma_wait3A_214 = arith.constant 0 : i32
    %dma_wait3A_215 = arith.constant 288 : i32
    %dma_wait3A_216 = tpu.memref_slice %arg6[%dma_wait3A_214, %dma_wait3A_215] : memref<196608x1111xf32, #tpu.memory_space<hbm>> -> memref<32x48xf32, #tpu.memory_space<hbm>>
    %dma_wait3A_217 = arith.constant 0 : i32
    %dma_wait3A_218 = arith.constant 288 : i32
    %dma_wait3A_219 = tpu.memref_slice %arg6[%dma_wait3A_217, %dma_wait3A_218] : memref<196608x1111xf32, #tpu.memory_space<hbm>> -> memref<32x48xf32, #tpu.memory_space<hbm>>
    %dma_wait3A_220 = arith.constant 0 : i32
    %dma_wait3A_221 = arith.constant 0 : i32
    %dma_wait3A_222 = tpu.memref_slice %arg9[%dma_wait3A_209, %dma_wait3A_220, %dma_wait3A_221] : memref<2x128x72xf32, #tpu.memory_space<vmem>> -> memref<1x32x48xf32, #tpu.memory_space<vmem>>
    %dma_wait3A_223 = tpu.memref_squeeze %dma_wait3A_222 : memref<1x32x48xf32, #tpu.memory_space<vmem>> -> memref<32x48xf32, #tpu.memory_space<vmem>>
    tpu.wait_dma2 semaphore(%arg15 : memref<!tpu.dma_semaphore, #tpu.memory_space<semaphore_mem>>) src(%dma_wait3A_223 : memref<32x48xf32, #tpu.memory_space<vmem>>) dst(%dma_wait3A_219 : memref<32x48xf32, #tpu.memory_space<hbm>>)
    %dma_wait3A_224 = arith.constant 1 : i32
    %dma_wait3A_225 = arith.constant 32 : i32
    %dma_wait3A_226 = arith.constant 0 : i32
    %dma_wait3A_227 = tpu.memref_slice %arg9[%dma_wait3A_224, %dma_wait3A_225, %dma_wait3A_226] : memref<2x128x72xf32, #tpu.memory_space<vmem>> -> memref<1x32x56xf32, #tpu.memory_space<vmem>>
    %dma_wait3A_228 = tpu.memref_squeeze %dma_wait3A_227 : memref<1x32x56xf32, #tpu.memory_space<vmem>> -> memref<32x56xf32, #tpu.memory_space<vmem>>
    %dma_wait3A_229 = arith.constant 0 : i32
    %dma_wait3A_230 = arith.constant 336 : i32
    %dma_wait3A_231 = tpu.memref_slice %arg6[%dma_wait3A_229, %dma_wait3A_230] : memref<196608x1111xf32, #tpu.memory_space<hbm>> -> memref<32x56xf32, #tpu.memory_space<hbm>>
    %dma_wait3A_232 = arith.constant 0 : i32
    %dma_wait3A_233 = arith.constant 336 : i32
    %dma_wait3A_234 = tpu.memref_slice %arg6[%dma_wait3A_232, %dma_wait3A_233] : memref<196608x1111xf32, #tpu.memory_space<hbm>> -> memref<32x56xf32, #tpu.memory_space<hbm>>
    %dma_wait3A_235 = arith.constant 32 : i32
    %dma_wait3A_236 = arith.constant 0 : i32
    %dma_wait3A_237 = tpu.memref_slice %arg9[%dma_wait3A_224, %dma_wait3A_235, %dma_wait3A_236] : memref<2x128x72xf32, #tpu.memory_space<vmem>> -> memref<1x32x56xf32, #tpu.memory_space<vmem>>
    %dma_wait3A_238 = tpu.memref_squeeze %dma_wait3A_237 : memref<1x32x56xf32, #tpu.memory_space<vmem>> -> memref<32x56xf32, #tpu.memory_space<vmem>>
    tpu.wait_dma2 semaphore(%arg15 : memref<!tpu.dma_semaphore, #tpu.memory_space<semaphore_mem>>) src(%dma_wait3A_238 : memref<32x56xf32, #tpu.memory_space<vmem>>) dst(%dma_wait3A_234 : memref<32x56xf32, #tpu.memory_space<hbm>>)
    %dma_wait3A_239 = arith.constant 1 : i32
    %dma_wait3A_240 = arith.constant 64 : i32
    %dma_wait3A_241 = arith.constant 0 : i32
    %dma_wait3A_242 = tpu.memref_slice %arg9[%dma_wait3A_239, %dma_wait3A_240, %dma_wait3A_241] : memref<2x128x72xf32, #tpu.memory_space<vmem>> -> memref<1x32x48xf32, #tpu.memory_space<vmem>>
    %dma_wait3A_243 = tpu.memref_squeeze %dma_wait3A_242 : memref<1x32x48xf32, #tpu.memory_space<vmem>> -> memref<32x48xf32, #tpu.memory_space<vmem>>
    %dma_wait3A_244 = arith.constant 0 : i32
    %dma_wait3A_245 = arith.constant 392 : i32
    %dma_wait3A_246 = tpu.memref_slice %arg6[%dma_wait3A_244, %dma_wait3A_245] : memref<196608x1111xf32, #tpu.memory_space<hbm>> -> memref<32x48xf32, #tpu.memory_space<hbm>>
    %dma_wait3A_247 = arith.constant 0 : i32
    %dma_wait3A_248 = arith.constant 392 : i32
    %dma_wait3A_249 = tpu.memref_slice %arg6[%dma_wait3A_247, %dma_wait3A_248] : memref<196608x1111xf32, #tpu.memory_space<hbm>> -> memref<32x48xf32, #tpu.memory_space<hbm>>
    %dma_wait3A_250 = arith.constant 64 : i32
    %dma_wait3A_251 = arith.constant 0 : i32
    %dma_wait3A_252 = tpu.memref_slice %arg9[%dma_wait3A_239, %dma_wait3A_250, %dma_wait3A_251] : memref<2x128x72xf32, #tpu.memory_space<vmem>> -> memref<1x32x48xf32, #tpu.memory_space<vmem>>
    %dma_wait3A_253 = tpu.memref_squeeze %dma_wait3A_252 : memref<1x32x48xf32, #tpu.memory_space<vmem>> -> memref<32x48xf32, #tpu.memory_space<vmem>>
    tpu.wait_dma2 semaphore(%arg15 : memref<!tpu.dma_semaphore, #tpu.memory_space<semaphore_mem>>) src(%dma_wait3A_253 : memref<32x48xf32, #tpu.memory_space<vmem>>) dst(%dma_wait3A_249 : memref<32x48xf32, #tpu.memory_space<hbm>>)
    %dma_wait3A_254 = arith.constant 1 : i32
    %dma_wait3A_255 = arith.constant 96 : i32
    %dma_wait3A_256 = arith.constant 0 : i32
    %dma_wait3A_257 = tpu.memref_slice %arg9[%dma_wait3A_254, %dma_wait3A_255, %dma_wait3A_256] : memref<2x128x72xf32, #tpu.memory_space<vmem>> -> memref<1x32x48xf32, #tpu.memory_space<vmem>>
    %dma_wait3A_258 = tpu.memref_squeeze %dma_wait3A_257 : memref<1x32x48xf32, #tpu.memory_space<vmem>> -> memref<32x48xf32, #tpu.memory_space<vmem>>
    %dma_wait3A_259 = arith.constant 0 : i32
    %dma_wait3A_260 = arith.constant 440 : i32
    %dma_wait3A_261 = tpu.memref_slice %arg6[%dma_wait3A_259, %dma_wait3A_260] : memref<196608x1111xf32, #tpu.memory_space<hbm>> -> memref<32x48xf32, #tpu.memory_space<hbm>>
    %dma_wait3A_262 = arith.constant 0 : i32
    %dma_wait3A_263 = arith.constant 440 : i32
    %dma_wait3A_264 = tpu.memref_slice %arg6[%dma_wait3A_262, %dma_wait3A_263] : memref<196608x1111xf32, #tpu.memory_space<hbm>> -> memref<32x48xf32, #tpu.memory_space<hbm>>
    %dma_wait3A_265 = arith.constant 96 : i32
    %dma_wait3A_266 = arith.constant 0 : i32
    %dma_wait3A_267 = tpu.memref_slice %arg9[%dma_wait3A_254, %dma_wait3A_265, %dma_wait3A_266] : memref<2x128x72xf32, #tpu.memory_space<vmem>> -> memref<1x32x48xf32, #tpu.memory_space<vmem>>
    %dma_wait3A_268 = tpu.memref_squeeze %dma_wait3A_267 : memref<1x32x48xf32, #tpu.memory_space<vmem>> -> memref<32x48xf32, #tpu.memory_space<vmem>>
    tpu.wait_dma2 semaphore(%arg15 : memref<!tpu.dma_semaphore, #tpu.memory_space<semaphore_mem>>) src(%dma_wait3A_268 : memref<32x48xf32, #tpu.memory_space<vmem>>) dst(%dma_wait3A_264 : memref<32x48xf32, #tpu.memory_space<hbm>>)
    %dma_wait3A_269 = arith.constant 1 : i32
    %dma_wait3A_270 = arith.constant 0 : i32
    %dma_wait3A_271 = arith.constant 0 : i32
    %dma_wait3A_272 = tpu.memref_slice %arg10[%dma_wait3A_269, %dma_wait3A_270, %dma_wait3A_271] : memref<2x128x200xf32, #tpu.memory_space<vmem>> -> memref<1x32x160xf32, #tpu.memory_space<vmem>>
    %dma_wait3A_273 = tpu.memref_squeeze %dma_wait3A_272 : memref<1x32x160xf32, #tpu.memory_space<vmem>> -> memref<32x160xf32, #tpu.memory_space<vmem>>
    %dma_wait3A_274 = arith.constant 0 : i32
    %dma_wait3A_275 = arith.constant 488 : i32
    %dma_wait3A_276 = tpu.memref_slice %arg6[%dma_wait3A_274, %dma_wait3A_275] : memref<196608x1111xf32, #tpu.memory_space<hbm>> -> memref<32x160xf32, #tpu.memory_space<hbm>>
    %dma_wait3A_277 = arith.constant 0 : i32
    %dma_wait3A_278 = arith.constant 488 : i32
    %dma_wait3A_279 = tpu.memref_slice %arg6[%dma_wait3A_277, %dma_wait3A_278] : memref<196608x1111xf32, #tpu.memory_space<hbm>> -> memref<32x160xf32, #tpu.memory_space<hbm>>
    %dma_wait3A_280 = arith.constant 0 : i32
    %dma_wait3A_281 = arith.constant 0 : i32
    %dma_wait3A_282 = tpu.memref_slice %arg10[%dma_wait3A_269, %dma_wait3A_280, %dma_wait3A_281] : memref<2x128x200xf32, #tpu.memory_space<vmem>> -> memref<1x32x160xf32, #tpu.memory_space<vmem>>
    %dma_wait3A_283 = tpu.memref_squeeze %dma_wait3A_282 : memref<1x32x160xf32, #tpu.memory_space<vmem>> -> memref<32x160xf32, #tpu.memory_space<vmem>>
    tpu.wait_dma2 semaphore(%arg15 : memref<!tpu.dma_semaphore, #tpu.memory_space<semaphore_mem>>) src(%dma_wait3A_283 : memref<32x160xf32, #tpu.memory_space<vmem>>) dst(%dma_wait3A_279 : memref<32x160xf32, #tpu.memory_space<hbm>>)
    %dma_wait3A_284 = arith.constant 1 : i32
    %dma_wait3A_285 = arith.constant 32 : i32
    %dma_wait3A_286 = arith.constant 0 : i32
    %dma_wait3A_287 = tpu.memref_slice %arg10[%dma_wait3A_284, %dma_wait3A_285, %dma_wait3A_286] : memref<2x128x200xf32, #tpu.memory_space<vmem>> -> memref<1x32x152xf32, #tpu.memory_space<vmem>>
    %dma_wait3A_288 = tpu.memref_squeeze %dma_wait3A_287 : memref<1x32x152xf32, #tpu.memory_space<vmem>> -> memref<32x152xf32, #tpu.memory_space<vmem>>
    %dma_wait3A_289 = arith.constant 0 : i32
    %dma_wait3A_290 = arith.constant 648 : i32
    %dma_wait3A_291 = tpu.memref_slice %arg6[%dma_wait3A_289, %dma_wait3A_290] : memref<196608x1111xf32, #tpu.memory_space<hbm>> -> memref<32x152xf32, #tpu.memory_space<hbm>>
    %dma_wait3A_292 = arith.constant 0 : i32
    %dma_wait3A_293 = arith.constant 648 : i32
    %dma_wait3A_294 = tpu.memref_slice %arg6[%dma_wait3A_292, %dma_wait3A_293] : memref<196608x1111xf32, #tpu.memory_space<hbm>> -> memref<32x152xf32, #tpu.memory_space<hbm>>
    %dma_wait3A_295 = arith.constant 32 : i32
    %dma_wait3A_296 = arith.constant 0 : i32
    %dma_wait3A_297 = tpu.memref_slice %arg10[%dma_wait3A_284, %dma_wait3A_295, %dma_wait3A_296] : memref<2x128x200xf32, #tpu.memory_space<vmem>> -> memref<1x32x152xf32, #tpu.memory_space<vmem>>
    %dma_wait3A_298 = tpu.memref_squeeze %dma_wait3A_297 : memref<1x32x152xf32, #tpu.memory_space<vmem>> -> memref<32x152xf32, #tpu.memory_space<vmem>>
    tpu.wait_dma2 semaphore(%arg15 : memref<!tpu.dma_semaphore, #tpu.memory_space<semaphore_mem>>) src(%dma_wait3A_298 : memref<32x152xf32, #tpu.memory_space<vmem>>) dst(%dma_wait3A_294 : memref<32x152xf32, #tpu.memory_space<hbm>>)
    %dma_wait3A_299 = arith.constant 1 : i32
    %dma_wait3A_300 = arith.constant 64 : i32
    %dma_wait3A_301 = arith.constant 0 : i32
    %dma_wait3A_302 = tpu.memref_slice %arg10[%dma_wait3A_299, %dma_wait3A_300, %dma_wait3A_301] : memref<2x128x200xf32, #tpu.memory_space<vmem>> -> memref<1x32x152xf32, #tpu.memory_space<vmem>>
    %dma_wait3A_303 = tpu.memref_squeeze %dma_wait3A_302 : memref<1x32x152xf32, #tpu.memory_space<vmem>> -> memref<32x152xf32, #tpu.memory_space<vmem>>
    %dma_wait3A_304 = arith.constant 0 : i32
    %dma_wait3A_305 = arith.constant 800 : i32
    %dma_wait3A_306 = tpu.memref_slice %arg6[%dma_wait3A_304, %dma_wait3A_305] : memref<196608x1111xf32, #tpu.memory_space<hbm>> -> memref<32x152xf32, #tpu.memory_space<hbm>>
    %dma_wait3A_307 = arith.constant 0 : i32
    %dma_wait3A_308 = arith.constant 800 : i32
    %dma_wait3A_309 = tpu.memref_slice %arg6[%dma_wait3A_307, %dma_wait3A_308] : memref<196608x1111xf32, #tpu.memory_space<hbm>> -> memref<32x152xf32, #tpu.memory_space<hbm>>
    %dma_wait3A_310 = arith.constant 64 : i32
    %dma_wait3A_311 = arith.constant 0 : i32
    %dma_wait3A_312 = tpu.memref_slice %arg10[%dma_wait3A_299, %dma_wait3A_310, %dma_wait3A_311] : memref<2x128x200xf32, #tpu.memory_space<vmem>> -> memref<1x32x152xf32, #tpu.memory_space<vmem>>
    %dma_wait3A_313 = tpu.memref_squeeze %dma_wait3A_312 : memref<1x32x152xf32, #tpu.memory_space<vmem>> -> memref<32x152xf32, #tpu.memory_space<vmem>>
    tpu.wait_dma2 semaphore(%arg15 : memref<!tpu.dma_semaphore, #tpu.memory_space<semaphore_mem>>) src(%dma_wait3A_313 : memref<32x152xf32, #tpu.memory_space<vmem>>) dst(%dma_wait3A_309 : memref<32x152xf32, #tpu.memory_space<hbm>>)
    %dma_wait3A_314 = arith.constant 1 : i32
    %dma_wait3A_315 = arith.constant 96 : i32
    %dma_wait3A_316 = arith.constant 0 : i32
    %dma_wait3A_317 = tpu.memref_slice %arg10[%dma_wait3A_314, %dma_wait3A_315, %dma_wait3A_316] : memref<2x128x200xf32, #tpu.memory_space<vmem>> -> memref<1x32x152xf32, #tpu.memory_space<vmem>>
    %dma_wait3A_318 = tpu.memref_squeeze %dma_wait3A_317 : memref<1x32x152xf32, #tpu.memory_space<vmem>> -> memref<32x152xf32, #tpu.memory_space<vmem>>
    %dma_wait3A_319 = arith.constant 0 : i32
    %dma_wait3A_320 = arith.constant 952 : i32
    %dma_wait3A_321 = tpu.memref_slice %arg6[%dma_wait3A_319, %dma_wait3A_320] : memref<196608x1111xf32, #tpu.memory_space<hbm>> -> memref<32x152xf32, #tpu.memory_space<hbm>>
    %dma_wait3A_322 = arith.constant 0 : i32
    %dma_wait3A_323 = arith.constant 952 : i32
    %dma_wait3A_324 = tpu.memref_slice %arg6[%dma_wait3A_322, %dma_wait3A_323] : memref<196608x1111xf32, #tpu.memory_space<hbm>> -> memref<32x152xf32, #tpu.memory_space<hbm>>
    %dma_wait3A_325 = arith.constant 96 : i32
    %dma_wait3A_326 = arith.constant 0 : i32
    %dma_wait3A_327 = tpu.memref_slice %arg10[%dma_wait3A_314, %dma_wait3A_325, %dma_wait3A_326] : memref<2x128x200xf32, #tpu.memory_space<vmem>> -> memref<1x32x152xf32, #tpu.memory_space<vmem>>
    %dma_wait3A_328 = tpu.memref_squeeze %dma_wait3A_327 : memref<1x32x152xf32, #tpu.memory_space<vmem>> -> memref<32x152xf32, #tpu.memory_space<vmem>>
    tpu.wait_dma2 semaphore(%arg15 : memref<!tpu.dma_semaphore, #tpu.memory_space<semaphore_mem>>) src(%dma_wait3A_328 : memref<32x152xf32, #tpu.memory_space<vmem>>) dst(%dma_wait3A_324 : memref<32x152xf32, #tpu.memory_space<hbm>>)
    %dma_wait3A_329 = arith.constant 1 : i32
    %dma_wait3A_330 = arith.constant 0 : i32
    %dma_wait3A_331 = arith.constant 152 : i32
    %dma_wait3A_332 = tpu.memref_slice %arg11[%dma_wait3A_329, %dma_wait3A_330, %dma_wait3A_331] : memref<2x32x159xf32, #tpu.memory_space<vmem>> -> memref<1x32x7xf32, #tpu.memory_space<vmem>>
    %dma_wait3A_333 = tpu.memref_squeeze %dma_wait3A_332 : memref<1x32x7xf32, #tpu.memory_space<vmem>> -> memref<32x7xf32, #tpu.memory_space<vmem>>
    %dma_wait3A_334 = arith.constant 0 : i32
    %dma_wait3A_335 = arith.constant 1104 : i32
    %dma_wait3A_336 = tpu.memref_slice %arg6[%dma_wait3A_334, %dma_wait3A_335] : memref<196608x1111xf32, #tpu.memory_space<hbm>> -> memref<32x7xf32, #tpu.memory_space<hbm>>
    %dma_wait3A_337 = arith.constant 0 : i32
    %dma_wait3A_338 = arith.constant 1104 : i32
    %dma_wait3A_339 = tpu.memref_slice %arg6[%dma_wait3A_337, %dma_wait3A_338] : memref<196608x1111xf32, #tpu.memory_space<hbm>> -> memref<32x7xf32, #tpu.memory_space<hbm>>
    %dma_wait3A_340 = arith.constant 0 : i32
    %dma_wait3A_341 = arith.constant 152 : i32
    %dma_wait3A_342 = tpu.memref_slice %arg11[%dma_wait3A_329, %dma_wait3A_340, %dma_wait3A_341] : memref<2x32x159xf32, #tpu.memory_space<vmem>> -> memref<1x32x7xf32, #tpu.memory_space<vmem>>
    %dma_wait3A_343 = tpu.memref_squeeze %dma_wait3A_342 : memref<1x32x7xf32, #tpu.memory_space<vmem>> -> memref<32x7xf32, #tpu.memory_space<vmem>>
    tpu.wait_dma2 semaphore(%arg15 : memref<!tpu.dma_semaphore, #tpu.memory_space<semaphore_mem>>) src(%dma_wait3A_343 : memref<32x7xf32, #tpu.memory_space<vmem>>) dst(%dma_wait3A_339 : memref<32x7xf32, #tpu.memory_space<hbm>>)
    return
  }
}

</mosaic_0001>

<sc_bundles>
// kernel: _sc_encode.3.cloned.1.call-start
scs
__scs_entry_jumppad:
0x0: {  	(pc) =	sbr.rel $0x88, $3  }
0x1: {  	(tag) =	ssettag $0x0;
	lr =	simm.s32 $0x1  }
0x2: {  	[smem:$0x3F9D] =	sst lr;
	_ =	strace $0xD0000000  }
0x3: {  	_ = 	snop  }
0x4: {  	_ = 	snop  }
0x5: {  	_ = 	snop  }
0x6: {  	_ = 	snop  }
0x7: {  	_ = 	snop  }
__scs_overlays_trampoline_lowered:
0x8: {  	[smem:$0x3FAC] =	sst s0  }
0x9: {  	[smem:$0x3FAD] =	sst s1  }
0xa: {  	[smem:$0x3FAE] =	sst s2  }
0xb: {  	[smem:$0x3FAF] =	sst s3  }
0xc: {  	[smem:$0x3FB0] =	sst s4  }
0xd: {  	[smem:$0x3FB1] =	sst s5  }
0xe: {  	[smem:$0x3FB2] =	sst s6  }
0xf: {  	[smem:$0x3FB3] =	sst s7  }
0x10: {  	[smem:$0x3FB4] =	sst s8  }
0x11: {  	[smem:$0x3FB5] =	sst s9;
	s0 =	simm.s32 @!p0 $0x0  }
0x12: {  	s1 =	sld [smem:$0x3F9B];
	s0 =	simm.s32 @p0 $0x1  }
0x13: {  	[smem:$0x3FB6] =	sst s0;
	s0 =	simm.s32 @!p1 $0x0  }
0x14: {  	s2 =	sld [smem:$0x3F9A];
	s0 =	simm.s32 @p1 $0x1  }
0x15: {  	[smem:$0x3FB7] =	sst s0;
	s0 =	simm.s32 @!p2 $0x0  }
0x16: {  	s3 =	sld [smem:$0x3FDB];
	s0 =	simm.s32 @p2 $0x1  }
0x17: {  	s4 =	simm.s32 $0x1BF5;
	[smem:$0x3FB9] =	sst s0  }
0x18: {  	s0 =	sld [smem:$0x3F9C];
	_ =	swait.ge [sflag:s4], $0x0  }
0x19: {  	s7 =	sld [smem:$0x3F9D]  }
0x1a: {  	s8 =	sadd.s32 $0xFFFFE003, lr  }
0x1b: {  	s9 =	sadd.s32 $0xFFFFFEF7, lr;
	s5 =	simm.s32 $0xFFFFFFFF;
	p2 =	slt.u32 s8, $0xFFFFF086  }
0x1c: {  	p1 =	slt.u32 s9, $0xF7A;
	s5 =	simm.s32 @!p2 $0x0  }
0x1d: {  	s5 =	simm.s32 @p1 $0x1;
	p0 =	seq.s32 s7, s2  }
0x1e: {  	s7 =	smul.u32 @!p0 $0xF7A, s2;
	p2 =	seq.s32 @!p0 s5, $0x0  }
0x1f: {  	s9 =	smul.u32 $0xF7A, s1;
	s8 =	simm.s32 @!p0 $0x1BF5;
	p2 =	por !p2, p0  }
0x20: {  	[sflag:s8] =	ssyncset.s32 @!p0 $0xFFFFF086;
	s6 =	sadd.s32 @!p0 s3, s7;
	s7 =	simm.s32 @!p0 $0x108  }
0x21: {  	s3 =	sadd.s32 s3, s9;
	s6 =	sadd.s32 @!p0 $0x88, s6;
	s7 =	simm.s32 @p2 $0x1082  }
0x22: {  	[simem:s7], [sflag:s8] =	dma.local @!p0 [hbm:s6], $0xF7A  }
0x23: {  	s9 =	sor.u32 $0xD0000000, s2;
	s6 =	simm.s32 $0x108;
	_ =	swait.ge @!p0 [sflag:s8], $0x0  }
0x24: {  	s3 =	sadd.s32 $0x88, s3;
	s6 =	simm.s32 @!p1 $0x1082;
	[sflag:s4] =	ssyncset.s32 $0xFFFFF086  }
0x25: {  	[simem:s6], [sflag:s4] =	dma.local [hbm:s3], $0xF7A  }
0x26: {  	[smem:$0x3F9D] =	sst s1;
	(tag) =	ssettag s2;
	_ =	strace s9  }
0x27: {  	s1 =	sld [smem:$0x3FAD]  }
0x28: {  	s2 =	sld [smem:$0x3FAE]  }
0x29: {  	s4 =	sld [smem:$0x3FB0]  }
0x2a: {  	p0 =	seq.s32 s5, $0x0;
	s5 =	sld [smem:$0x3FB1]  }
0x2b: {  	s6 =	sld [smem:$0x3FB2]  }
0x2c: {  	s7 =	sld [smem:$0x3FB3]  }
0x2d: {  	s3 =	simm.s32 $0x108;
	s8 =	sld [smem:$0x3FB4]  }
0x2e: {  	s3 =	simm.s32 @!p0 $0x1082;
	s9 =	sld [smem:$0x3FB5]  }
0x2f: {  	lr =	sadd.s32 s0, s3;
	s0 =	sld [smem:$0x3FAC]  }
0x30: {  	s3 =	sld [smem:$0x3FAF]  }
0x31: {  	[smem:$0x3FB8] =	sst s10  }
0x32: {  	s10 =	sld [smem:$0x3FB6];
	_ =	sdelay $0x3  }
0x33: {  	p0 =	seq.s32 s10, $0x1;
	s10 =	sld [smem:$0x3FB8];
	_ =	sdelay $0x3  }
0x34: {  	[smem:$0x3FB8] =	sst s10  }
0x35: {  	s10 =	sld [smem:$0x3FB7];
	_ =	sdelay $0x3  }
0x36: {  	p1 =	seq.s32 s10, $0x1;
	s10 =	sld [smem:$0x3FB8];
	_ =	sdelay $0x3  }
0x37: {  	[smem:$0x3FB8] =	sst s10  }
0x38: {  	s10 =	sld [smem:$0x3FB9]  }
0x39: {  	_ = 	snop;
	(pc) =	sbr.ind lr, $3  }
0x3a: {  	_ = 	snop  }
0x3b: {  	_ = 	snop  }
0x3c: {  	p2 =	seq.s32 s10, $0x1;
	s10 =	sld [smem:$0x3FB8]  }
0x3d: {  	_ =	shalt  }
0x3e: {  	_ =	shalt  }
0x3f: {  	_ =	shalt  }
0x40: {  	_ =	shalt  }
0x41: {  	_ =	shalt  }
0x42: {  	_ =	shalt  }
0x43: {  	_ =	shalt  }
0x44: {  	_ =	shalt  }
0x45: {  	_ =	shalt  }
0x46: {  	_ =	shalt  }
0x47: {  	_ =	shalt  }
0x48: {  	_ =	shalt  }
0x49: {  	_ =	shalt  }
0x4a: {  	_ =	shalt  }
0x4b: {  	_ =	shalt  }
0x4c: {  	_ =	shalt  }
0x4d: {  	_ =	shalt  }
0x4e: {  	_ =	shalt  }
0x4f: {  	_ =	shalt  }
0x50: {  	_ =	shalt  }
0x51: {  	_ =	shalt  }
0x52: {  	_ =	shalt  }
0x53: {  	_ =	shalt  }
0x54: {  	_ =	shalt  }
0x55: {  	_ =	shalt  }
0x56: {  	_ =	shalt  }
0x57: {  	_ =	shalt  }
0x58: {  	_ =	shalt  }
0x59: {  	_ =	shalt  }
0x5a: {  	_ =	shalt  }
0x5b: {  	_ =	shalt  }
0x5c: {  	_ =	shalt  }
0x5d: {  	_ =	shalt  }
0x5e: {  	_ =	shalt  }
0x5f: {  	_ =	shalt  }
0x60: {  	_ =	shalt  }
0x61: {  	_ =	shalt  }
0x62: {  	_ =	shalt  }
0x63: {  	_ =	shalt  }
0x64: {  	_ =	shalt  }
0x65: {  	_ =	shalt  }
0x66: {  	_ =	shalt  }
0x67: {  	_ =	shalt  }
0x68: {  	_ =	shalt  }
0x69: {  	_ =	shalt  }
0x6a: {  	_ =	shalt  }
0x6b: {  	_ =	shalt  }
0x6c: {  	_ =	shalt  }
0x6d: {  	_ =	shalt  }
0x6e: {  	_ =	shalt  }
0x6f: {  	_ =	shalt  }
0x70: {  	_ =	shalt  }
0x71: {  	_ =	shalt  }
0x72: {  	_ =	shalt  }
0x73: {  	_ =	shalt  }
0x74: {  	_ =	shalt  }
0x75: {  	_ =	shalt  }
0x76: {  	_ =	shalt  }
0x77: {  	_ =	shalt  }
0x78: {  	_ =	shalt  }
0x79: {  	_ =	shalt  }
0x7a: {  	_ =	shalt  }
0x7b: {  	_ =	shalt  }
0x7c: {  	_ =	shalt  }
0x7d: {  	_ =	shalt  }
0x7e: {  	_ =	shalt  }
0x7f: {  	_ =	shalt  }
0x80: {  	_ =	shalt  }
0x81: {  	_ =	shalt  }
0x82: {  	_ =	shalt  }
0x83: {  	_ =	shalt  }
0x84: {  	_ =	shalt  }
0x85: {  	_ =	shalt  }
0x86: {  	_ =	shalt  }
0x87: {  	_ =	shalt  }
.Lfunc_end0:
.L_simem_size_0:
called_computation.1_lowered:
.L_overlay_start_0:
0x88: {  	s2 =	sld [smem:$0x3FD9]  }
0x89: {  	s3 =	sld [smem:$0x3FFE];
	_ =	sdelay $0x1  }
0x8a: {  	s1 =	srdreg.scid  }
0x8b: {  	s0 =	sand.u32 $0x1, s1  }
0x8c: {  	s17 =	sshll.u32 s0, $0xA;
	s2 =	sadd.s32 s3, s2  }
0x8d: {  	s2 =	sadd.s32 s2, s17  }
0x8e: {  	[smem:$0x3FC4] =	sst s2  }
0x8f: {  	_ = 	snop  }
0x90: {  	s2 =	sld [smem:$0x3FD0];
	(tm) =	ssettm $0x1  }
0x91: {  	s18 =	sld [smem:$0x3FFB];
	_ =	sdelay $0x3  }
0x92: {  	_ =	strace s18  }
0x93: {  	s3 =	sld [smem:$0x3FFC];
	_ =	sdelay $0x3  }
0x94: {  	_ =	strace s3  }
0x95: {  	s3 =	sld [smem:$0x3FFD];
	_ =	sdelay $0x3  }
0x96: {  	_ =	strace s3  }
0x97: {  	_ =	strace $0x8FFFFFFF  }
0x98: {  	s19 =	sld [smem:$0x3FDB];
	_ =	sdelay $0x1  }
0x99: {  	s4 =	simm.s32 $_scs_section_size  }
0x9a: {  	s5 =	simm.s32 $_size__tile_overlayer_lowered;
	s6 =	simm.s32 $_tile_overlayer_lowered  }
0x9b: {  	s22 =	simm.s32 $0x1BFF;
	s21 =	sshll.u32 s6, $0x1;
	s3 =	sadd.s32 s4, s19  }
0x9c: {  	s7 =	simm.s32 $0x0;
	s20 =	sshll.u32 s5, $0x1;
	s5 =	sadd.s32 s21, s3  }
0x9d: {  	[timem:s7], [sflag:s22] =	dma.local [hbm:s5], s20  }
0x9e: {  	_ =	swait.ge [sflag:s22], s20  }
0x9f: {  	s4 =	ssub.s32 $0x0, s20;
	[sflag:s22] =	ssyncset.done $0x0  }
0xa0: {  	[sflag:s22] =	ssyncadd.s32 s4;
	_ =	sdelay $0x1  }
0xa1: {  	s23 =	simm.s32 $0x1B8B  }
0xa2: {  	_ =	swait.ge [sflag:s23], $0x1  }
0xa3: {  	[sflag:s23] =	ssyncset.done $0x0  }
0xa4: {  	s25 =	simm.s32 $0x1B8E;
	s24 =	sld [smem:$0x3FFE];
	[sflag:s23] =	ssyncadd.s32 $0xFFFFFFFF  }
0xa5: {  	s26 =	simm.s32 $execute0_lowered;
	[smem:$0x3FD2] =	sst s25  }
0xa6: {  	s5 =	sshll.u32 s26, $0x1;
	_ =	strace $0x80000046;
	[dreg:$0x1] =	wrdreg $0xFFFFFFFF  }
0xa7: {  	s28 =	simm.s32 $_size_execute0_lowered;
	s3 =	sadd.s32 s3, s5;
	[dreg:$0x0] =	wrdreg $0x0  }
0xa8: {  	s5 =	sshll.u32 s28, $0x1;
	[dreg:$0x2] =	wrdreg s3  }
0xa9: {  	[dreg:$0x3] =	wrdreg s5  }
0xaa: {  	[dreg:$0x4] =	wrdreg $0xC0  }
0xab: {  	_ =	task [dreg:s7], $0x5FFFF  }
0xac: {  	[dreg:$0x1] =	wrdreg $0xFFFFFFFF  }
0xad: {  	[dreg:$0x0] =	wrdreg $0x60  }
0xae: {  	[dreg:$0x2] =	wrdreg s24  }
0xaf: {  	[dreg:$0x3] =	wrdreg s2  }
0xb0: {  	[dreg:$0x4] =	wrdreg $0x9  }
0xb1: {  	_ =	task.clear_ibuf [dreg:s7], $0x5FFFF;
	_ =	strace $0x90000046  }
0xb2: {  	s29 =	simm.s32 $0x9;
	_ =	strace $0x80000048  }
0xb3: {  	_ =	swait.ge [sflag:s29], $0x1  }
0xb4: {  	[sflag:s29] =	ssyncadd.s32 $0xFFFFFFFF  }
0xb5: {  	_ =	strace $0x90000048  }
0xb6: {  	_ =	sfence  }
0xb7: {  	s30 =	sld [smem:$0x0];
	_ =	sdelay $0x2  }
0xb8: {  	s31 =	sshll.u32 s1, $0xD;
	s1 =	sshrl.u32 s1, $0x2  }
0xb9: {  	s3 =	sand.u32 $0x4000, s31;
	s1 =	sadd.s32 s1, s30  }
0xba: {  	s0 =	sor.u32 s3, s0;
	s1 =	sshll.u32 s1, $0x11  }
0xbb: {  	s0 =	sor.u32 s1, s0  }
0xbc: {  	s0 =	sadd.s32 $0x8F2B, s0  }
0xbd: {  	[sflag:s0] =	ssyncadd.remote.s32 $0x1  }
0xbe: {  	_ =	sfence.sel $0xFFFF  }
0xbf: {  	[dreg:$0x0] =	wrdreg $0xFFFFFFFF;
	(pc) =	sbr.abs _section_cstart, $3  }
0xc0: {  	[dreg:$0x1] =	wrdreg $0xFFFFFFFF  }
0xc1: {  	_ =	task.clear_ibuf [dreg:s7], $0x2FFFF;
	_ =	strace $0x9FFFFFFF  }
0xc2: {  	(tm) =	ssettm $0x7FFFFFFF  }
0xc3: {  	_ =	shalt  }
tec
execute0_lowered:
.L_overlay_start_1:
0x0: {  	(tag) =	ssettag $0x1  }
0x1: {  	s0 =	rddreg [dreg:$0x0]  }
0x2: {  	s1 =	rddreg [dreg:$0x1]  }
0x3: {  	s3 =	simm.s32 $0x0;
	s2 =	srdreg.scid;
	s4 =	stileid.u32  }
0x4: {  	s17 =	simm.s32 $0x5;
	s20 =	simm.s32 $0x80;
	s24 =	simm.s32 $0x120  }
0x5: {  	s31 =	simm.s32 $0x1;
	s16 =	simm.s32 $0x0;
	[smem:$0x7FF] =	sst s3  }
0x6: {  	s2 =	sand.u32 $0x1, s2;
	s5 =	sshll.u32 s4, $0x1;
	s4 =	sadd.s32 $0x3C00, s0  }
0x7: {  	s6 =	sadd.s32 $0x10200, s0;
	s7 =	sadd.s32 $0x20E00, s0;
	s11 =	sadd.s32 $0x2A, s1  }
0x8: {  	s12 =	sadd.s32 $0x31, s1;
	s8 =	ssub.s32 $0x2, s2;
	s2 =	sor.u32 s2, s5  }
0x9: {  	s13 =	sadd.s32 $0x37, s1;
	s14 =	sadd.s32 $0x3D, s1;
	s10 =	smul.u32 $0x1B00, s2  }
0xa: {  	_ =	strace $0x80000047;
	s5 =	sadd.s32 $0x1200, s0;
	s9 =	sshrl.u32 s8, $0x1  }
0xb: {  	s29 =	ssub.s32 s8, s9;
	s8 =	smul.u32 $0xC0, s2;
	s30 =	sadd.s32 s7, s10  }
0xc: {  	vm0 =	vmmov $0x7;
	vm1 =	vmmov $0x3f;
	vm2 =	vmmov $0x1;
	s10 =	sadd.s32 $0x24, s1;
	s0 =	smax.u32 s29, $0x1;
	[dreg:$0x3] =	wrdreg s30  }
0xd: {  	vm3 =	vmmov $0xf;
	vm4 =	vmmov $0x7f;
	vm5 =	vmmov $0x1f;
	s15 =	sor.u32 $0x2, s8;
	[dreg:$0x4] =	wrdreg s0;
	s0 =	simm.s32 $0x2  }
.LBB2_1:
0xe: {  	[dreg:$0x5] =	wrdreg s16  }
0xf: {  	s2 =	rddreg [dreg:$0x3]  }
0x10: {  	[tilespmem:s3], [sflag:$0x5] =	stream.linear.gather [hbm4b:s2+s3], $0x120, $0x38;
	[tilespmem:$0x18640] =	vst v63  }
0x11: {  	_ =	swait.ge [sflag:s17], $0x120  }
0x12: {  	[sflag:s17] =	ssyncset.done $0x0  }
0x13: {  	s26 =	simm.s32 $0x20;
	s9 =	simm.s32 $0x240;
	[sflag:s17] =	ssyncadd.s32 $0xFFFFFEE0  }
0x14: {  	[tilespmem:s9], [sflag:$0x1] =	stream.indirect.gather [hbm4b:s4+s26], $0x130, s3, s26, $0xb8;
	[tilespmem:$0x18640] =	vst v63  }
0x15: {  	s28 =	simm.s32 $0x4E40  }
0x16: {  	[tilespmem:s28], [sflag:$0x1] =	stream.indirect.gather [hbm4b:s5+s20], $0x48, s26, s20, $0xb8;
	[tilespmem:$0x18640] =	vst v63  }
0x17: {  	s29 =	simm.s32 $0xA0;
	s30 =	simm.s32 $0x9640;
	s22 =	simm.s32 $0x0  }
0x18: {  	[tilespmem:s30], [sflag:$0x1] =	stream.indirect.gather [hbm4b:s6+s20], $0xC8, s29, s20, $0xb8;
	[tilespmem:$0x18640] =	vst v63  }
.LBB2_2:
0x19: {  	p0 =	seq.s32 s22, $0x0  }
0x1a: {  	s2 =	simm.s32 @!p0 $0x4  }
0x1b: {  	_ =	swait.ge @!p0 [sflag:s2], $0x2400  }
0x1c: {  	[sflag:s2] =	ssyncset.done @!p0 $0x0  }
0x1d: {  	[sflag:s2] =	ssyncadd.s32 @!p0 $0xFFFFDC00  }
0x1e: {  	_ =	swait.ge @!p0 [sflag:s2], $0x600  }
0x1f: {  	[sflag:s2] =	ssyncset.done @!p0 $0x0  }
0x20: {  	[sflag:s2] =	ssyncadd.s32 @!p0 $0xFFFFFA00  }
0x21: {  	_ =	swait.ge @!p0 [sflag:s2], $0x700  }
0x22: {  	[sflag:s2] =	ssyncset.done @!p0 $0x0  }
0x23: {  	[sflag:s2] =	ssyncadd.s32 @!p0 $0xFFFFF900  }
0x24: {  	_ =	swait.ge @!p0 [sflag:s2], $0x600  }
0x25: {  	[sflag:s2] =	ssyncset.done @!p0 $0x0  }
0x26: {  	[sflag:s2] =	ssyncadd.s32 @!p0 $0xFFFFFA00  }
0x27: {  	_ =	swait.ge @!p0 [sflag:s2], $0x600  }
0x28: {  	[sflag:s2] =	ssyncset.done @!p0 $0x0  }
0x29: {  	[sflag:s2] =	ssyncadd.s32 @!p0 $0xFFFFFA00  }
0x2a: {  	_ =	swait.ge @!p0 [sflag:s2], $0x1400  }
0x2b: {  	[sflag:s2] =	ssyncset.done @!p0 $0x0  }
0x2c: {  	[sflag:s2] =	ssyncadd.s32 @!p0 $0xFFFFEC00  }
0x2d: {  	_ =	swait.ge @!p0 [sflag:s2], $0x1300  }
0x2e: {  	[sflag:s2] =	ssyncset.done @!p0 $0x0  }
0x2f: {  	[sflag:s2] =	ssyncadd.s32 @!p0 $0xFFFFED00  }
0x30: {  	_ =	swait.ge @!p0 [sflag:s2], $0x1300  }
0x31: {  	[sflag:s2] =	ssyncset.done @!p0 $0x0  }
0x32: {  	[sflag:s2] =	ssyncadd.s32 @!p0 $0xFFFFED00  }
0x33: {  	_ =	swait.ge @!p0 [sflag:s2], $0x1300  }
0x34: {  	s9 =	sshllo.u32 s22, $0x1;
	[sflag:s2] =	ssyncset.done @!p0 $0x0  }
0x35: {  	s23 =	sadd.s32 s8, s9;
	[sflag:s2] =	ssyncadd.s32 @!p0 $0xFFFFED00  }
0x36: {  	s9 =	smul.u32 $0x24, s23;
	_ =	swait.ge @!p0 [sflag:s2], $0x100  }
0x37: {  	[sflag:s2] =	ssyncset.done @!p0 $0x0  }
0x38: {  	s21 =	simm.s32 $0x0;
	s19 =	sadd.s32 s7, s9;
	[sflag:s2] =	ssyncadd.s32 @!p0 $0xFFFFFF00  }
0x39: {  	[tilespmem:s24], [sflag:$0x5] =	stream.linear.gather [hbm4b:s19+s21], $0x120, $0x38;
	[tilespmem:$0x18640] =	vst v63  }
0x3a: {  	_ =	swait.ge [sflag:s17], $0x120  }
0x3b: {  	[sflag:s17] =	ssyncset.done $0x0  }
0x3c: {  	s25 =	simm.s32 $0x20;
	s26 =	simm.s32 $0x2840;
	[sflag:s17] =	ssyncadd.s32 $0xFFFFFEE0  }
0x3d: {  	[tilespmem:s26], [sflag:$0x2] =	stream.indirect.gather [hbm4b:s4+s25], $0x130, s24, s25, $0xb8;
	[tilespmem:$0x18640] =	vst v63  }
0x3e: {  	s16 =	simm.s32 $0x7240;
	s9 =	simm.s32 $0x140  }
0x3f: {  	[tilespmem:s16], [sflag:$0x2] =	stream.indirect.gather [hbm4b:s5+s20], $0x48, s9, s20, $0xb8;
	[tilespmem:$0x18640] =	vst v63  }
0x40: {  	s18 =	simm.s32 $0x1C0;
	s19 =	simm.s32 $0xFA40  }
0x41: {  	[tilespmem:s19], [sflag:$0x2] =	stream.indirect.gather [hbm4b:s6+s20], $0xC8, s18, s20, $0xb8;
	[tilespmem:$0x18640] =	vst v63  }
0x42: {  	_ =	swait.ge [sflag:s31], $0x2600  }
0x43: {  	[sflag:s31] =	ssyncset.done $0x0  }
0x44: {  	[sflag:s31] =	ssyncadd.s32 $0xFFFFDA00  }
0x45: {  	_ =	swait.ge [sflag:s31], $0x2400  }
0x46: {  	[sflag:s31] =	ssyncset.done $0x0  }
0x47: {  	[sflag:s31] =	ssyncadd.s32 $0xFFFFDC00  }
0x48: {  	_ =	swait.ge [sflag:s31], $0x6400  }
0x49: {  	[sflag:s31] =	ssyncset.done $0x0  }
0x4a: {  	s16 =	simm.s32 $0x0;
	[sflag:s31] =	ssyncadd.s32 $0xFFFF9C00  }
0x4b: {  	v0 =	vld [tilespmem:s16+$0xE1CF];
	_ =	sdelay $0x3  }
0x4c: {  	s21 =	simm.s32 $0x15ECF  }
0x4d: {  	s25 =	simm.s32 $0x6040;
	[tilespmem:s21+$0x0] =	vst v0  }
0x4e: {  	v0 =	vld [tilespmem:s25+$0x900]  }
0x4f: {  	v1 =	vld [tilespmem:s25+$0x30]  }
0x50: {  	v2 =	vld [tilespmem:s25+$0x0]  }
0x51: {  	v3 =	vld [tilespmem:s25+$0xFFFFEE30]  }
0x52: {  	v4 =	vld [tilespmem:s25+$0xFFFFF738]  }
0x53: {  	s26 =	simm.s32 $0x360;
	v5 =	vld [tilespmem:s25+$0xFFFFF700]  }
0x54: {  	v6 =	vld [tilespmem:s26+$0x0]  }
0x55: {  	v7 =	vld [tilespmem:s25+$0xFFFFEE00];
	_ =	sdelay $0x1  }
0x56: {  	v0 =	vsel vm3, v1, v0  }
0x57: {  	v1 =	vsel vm1, v3, v5;
	[tilespmem:s25+$0x900] =	vst v0  }
0x58: {  	v0 =	vsel vm2, v4, v2;
	[tilespmem:s25+$0xFFFFF700] =	vst v1  }
0x59: {  	v1 =	vsel vm0, v6, v7;
	[tilespmem:s25+$0x0] =	vst v0  }
0x5a: {  	v3 =	vld [tilespmem:s25+$0x930];
	[tilespmem:s25+$0xFFFFEE00] =	vst v1  }
0x5b: {  	v5 =	vld [tilespmem:s16+$0x9640]  }
0x5c: {  	v0 =	vld [tilespmem:s16+$0xAF40]  }
0x5d: {  	v1 =	vld [tilespmem:s16+$0xE140]  }
0x5e: {  	v2 =	vld [tilespmem:s16+$0xAFD8]  }
0x5f: {  	v4 =	vld [tilespmem:s16+$0xC840]  }
0x60: {  	s29 =	simm.s32 $0x15F6F;
	s30 =	simm.s32 $0x640;
	s28 =	simm.s32 $0x15F6F;
	v5 =	vsel vm4, v3, v5;
	v3 =	vld [tilespmem:s16+$0xC8D8]  }
0x61: {  	s2 =	simm.s32 $0x6088;
	s9 =	sshll.u32 s22, $0x1;
	s19 =	simm.s32 $0xC8;
	v6 =	vld [tilespmem:s16+$0x96E0];
	[tilespmem:s16+$0x9640] =	vst v5  }
0x62: {  	s21 =	simm.s32 $0x490;
	s26 =	simm.s32 $0x490;
	s25 =	simm.s32 $0x6088;
	v5 =	vld [tilespmem:s19+$0xE1CF]  }
.LBB2_3:
0x63: {  	s25 =	sadd.s32 $0x48, s25;
	s26 =	sadd.s32 $0x130, s26;
	s29 =	sadd.s32 $0xA0, s29  }
0x64: {  	p0 =	sne.s32 s30, $0x60E0;
	s18 =	smov.u32 s30;
	s30 =	sadd.s32 $0x320, s30;
	v2 =	vsel vm0, v2, v4  }
0x65: {  	[tilespmem:s16+$0xC840] =	vst v2;
	v1 =	vsel vm5, v3, v1  }
0x66: {  	v0 =	vsel vm2, v6, v0;
	[tilespmem:s16+$0xE140] =	vst v1  }
0x67: {  	[tilespmem:s16+$0xAF40] =	vst v0;
	s16 =	smov.u32 s19  }
0x68: {  	[tilespmem:s28+$0x0] =	vst v5;
	s28 =	smov.u32 s29  }
0x69: {  	v0 =	vld [tilespmem:s2+$0x900]  }
0x6a: {  	v1 =	vld [tilespmem:s2+$0x30]  }
0x6b: {  	s19 =	sshra.s32 s18, $0x2;
	v2 =	vld [tilespmem:s2+$0x0]  }
0x6c: {  	v3 =	vld [tilespmem:s2+$0xFFFFEE30]  }
0x6d: {  	v4 =	vld [tilespmem:s2+$0xFFFFF738]  }
0x6e: {  	v5 =	vld [tilespmem:s2+$0xFFFFF700]  }
0x6f: {  	v6 =	vld [tilespmem:s21+$0x0];
	v0 =	vsel vm3, v1, v0;
	s21 =	smov.u32 s26  }
0x70: {  	v1 =	vld [tilespmem:s2+$0xFFFFEE00];
	_ =	sdelay $0x1  }
0x71: {  	v2 =	vsel vm2, v4, v2  }
0x72: {  	v3 =	vsel vm1, v3, v5;
	[tilespmem:s2+$0x900] =	vst v0  }
0x73: {  	[tilespmem:s2+$0xFFFFF700] =	vst v3  }
0x74: {  	v0 =	vsel vm0, v6, v1;
	[tilespmem:s2+$0x0] =	vst v2  }
0x75: {  	[tilespmem:s2+$0xFFFFEE00] =	vst v0;
	v3 =	vld [tilespmem:s2+$0x930];
	s2 =	smov.u32 s25  }
0x76: {  	v5 =	vld [tilespmem:s16+$0x9640]  }
0x77: {  	v0 =	vld [tilespmem:s16+$0xAF40]  }
0x78: {  	v1 =	vld [tilespmem:s16+$0xE140]  }
.Ltmp0:
0x79: {  	v2 =	vld [tilespmem:s16+$0xAFD8];
	(pc) =	sbr.rel @p0 .LBB2_3-.Ltmp0, $4  }
0x7a: {  	v4 =	vld [tilespmem:s16+$0xC840]  }
0x7b: {  	v5 =	vsel vm4, v3, v5;
	v3 =	vld [tilespmem:s16+$0xC8D8]  }
0x7c: {  	[tilespmem:s16+$0x9640] =	vst v5;
	v6 =	vld [tilespmem:s16+$0x96E0]  }
0x7d: {  	v5 =	vld [tilespmem:s19+$0xE1CF]  }
0x7e: {  	_ = 	snop  }
0x7f: {  	v2 =	vsel vm0, v2, v4  }
0x80: {  	[tilespmem:s16+$0xC840] =	vst v2;
	v1 =	vsel vm5, v3, v1  }
0x81: {  	v0 =	vsel vm2, v6, v0;
	[tilespmem:s16+$0xE140] =	vst v1  }
0x82: {  	[tilespmem:s16+$0xAF40] =	vst v0  }
0x83: {  	[tilespmem:s28+$0x0] =	vst v5  }
0x84: {  	v0 =	vld [tilespmem:s2+$0x900]  }
0x85: {  	v1 =	vld [tilespmem:s2+$0x30]  }
0x86: {  	v2 =	vld [tilespmem:s2+$0x0]  }
0x87: {  	v51 =	vld [tilespmem:s2+$0xFFFFEE30]  }
0x88: {  	v52 =	vld [tilespmem:s2+$0xFFFFF738]  }
0x89: {  	v5 =	vld [tilespmem:s2+$0xFFFFF700]  }
0x8a: {  	v53 =	vld [tilespmem:s21+$0x0]  }
0x8b: {  	v7 =	vld [tilespmem:s2+$0xFFFFEE00];
	_ =	sdelay $0x1  }
0x8c: {  	v0 =	vsel vm3, v1, v0  }
0x8d: {  	v54 =	vsel vm1, v51, v5;
	[tilespmem:s2+$0x900] =	vst v0  }
0x8e: {  	v55 =	vsel vm2, v52, v2;
	[tilespmem:s2+$0xFFFFF700] =	vst v54  }
0x8f: {  	v56 =	vsel vm0, v53, v7;
	[tilespmem:s2+$0x0] =	vst v55  }
0x90: {  	v57 =	vld [tilespmem:s2+$0x930];
	[tilespmem:s2+$0xFFFFEE00] =	vst v56  }
0x91: {  	v1 =	vld [tilespmem:s19+$0x9640]  }
0x92: {  	v58 =	vld [tilespmem:s19+$0xAF40]  }
0x93: {  	v59 =	vld [tilespmem:s19+$0xE140]  }
0x94: {  	v60 =	vld [tilespmem:s19+$0xAFD8]  }
0x95: {  	v61 =	vld [tilespmem:s19+$0xC840]  }
0x96: {  	v62 =	vld [tilespmem:s19+$0xC8D8]  }
0x97: {  	v63 =	vld [tilespmem:s19+$0x96E0]  }
0x98: {  	s30 =	sadd.s32 s8, s9  }
0x99: {  	s21 =	smul.u32 $0x8B00, s30;
	v0 =	vsel vm4, v57, v1  }
0x9a: {  	v4 =	vsel vm0, v60, v61;
	[tilespmem:s19+$0x9640] =	vst v0  }
0x9b: {  	s2 =	sshrl.u32 s21, $0x3;
	v1 =	vsel vm5, v62, v59;
	[tilespmem:s19+$0xC840] =	vst v4  }
0x9c: {  	s25 =	simm.s32 $0x240;
	s16 =	sadd.s32 s1, s2;
	v0 =	vsel vm2, v63, v58;
	[tilespmem:s19+$0xE140] =	vst v1  }
0x9d: {  	s26 =	simm.s32 $0x370;
	s28 =	sadd.s32 $0x0, s16;
	[tilespmem:s19+$0xAF40] =	vst v0;
	s19 =	simm.s32 $0x8B  }
.LBB2_5:
0x9e: {  	[hbm4b:s28+s3] =	stream.linear.scatter [tilespmem:s25], [sflag:$0x3], $0x120, $0x38;
	[tilespmem:$0x18640] =	vst v63  }
0x9f: {  	s18 =	smov.u32 s19;
	s25 =	smov.u32 s26;
	p0 =	sne.s32 s19, $0x10D5  }
.Ltmp1:
0xa0: {  	s19 =	sadd.s32 $0x8B, s19;
	(pc) =	sbr.rel @p0 .LBB2_5-.Ltmp1, $2  }
0xa1: {  	_ =	sdelay $0x2  }
0xa2: {  	s26 =	sadd.s32 $0x130, s26;
	s28 =	sadd.s32 s18, s16  }
0xa3: {  	[hbm4b:s28+s3] =	stream.linear.scatter [tilespmem:s25], [sflag:$0x3], $0x120, $0x38;
	[tilespmem:$0x18640] =	vst v63  }
0xa4: {  	s19 =	sadd.s32 s2, s10;
	s25 =	simm.s32 $0x4E40  }
0xa5: {  	s26 =	simm.s32 $0x8B;
	s28 =	simm.s32 $0x4E88;
	s29 =	sadd.s32 $0x0, s19  }
.LBB2_7:
0xa6: {  	[hbm4b:s29+s3] =	stream.linear.scatter [tilespmem:s25], [sflag:$0x3], $0x30, $0x38;
	[tilespmem:$0x18640] =	vst v63  }
0xa7: {  	s18 =	smov.u32 s26;
	s25 =	smov.u32 s28;
	p0 =	sne.s32 s26, $0x10D5  }
.Ltmp2:
0xa8: {  	s26 =	sadd.s32 $0x8B, s26;
	(pc) =	sbr.rel @p0 .LBB2_7-.Ltmp2, $2  }
0xa9: {  	_ =	sdelay $0x2  }
0xaa: {  	s28 =	sadd.s32 $0x48, s28;
	s29 =	sadd.s32 s18, s19  }
0xab: {  	[hbm4b:s29+s3] =	stream.linear.scatter [tilespmem:s25], [sflag:$0x3], $0x30, $0x38;
	[tilespmem:$0x18640] =	vst v63  }
0xac: {  	s19 =	sadd.s32 s2, s11;
	s25 =	simm.s32 $0x5740  }
0xad: {  	s26 =	simm.s32 $0x8B;
	s28 =	simm.s32 $0x5788;
	s29 =	sadd.s32 $0x0, s19  }
.LBB2_9:
0xae: {  	[hbm4b:s29+s3] =	stream.linear.scatter [tilespmem:s25], [sflag:$0x3], $0x38, $0x38;
	[tilespmem:$0x18640] =	vst v63  }
0xaf: {  	s18 =	smov.u32 s26;
	s25 =	smov.u32 s28;
	p0 =	sne.s32 s26, $0x10D5  }
.Ltmp3:
0xb0: {  	s26 =	sadd.s32 $0x8B, s26;
	(pc) =	sbr.rel @p0 .LBB2_9-.Ltmp3, $2  }
0xb1: {  	_ =	sdelay $0x2  }
0xb2: {  	s28 =	sadd.s32 $0x48, s28;
	s29 =	sadd.s32 s18, s19  }
0xb3: {  	[hbm4b:s29+s3] =	stream.linear.scatter [tilespmem:s25], [sflag:$0x3], $0x38, $0x38;
	[tilespmem:$0x18640] =	vst v63  }
0xb4: {  	s19 =	sadd.s32 s2, s12;
	s25 =	simm.s32 $0x6040  }
0xb5: {  	s26 =	simm.s32 $0x8B;
	s28 =	simm.s32 $0x6088;
	s29 =	sadd.s32 $0x0, s19  }
.LBB2_11:
0xb6: {  	[hbm4b:s29+s3] =	stream.linear.scatter [tilespmem:s25], [sflag:$0x3], $0x30, $0x38;
	[tilespmem:$0x18640] =	vst v63  }
0xb7: {  	s18 =	smov.u32 s26;
	s25 =	smov.u32 s28;
	p0 =	sne.s32 s26, $0x10D5  }
.Ltmp4:
0xb8: {  	s26 =	sadd.s32 $0x8B, s26;
	(pc) =	sbr.rel @p0 .LBB2_11-.Ltmp4, $2  }
0xb9: {  	_ =	sdelay $0x2  }
0xba: {  	s28 =	sadd.s32 $0x48, s28;
	s29 =	sadd.s32 s18, s19  }
0xbb: {  	[hbm4b:s29+s3] =	stream.linear.scatter [tilespmem:s25], [sflag:$0x3], $0x30, $0x38;
	[tilespmem:$0x18640] =	vst v63  }
0xbc: {  	s19 =	sadd.s32 s2, s13;
	s25 =	simm.s32 $0x6940  }
0xbd: {  	s26 =	simm.s32 $0x8B;
	s28 =	simm.s32 $0x6988;
	s29 =	sadd.s32 $0x0, s19  }
.LBB2_13:
0xbe: {  	[hbm4b:s29+s3] =	stream.linear.scatter [tilespmem:s25], [sflag:$0x3], $0x30, $0x38;
	[tilespmem:$0x18640] =	vst v63  }
0xbf: {  	s18 =	smov.u32 s26;
	s25 =	smov.u32 s28;
	p0 =	sne.s32 s26, $0x10D5  }
.Ltmp5:
0xc0: {  	s26 =	sadd.s32 $0x8B, s26;
	(pc) =	sbr.rel @p0 .LBB2_13-.Ltmp5, $2  }
0xc1: {  	_ =	sdelay $0x2  }
0xc2: {  	s28 =	sadd.s32 $0x48, s28;
	s29 =	sadd.s32 s18, s19  }
0xc3: {  	[hbm4b:s29+s3] =	stream.linear.scatter [tilespmem:s25], [sflag:$0x3], $0x30, $0x38;
	[tilespmem:$0x18640] =	vst v63  }
0xc4: {  	s2 =	sadd.s32 s2, s14;
	s19 =	simm.s32 $0x9640  }
0xc5: {  	s25 =	simm.s32 $0x8B;
	s26 =	simm.s32 $0x9708;
	s28 =	sadd.s32 $0x0, s2  }
.LBB2_15:
0xc6: {  	[hbm4b:s28+s3] =	stream.linear.scatter [tilespmem:s19], [sflag:$0x3], $0xA0, $0x38;
	[tilespmem:$0x18640] =	vst v63  }
0xc7: {  	s18 =	smov.u32 s25;
	s19 =	smov.u32 s26;
	p0 =	sne.s32 s25, $0x10D5  }
.Ltmp6:
0xc8: {  	s25 =	sadd.s32 $0x8B, s25;
	(pc) =	sbr.rel @p0 .LBB2_15-.Ltmp6, $2  }
0xc9: {  	_ =	sdelay $0x2  }
0xca: {  	s26 =	sadd.s32 $0xC8, s26;
	s28 =	sadd.s32 s18, s2  }
0xcb: {  	[hbm4b:s28+s3] =	stream.linear.scatter [tilespmem:s19], [sflag:$0x3], $0xA0, $0x38;
	[tilespmem:$0x18640] =	vst v63  }
0xcc: {  	s2 =	sadd.s32 $0x288, s21  }
0xcd: {  	s2 =	sshrl.u32 s2, $0x3  }
0xce: {  	s19 =	simm.s32 $0xAF40;
	s2 =	sadd.s32 s1, s2  }
0xcf: {  	s25 =	simm.s32 $0x8B;
	s26 =	simm.s32 $0xB008;
	s28 =	sadd.s32 $0x0, s2  }
.LBB2_17:
0xd0: {  	[hbm4b:s28+s3] =	stream.linear.scatter [tilespmem:s19], [sflag:$0x3], $0x98, $0x38;
	[tilespmem:$0x18640] =	vst v63  }
0xd1: {  	s18 =	smov.u32 s25;
	s19 =	smov.u32 s26;
	p0 =	sne.s32 s25, $0x10D5  }
.Ltmp7:
0xd2: {  	s25 =	sadd.s32 $0x8B, s25;
	(pc) =	sbr.rel @p0 .LBB2_17-.Ltmp7, $2  }
0xd3: {  	_ =	sdelay $0x2  }
0xd4: {  	s26 =	sadd.s32 $0xC8, s26;
	s28 =	sadd.s32 s18, s2  }
0xd5: {  	[hbm4b:s28+s3] =	stream.linear.scatter [tilespmem:s19], [sflag:$0x3], $0x98, $0x38;
	[tilespmem:$0x18640] =	vst v63  }
0xd6: {  	s2 =	sadd.s32 $0x64, s16;
	s19 =	simm.s32 $0xC840  }
0xd7: {  	s25 =	simm.s32 $0x8B;
	s26 =	simm.s32 $0xC908;
	s28 =	sadd.s32 $0x0, s2  }
.LBB2_19:
0xd8: {  	[hbm4b:s28+s3] =	stream.linear.scatter [tilespmem:s19], [sflag:$0x3], $0x98, $0x38;
	[tilespmem:$0x18640] =	vst v63  }
0xd9: {  	s18 =	smov.u32 s25;
	s19 =	smov.u32 s26;
	p0 =	sne.s32 s25, $0x10D5  }
.Ltmp8:
0xda: {  	s25 =	sadd.s32 $0x8B, s25;
	(pc) =	sbr.rel @p0 .LBB2_19-.Ltmp8, $2  }
0xdb: {  	_ =	sdelay $0x2  }
0xdc: {  	s26 =	sadd.s32 $0xC8, s26;
	s28 =	sadd.s32 s18, s2  }
0xdd: {  	[hbm4b:s28+s3] =	stream.linear.scatter [tilespmem:s19], [sflag:$0x3], $0x98, $0x38;
	[tilespmem:$0x18640] =	vst v63  }
0xde: {  	s2 =	sadd.s32 $0x3B8, s21  }
0xdf: {  	s2 =	sshrl.u32 s2, $0x3  }
0xe0: {  	s19 =	simm.s32 $0xE140;
	s2 =	sadd.s32 s1, s2  }
0xe1: {  	s21 =	simm.s32 $0x8B;
	s25 =	simm.s32 $0xE208;
	s26 =	sadd.s32 $0x0, s2  }
.LBB2_21:
0xe2: {  	[hbm4b:s26+s3] =	stream.linear.scatter [tilespmem:s19], [sflag:$0x3], $0x98, $0x38;
	[tilespmem:$0x18640] =	vst v63  }
0xe3: {  	s18 =	smov.u32 s21;
	s19 =	smov.u32 s25;
	p0 =	sne.s32 s21, $0x10D5  }
.Ltmp9:
0xe4: {  	s21 =	sadd.s32 $0x8B, s21;
	(pc) =	sbr.rel @p0 .LBB2_21-.Ltmp9, $2  }
0xe5: {  	_ =	sdelay $0x2  }
0xe6: {  	s25 =	sadd.s32 $0xC8, s25;
	s26 =	sadd.s32 s18, s2  }
0xe7: {  	[hbm4b:s26+s3] =	stream.linear.scatter [tilespmem:s19], [sflag:$0x3], $0x98, $0x38;
	[tilespmem:$0x18640] =	vst v63  }
0xe8: {  	s2 =	sadd.s32 $0x8A, s16;
	s16 =	simm.s32 $0x15ED8  }
0xe9: {  	s19 =	simm.s32 $0x8B;
	s21 =	simm.s32 $0x15F78;
	s25 =	sadd.s32 $0x0, s2  }
.LBB2_23:
0xea: {  	[hbm4b:s25+s3] =	stream.linear.scatter [tilespmem:s16], [sflag:$0x3], $0x8, $0x38;
	[tilespmem:$0x18640] =	vst v63  }
0xeb: {  	s18 =	smov.u32 s19;
	s16 =	smov.u32 s21;
	p0 =	sne.s32 s19, $0x10D5  }
.Ltmp10:
0xec: {  	s19 =	sadd.s32 $0x8B, s19;
	(pc) =	sbr.rel @p0 .LBB2_23-.Ltmp10, $2  }
0xed: {  	_ =	sdelay $0x2  }
0xee: {  	s21 =	sadd.s32 $0xA0, s21;
	s25 =	sadd.s32 s18, s2  }
0xef: {  	[hbm4b:s25+s3] =	stream.linear.scatter [tilespmem:s16], [sflag:$0x3], $0x8, $0x38;
	[tilespmem:$0x18640] =	vst v63  }
0xf0: {  	p0 =	seq.s32 s22, $0x5F  }
0xf1: {  	s2 =	simm.s32 @!p0 $0x3  }
0xf2: {  	_ =	swait.ge @!p0 [sflag:s2], $0x2400  }
0xf3: {  	[sflag:s2] =	ssyncset.done @!p0 $0x0  }
0xf4: {  	[sflag:s2] =	ssyncadd.s32 @!p0 $0xFFFFDC00  }
0xf5: {  	_ =	swait.ge @!p0 [sflag:s2], $0x600  }
0xf6: {  	[sflag:s2] =	ssyncset.done @!p0 $0x0  }
0xf7: {  	[sflag:s2] =	ssyncadd.s32 @!p0 $0xFFFFFA00  }
0xf8: {  	_ =	swait.ge @!p0 [sflag:s2], $0x700  }
0xf9: {  	[sflag:s2] =	ssyncset.done @!p0 $0x0  }
0xfa: {  	[sflag:s2] =	ssyncadd.s32 @!p0 $0xFFFFF900  }
0xfb: {  	_ =	swait.ge @!p0 [sflag:s2], $0x600  }
0xfc: {  	[sflag:s2] =	ssyncset.done @!p0 $0x0  }
0xfd: {  	[sflag:s2] =	ssyncadd.s32 @!p0 $0xFFFFFA00  }
0xfe: {  	_ =	swait.ge @!p0 [sflag:s2], $0x600  }
0xff: {  	[sflag:s2] =	ssyncset.done @!p0 $0x0  }
0x100: {  	[sflag:s2] =	ssyncadd.s32 @!p0 $0xFFFFFA00  }
0x101: {  	_ =	swait.ge @!p0 [sflag:s2], $0x1400  }
0x102: {  	[sflag:s2] =	ssyncset.done @!p0 $0x0  }
0x103: {  	[sflag:s2] =	ssyncadd.s32 @!p0 $0xFFFFEC00  }
0x104: {  	_ =	swait.ge @!p0 [sflag:s2], $0x1300  }
0x105: {  	[sflag:s2] =	ssyncset.done @!p0 $0x0  }
0x106: {  	[sflag:s2] =	ssyncadd.s32 @!p0 $0xFFFFED00  }
0x107: {  	_ =	swait.ge @!p0 [sflag:s2], $0x1300  }
0x108: {  	[sflag:s2] =	ssyncset.done @!p0 $0x0  }
0x109: {  	[sflag:s2] =	ssyncadd.s32 @!p0 $0xFFFFED00  }
0x10a: {  	_ =	swait.ge @!p0 [sflag:s2], $0x1300  }
0x10b: {  	[sflag:s2] =	ssyncset.done @!p0 $0x0  }
0x10c: {  	s9 =	sadd.s32 @!p0 s9, s15;
	[sflag:s2] =	ssyncadd.s32 @!p0 $0xFFFFED00  }
0x10d: {  	s9 =	smul.u32 @!p0 $0x24, s9;
	_ =	swait.ge @!p0 [sflag:s2], $0x100  }
0x10e: {  	[sflag:s2] =	ssyncset.done @!p0 $0x0  }
0x10f: {  	[sflag:s2] =	ssyncadd.s32 @!p0 $0xFFFFFF00;
	s2 =	sadd.s32 @!p0 s7, s9;
	s9 =	simm.s32 @!p0 $0x0  }
0x110: {  	[tilespmem:s9], [sflag:$0x5] =	stream.linear.gather @!p0 [hbm4b:s2+s9], $0x120, $0x38;
	[tilespmem:$0x18640] =	vst v63  }
0x111: {  	s2 =	simm.s32 @!p0 $0x5  }
0x112: {  	_ =	swait.ge @!p0 [sflag:s2], $0x120  }
0x113: {  	[sflag:s2] =	ssyncset.done @!p0 $0x0  }
0x114: {  	s16 =	simm.s32 @!p0 $0x240;
	[sflag:s2] =	ssyncadd.s32 @!p0 $0xFFFFFEE0;
	s2 =	simm.s32 @!p0 $0x20  }
0x115: {  	[tilespmem:s16], [sflag:$0x1] =	stream.indirect.gather @!p0 [hbm4b:s4+s2], $0x130, s9, s2, $0xb8;
	[tilespmem:$0x18640] =	vst v63  }
0x116: {  	s9 =	simm.s32 @!p0 $0x80;
	s16 =	simm.s32 @!p0 $0x4E40  }
0x117: {  	[tilespmem:s16], [sflag:$0x1] =	stream.indirect.gather @!p0 [hbm4b:s5+s9], $0x48, s2, s9, $0xb8;
	[tilespmem:$0x18640] =	vst v63  }
0x118: {  	s2 =	simm.s32 @!p0 $0xA0;
	s16 =	simm.s32 @!p0 $0x9640  }
0x119: {  	[tilespmem:s16], [sflag:$0x1] =	stream.indirect.gather @!p0 [hbm4b:s6+s9], $0xC8, s2, s9, $0xb8;
	[tilespmem:$0x18640] =	vst v63  }
0x11a: {  	_ =	swait.ge [sflag:s0], $0x2600  }
0x11b: {  	[sflag:s0] =	ssyncset.done $0x0  }
0x11c: {  	[sflag:s0] =	ssyncadd.s32 $0xFFFFDA00  }
0x11d: {  	_ =	swait.ge [sflag:s0], $0x2400  }
0x11e: {  	[sflag:s0] =	ssyncset.done $0x0  }
0x11f: {  	[sflag:s0] =	ssyncadd.s32 $0xFFFFDC00  }
0x120: {  	_ =	swait.ge [sflag:s0], $0x6400  }
0x121: {  	[sflag:s0] =	ssyncset.done $0x0  }
0x122: {  	s9 =	simm.s32 $0x0;
	[sflag:s0] =	ssyncadd.s32 $0xFFFF9C00  }
0x123: {  	v0 =	vld [tilespmem:s9+$0x145CF];
	_ =	sdelay $0x3  }
0x124: {  	s25 =	simm.s32 $0x172CF  }
0x125: {  	s26 =	simm.s32 $0x7240;
	[tilespmem:s25+$0x0] =	vst v0  }
0x126: {  	v0 =	vld [tilespmem:s26+$0x1B00]  }
0x127: {  	v1 =	vld [tilespmem:s26+$0x1230]  }
0x128: {  	v2 =	vld [tilespmem:s26+$0x1200]  }
0x129: {  	v3 =	vld [tilespmem:s26+$0x30]  }
0x12a: {  	v4 =	vld [tilespmem:s26+$0x938]  }
0x12b: {  	s30 =	simm.s32 $0x2960;
	v5 =	vld [tilespmem:s26+$0x900]  }
0x12c: {  	v6 =	vld [tilespmem:s30+$0x0]  }
0x12d: {  	v7 =	vld [tilespmem:s26+$0x0];
	_ =	sdelay $0x1  }
0x12e: {  	v0 =	vsel vm3, v1, v0  }
0x12f: {  	v1 =	vsel vm1, v3, v5;
	[tilespmem:s26+$0x1B00] =	vst v0  }
0x130: {  	v0 =	vsel vm2, v4, v2;
	[tilespmem:s26+$0x900] =	vst v1  }
0x131: {  	v1 =	vsel vm0, v6, v7;
	[tilespmem:s26+$0x1200] =	vst v0  }
0x132: {  	v3 =	vld [tilespmem:s26+$0x1B30];
	[tilespmem:s26+$0x0] =	vst v1  }
0x133: {  	v4 =	vld [tilespmem:s9+$0xFA40]  }
0x134: {  	v0 =	vld [tilespmem:s9+$0x11340]  }
0x135: {  	v1 =	vld [tilespmem:s9+$0x14540]  }
0x136: {  	v2 =	vld [tilespmem:s9+$0x113D8]  }
0x137: {  	v5 =	vld [tilespmem:s9+$0x12C40]  }
0x138: {  	s21 =	simm.s32 $0x2A90;
	s28 =	simm.s32 $0x7288;
	v4 =	vsel vm4, v3, v4;
	v3 =	vld [tilespmem:s9+$0x12CD8]  }
0x139: {  	s29 =	simm.s32 $0x640;
	s19 =	simm.s32 $0x2A90;
	s2 =	simm.s32 $0xC8;
	v6 =	vld [tilespmem:s9+$0xFAE0];
	[tilespmem:s9+$0xFA40] =	vst v4  }
0x13a: {  	s16 =	simm.s32 $0x7288;
	s25 =	simm.s32 $0x1736F;
	s26 =	simm.s32 $0x1736F;
	v4 =	vld [tilespmem:s2+$0x145CF]  }
.LBB2_25:
0x13b: {  	s21 =	sadd.s32 $0x130, s21;
	s25 =	sadd.s32 $0xA0, s25;
	s28 =	sadd.s32 $0x48, s28  }
0x13c: {  	p0 =	sne.s32 s29, $0x60E0;
	s18 =	smov.u32 s29;
	s29 =	sadd.s32 $0x320, s29;
	v2 =	vsel vm0, v2, v5  }
0x13d: {  	[tilespmem:s9+$0x12C40] =	vst v2;
	v1 =	vsel vm5, v3, v1  }
0x13e: {  	v0 =	vsel vm2, v6, v0;
	[tilespmem:s9+$0x14540] =	vst v1  }
0x13f: {  	[tilespmem:s9+$0x11340] =	vst v0;
	s9 =	smov.u32 s2  }
0x140: {  	[tilespmem:s26+$0x0] =	vst v4;
	s26 =	smov.u32 s25  }
0x141: {  	v0 =	vld [tilespmem:s16+$0x1B00]  }
0x142: {  	v1 =	vld [tilespmem:s16+$0x1230]  }
0x143: {  	s2 =	sshra.s32 s18, $0x2;
	v2 =	vld [tilespmem:s16+$0x1200]  }
0x144: {  	v3 =	vld [tilespmem:s16+$0x30]  }
0x145: {  	v4 =	vld [tilespmem:s16+$0x938]  }
0x146: {  	v5 =	vld [tilespmem:s16+$0x900]  }
0x147: {  	v6 =	vld [tilespmem:s19+$0x0];
	v0 =	vsel vm3, v1, v0;
	s19 =	smov.u32 s21  }
0x148: {  	v1 =	vld [tilespmem:s16+$0x0];
	_ =	sdelay $0x1  }
0x149: {  	v2 =	vsel vm2, v4, v2  }
0x14a: {  	v3 =	vsel vm1, v3, v5;
	[tilespmem:s16+$0x1B00] =	vst v0  }
0x14b: {  	[tilespmem:s16+$0x900] =	vst v3  }
0x14c: {  	v0 =	vsel vm0, v6, v1;
	[tilespmem:s16+$0x1200] =	vst v2  }
0x14d: {  	[tilespmem:s16+$0x0] =	vst v0;
	v3 =	vld [tilespmem:s16+$0x1B30];
	s16 =	smov.u32 s28  }
0x14e: {  	v4 =	vld [tilespmem:s9+$0xFA40]  }
0x14f: {  	v0 =	vld [tilespmem:s9+$0x11340]  }
0x150: {  	v1 =	vld [tilespmem:s9+$0x14540]  }
.Ltmp11:
0x151: {  	v2 =	vld [tilespmem:s9+$0x113D8];
	(pc) =	sbr.rel @p0 .LBB2_25-.Ltmp11, $4  }
0x152: {  	v5 =	vld [tilespmem:s9+$0x12C40]  }
0x153: {  	v4 =	vsel vm4, v3, v4;
	v3 =	vld [tilespmem:s9+$0x12CD8]  }
0x154: {  	[tilespmem:s9+$0xFA40] =	vst v4;
	v6 =	vld [tilespmem:s9+$0xFAE0]  }
0x155: {  	v4 =	vld [tilespmem:s2+$0x145CF]  }
0x156: {  	_ = 	snop  }
0x157: {  	v2 =	vsel vm0, v2, v5  }
0x158: {  	[tilespmem:s9+$0x12C40] =	vst v2;
	v1 =	vsel vm5, v3, v1  }
0x159: {  	v0 =	vsel vm2, v6, v0;
	[tilespmem:s9+$0x14540] =	vst v1  }
0x15a: {  	[tilespmem:s9+$0x11340] =	vst v0  }
0x15b: {  	[tilespmem:s26+$0x0] =	vst v4  }
0x15c: {  	v0 =	vld [tilespmem:s16+$0x1B00]  }
0x15d: {  	v1 =	vld [tilespmem:s16+$0x1230]  }
0x15e: {  	v2 =	vld [tilespmem:s16+$0x1200]  }
0x15f: {  	v51 =	vld [tilespmem:s16+$0x30]  }
0x160: {  	v4 =	vld [tilespmem:s16+$0x938]  }
0x161: {  	v52 =	vld [tilespmem:s16+$0x900]  }
0x162: {  	v53 =	vld [tilespmem:s19+$0x0]  }
0x163: {  	v7 =	vld [tilespmem:s16+$0x0];
	_ =	sdelay $0x1  }
0x164: {  	v0 =	vsel vm3, v1, v0  }
0x165: {  	v54 =	vsel vm1, v51, v52;
	[tilespmem:s16+$0x1B00] =	vst v0  }
0x166: {  	v55 =	vsel vm2, v4, v2;
	[tilespmem:s16+$0x900] =	vst v54  }
0x167: {  	v56 =	vsel vm0, v53, v7;
	[tilespmem:s16+$0x1200] =	vst v55  }
0x168: {  	v57 =	vld [tilespmem:s16+$0x1B30];
	[tilespmem:s16+$0x0] =	vst v56  }
0x169: {  	v1 =	vld [tilespmem:s2+$0xFA40]  }
0x16a: {  	v58 =	vld [tilespmem:s2+$0x11340]  }
0x16b: {  	v59 =	vld [tilespmem:s2+$0x14540]  }
0x16c: {  	v60 =	vld [tilespmem:s2+$0x113D8]  }
0x16d: {  	v61 =	vld [tilespmem:s2+$0x12C40]  }
0x16e: {  	v62 =	vld [tilespmem:s2+$0x12CD8]  }
0x16f: {  	v63 =	vld [tilespmem:s2+$0xFAE0];
	_ =	sdelay $0x1  }
0x170: {  	s16 =	smul.u32 $0x8B00, s23;
	v0 =	vsel vm4, v57, v1  }
0x171: {  	v4 =	vsel vm0, v60, v61;
	[tilespmem:s2+$0xFA40] =	vst v0  }
0x172: {  	s30 =	sshrl.u32 s16, $0x3;
	v1 =	vsel vm5, v62, v59;
	[tilespmem:s2+$0x12C40] =	vst v4  }
0x173: {  	s21 =	simm.s32 $0x2970;
	s9 =	sadd.s32 s1, s30;
	v0 =	vsel vm2, v63, v58;
	[tilespmem:s2+$0x14540] =	vst v1  }
0x174: {  	s19 =	simm.s32 $0x2840;
	s23 =	sadd.s32 $0x0, s9;
	[tilespmem:s2+$0x11340] =	vst v0;
	s2 =	simm.s32 $0x8B  }
.LBB2_27:
0x175: {  	[hbm4b:s23+s3] =	stream.linear.scatter [tilespmem:s19], [sflag:$0x4], $0x120, $0x38;
	[tilespmem:$0x18640] =	vst v63  }
0x176: {  	s18 =	smov.u32 s2;
	s19 =	smov.u32 s21;
	p0 =	sne.s32 s2, $0x10D5  }
.Ltmp12:
0x177: {  	s2 =	sadd.s32 $0x8B, s2;
	(pc) =	sbr.rel @p0 .LBB2_27-.Ltmp12, $2  }
0x178: {  	_ =	sdelay $0x2  }
0x179: {  	s21 =	sadd.s32 $0x130, s21;
	s23 =	sadd.s32 s18, s9  }
0x17a: {  	[hbm4b:s23+s3] =	stream.linear.scatter [tilespmem:s19], [sflag:$0x4], $0x120, $0x38;
	[tilespmem:$0x18640] =	vst v63  }
0x17b: {  	s2 =	sadd.s32 $0x24, s9;
	s19 =	simm.s32 $0x7240  }
0x17c: {  	s21 =	simm.s32 $0x8B;
	s23 =	simm.s32 $0x7288;
	s25 =	sadd.s32 $0x0, s2  }
.LBB2_29:
0x17d: {  	[hbm4b:s25+s3] =	stream.linear.scatter [tilespmem:s19], [sflag:$0x4], $0x30, $0x38;
	[tilespmem:$0x18640] =	vst v63  }
0x17e: {  	s18 =	smov.u32 s21;
	s19 =	smov.u32 s23;
	p0 =	sne.s32 s21, $0x10D5  }
.Ltmp13:
0x17f: {  	s21 =	sadd.s32 $0x8B, s21;
	(pc) =	sbr.rel @p0 .LBB2_29-.Ltmp13, $2  }
0x180: {  	_ =	sdelay $0x2  }
0x181: {  	s23 =	sadd.s32 $0x48, s23;
	s25 =	sadd.s32 s18, s2  }
0x182: {  	[hbm4b:s25+s3] =	stream.linear.scatter [tilespmem:s19], [sflag:$0x4], $0x30, $0x38;
	[tilespmem:$0x18640] =	vst v63  }
0x183: {  	s2 =	sadd.s32 $0x2A, s9;
	s19 =	simm.s32 $0x7B40  }
0x184: {  	s21 =	simm.s32 $0x8B;
	s23 =	simm.s32 $0x7B88;
	s25 =	sadd.s32 $0x0, s2  }
.LBB2_31:
0x185: {  	[hbm4b:s25+s3] =	stream.linear.scatter [tilespmem:s19], [sflag:$0x4], $0x38, $0x38;
	[tilespmem:$0x18640] =	vst v63  }
0x186: {  	s18 =	smov.u32 s21;
	s19 =	smov.u32 s23;
	p0 =	sne.s32 s21, $0x10D5  }
.Ltmp14:
0x187: {  	s21 =	sadd.s32 $0x8B, s21;
	(pc) =	sbr.rel @p0 .LBB2_31-.Ltmp14, $2  }
0x188: {  	_ =	sdelay $0x2  }
0x189: {  	s23 =	sadd.s32 $0x48, s23;
	s25 =	sadd.s32 s18, s2  }
0x18a: {  	[hbm4b:s25+s3] =	stream.linear.scatter [tilespmem:s19], [sflag:$0x4], $0x38, $0x38;
	[tilespmem:$0x18640] =	vst v63  }
0x18b: {  	s2 =	sadd.s32 $0x188, s16  }
0x18c: {  	s2 =	sshrl.u32 s2, $0x3  }
0x18d: {  	s19 =	simm.s32 $0x8440;
	s2 =	sadd.s32 s1, s2  }
0x18e: {  	s21 =	simm.s32 $0x8B;
	s23 =	simm.s32 $0x8488;
	s25 =	sadd.s32 $0x0, s2  }
.LBB2_33:
0x18f: {  	[hbm4b:s25+s3] =	stream.linear.scatter [tilespmem:s19], [sflag:$0x4], $0x30, $0x38;
	[tilespmem:$0x18640] =	vst v63  }
0x190: {  	s18 =	smov.u32 s21;
	s19 =	smov.u32 s23;
	p0 =	sne.s32 s21, $0x10D5  }
.Ltmp15:
0x191: {  	s21 =	sadd.s32 $0x8B, s21;
	(pc) =	sbr.rel @p0 .LBB2_33-.Ltmp15, $2  }
0x192: {  	_ =	sdelay $0x2  }
0x193: {  	s23 =	sadd.s32 $0x48, s23;
	s25 =	sadd.s32 s18, s2  }
0x194: {  	[hbm4b:s25+s3] =	stream.linear.scatter [tilespmem:s19], [sflag:$0x4], $0x30, $0x38;
	[tilespmem:$0x18640] =	vst v63  }
0x195: {  	s2 =	sadd.s32 $0x1B8, s16  }
0x196: {  	s2 =	sshrl.u32 s2, $0x3  }
0x197: {  	s19 =	simm.s32 $0x8D40;
	s2 =	sadd.s32 s1, s2  }
0x198: {  	s21 =	simm.s32 $0x8B;
	s23 =	simm.s32 $0x8D88;
	s25 =	sadd.s32 $0x0, s2  }
.LBB2_35:
0x199: {  	[hbm4b:s25+s3] =	stream.linear.scatter [tilespmem:s19], [sflag:$0x4], $0x30, $0x38;
	[tilespmem:$0x18640] =	vst v63  }
0x19a: {  	s18 =	smov.u32 s21;
	s19 =	smov.u32 s23;
	p0 =	sne.s32 s21, $0x10D5  }
.Ltmp16:
0x19b: {  	s21 =	sadd.s32 $0x8B, s21;
	(pc) =	sbr.rel @p0 .LBB2_35-.Ltmp16, $2  }
0x19c: {  	_ =	sdelay $0x2  }
0x19d: {  	s23 =	sadd.s32 $0x48, s23;
	s25 =	sadd.s32 s18, s2  }
0x19e: {  	[hbm4b:s25+s3] =	stream.linear.scatter [tilespmem:s19], [sflag:$0x4], $0x30, $0x38;
	[tilespmem:$0x18640] =	vst v63  }
0x19f: {  	s2 =	sadd.s32 $0x1E8, s16  }
0x1a0: {  	s2 =	sshrl.u32 s2, $0x3  }
0x1a1: {  	s19 =	simm.s32 $0xFA40;
	s2 =	sadd.s32 s1, s2  }
0x1a2: {  	s21 =	simm.s32 $0x8B;
	s23 =	simm.s32 $0xFB08;
	s25 =	sadd.s32 $0x0, s2  }
.LBB2_37:
0x1a3: {  	[hbm4b:s25+s3] =	stream.linear.scatter [tilespmem:s19], [sflag:$0x4], $0xA0, $0x38;
	[tilespmem:$0x18640] =	vst v63  }
0x1a4: {  	s18 =	smov.u32 s21;
	s19 =	smov.u32 s23;
	p0 =	sne.s32 s21, $0x10D5  }
.Ltmp17:
0x1a5: {  	s21 =	sadd.s32 $0x8B, s21;
	(pc) =	sbr.rel @p0 .LBB2_37-.Ltmp17, $2  }
0x1a6: {  	_ =	sdelay $0x2  }
0x1a7: {  	s23 =	sadd.s32 $0xC8, s23;
	s25 =	sadd.s32 s18, s2  }
0x1a8: {  	[hbm4b:s25+s3] =	stream.linear.scatter [tilespmem:s19], [sflag:$0x4], $0xA0, $0x38;
	[tilespmem:$0x18640] =	vst v63  }
0x1a9: {  	s2 =	sadd.s32 $0x288, s16  }
0x1aa: {  	s2 =	sshrl.u32 s2, $0x3  }
0x1ab: {  	s19 =	simm.s32 $0x11340;
	s2 =	sadd.s32 s1, s2  }
0x1ac: {  	s21 =	simm.s32 $0x8B;
	s23 =	simm.s32 $0x11408;
	s25 =	sadd.s32 $0x0, s2  }
.LBB2_39:
0x1ad: {  	[hbm4b:s25+s3] =	stream.linear.scatter [tilespmem:s19], [sflag:$0x4], $0x98, $0x38;
	[tilespmem:$0x18640] =	vst v63  }
0x1ae: {  	s18 =	smov.u32 s21;
	s19 =	smov.u32 s23;
	p0 =	sne.s32 s21, $0x10D5  }
.Ltmp18:
0x1af: {  	s21 =	sadd.s32 $0x8B, s21;
	(pc) =	sbr.rel @p0 .LBB2_39-.Ltmp18, $2  }
0x1b0: {  	_ =	sdelay $0x2  }
0x1b1: {  	s23 =	sadd.s32 $0xC8, s23;
	s25 =	sadd.s32 s18, s2  }
0x1b2: {  	[hbm4b:s25+s3] =	stream.linear.scatter [tilespmem:s19], [sflag:$0x4], $0x98, $0x38;
	[tilespmem:$0x18640] =	vst v63  }
0x1b3: {  	s2 =	sadd.s32 $0x64, s9;
	s19 =	simm.s32 $0x12C40  }
0x1b4: {  	s21 =	simm.s32 $0x8B;
	s23 =	simm.s32 $0x12D08;
	s25 =	sadd.s32 $0x0, s2  }
.LBB2_41:
0x1b5: {  	[hbm4b:s25+s3] =	stream.linear.scatter [tilespmem:s19], [sflag:$0x4], $0x98, $0x38;
	[tilespmem:$0x18640] =	vst v63  }
0x1b6: {  	s18 =	smov.u32 s21;
	s19 =	smov.u32 s23;
	p0 =	sne.s32 s21, $0x10D5  }
.Ltmp19:
0x1b7: {  	s21 =	sadd.s32 $0x8B, s21;
	(pc) =	sbr.rel @p0 .LBB2_41-.Ltmp19, $2  }
0x1b8: {  	_ =	sdelay $0x2  }
0x1b9: {  	s23 =	sadd.s32 $0xC8, s23;
	s25 =	sadd.s32 s18, s2  }
0x1ba: {  	[hbm4b:s25+s3] =	stream.linear.scatter [tilespmem:s19], [sflag:$0x4], $0x98, $0x38;
	[tilespmem:$0x18640] =	vst v63  }
0x1bb: {  	s2 =	sadd.s32 $0x3B8, s16  }
0x1bc: {  	s2 =	sshrl.u32 s2, $0x3  }
0x1bd: {  	s16 =	simm.s32 $0x14540;
	s2 =	sadd.s32 s1, s2  }
0x1be: {  	s19 =	simm.s32 $0x8B;
	s21 =	simm.s32 $0x14608;
	s23 =	sadd.s32 $0x0, s2  }
.LBB2_43:
0x1bf: {  	[hbm4b:s23+s3] =	stream.linear.scatter [tilespmem:s16], [sflag:$0x4], $0x98, $0x38;
	[tilespmem:$0x18640] =	vst v63  }
0x1c0: {  	s18 =	smov.u32 s19;
	s16 =	smov.u32 s21;
	p0 =	sne.s32 s19, $0x10D5  }
.Ltmp20:
0x1c1: {  	s19 =	sadd.s32 $0x8B, s19;
	(pc) =	sbr.rel @p0 .LBB2_43-.Ltmp20, $2  }
0x1c2: {  	_ =	sdelay $0x2  }
0x1c3: {  	s21 =	sadd.s32 $0xC8, s21;
	s23 =	sadd.s32 s18, s2  }
0x1c4: {  	[hbm4b:s23+s3] =	stream.linear.scatter [tilespmem:s16], [sflag:$0x4], $0x98, $0x38;
	[tilespmem:$0x18640] =	vst v63  }
0x1c5: {  	s2 =	sadd.s32 $0x8A, s9;
	s9 =	simm.s32 $0x172D8  }
0x1c6: {  	s16 =	simm.s32 $0x8B;
	s19 =	simm.s32 $0x17378;
	s21 =	sadd.s32 $0x0, s2  }
.LBB2_45:
0x1c7: {  	[hbm4b:s21+s3] =	stream.linear.scatter [tilespmem:s9], [sflag:$0x4], $0x8, $0x38;
	[tilespmem:$0x18640] =	vst v63  }
0x1c8: {  	s18 =	smov.u32 s16;
	s9 =	smov.u32 s19;
	p0 =	sne.s32 s16, $0x10D5  }
.Ltmp21:
0x1c9: {  	s16 =	sadd.s32 $0x8B, s16;
	(pc) =	sbr.rel @p0 .LBB2_45-.Ltmp21, $2  }
0x1ca: {  	_ =	sdelay $0x2  }
0x1cb: {  	s19 =	sadd.s32 $0xA0, s19;
	s21 =	sadd.s32 s18, s2  }
0x1cc: {  	s22 =	sadd.s32 $0x1, s22  }
0x1cd: {  	p0 =	sne.s32 s22, $0x60  }
.Ltmp22:
0x1ce: {  	_ = 	snop;
	(pc) =	sbr.rel @p0 .LBB2_2-.Ltmp22, $2  }
0x1cf: {  	_ =	sdelay $0x2  }
0x1d0: {  	[hbm4b:s21+s3] =	stream.linear.scatter [tilespmem:s9], [sflag:$0x4], $0x8, $0x38;
	[tilespmem:$0x18640] =	vst v63  }
0x1d1: {  	s2 =	simm.s32 $0x3  }
0x1d2: {  	_ =	swait.ge [sflag:s2], $0x2400  }
0x1d3: {  	[sflag:s2] =	ssyncset.done $0x0  }
0x1d4: {  	[sflag:s2] =	ssyncadd.s32 $0xFFFFDC00  }
0x1d5: {  	_ =	swait.ge [sflag:s2], $0x600  }
0x1d6: {  	[sflag:s2] =	ssyncset.done $0x0  }
0x1d7: {  	[sflag:s2] =	ssyncadd.s32 $0xFFFFFA00  }
0x1d8: {  	_ =	swait.ge [sflag:s2], $0x700  }
0x1d9: {  	[sflag:s2] =	ssyncset.done $0x0  }
0x1da: {  	[sflag:s2] =	ssyncadd.s32 $0xFFFFF900  }
0x1db: {  	_ =	swait.ge [sflag:s2], $0x600  }
0x1dc: {  	[sflag:s2] =	ssyncset.done $0x0  }
0x1dd: {  	[sflag:s2] =	ssyncadd.s32 $0xFFFFFA00  }
0x1de: {  	_ =	swait.ge [sflag:s2], $0x600  }
0x1df: {  	[sflag:s2] =	ssyncset.done $0x0  }
0x1e0: {  	[sflag:s2] =	ssyncadd.s32 $0xFFFFFA00  }
0x1e1: {  	_ =	swait.ge [sflag:s2], $0x1400  }
0x1e2: {  	[sflag:s2] =	ssyncset.done $0x0  }
0x1e3: {  	[sflag:s2] =	ssyncadd.s32 $0xFFFFEC00  }
0x1e4: {  	_ =	swait.ge [sflag:s2], $0x1300  }
0x1e5: {  	[sflag:s2] =	ssyncset.done $0x0  }
0x1e6: {  	[sflag:s2] =	ssyncadd.s32 $0xFFFFED00  }
0x1e7: {  	_ =	swait.ge [sflag:s2], $0x1300  }
0x1e8: {  	[sflag:s2] =	ssyncset.done $0x0  }
0x1e9: {  	[sflag:s2] =	ssyncadd.s32 $0xFFFFED00  }
0x1ea: {  	_ =	swait.ge [sflag:s2], $0x1300  }
0x1eb: {  	[sflag:s2] =	ssyncset.done $0x0  }
0x1ec: {  	[sflag:s2] =	ssyncadd.s32 $0xFFFFED00  }
0x1ed: {  	_ =	swait.ge [sflag:s2], $0x100  }
0x1ee: {  	[sflag:s2] =	ssyncset.done $0x0  }
0x1ef: {  	s9 =	simm.s32 $0x4;
	[sflag:s2] =	ssyncadd.s32 $0xFFFFFF00  }
0x1f0: {  	_ =	swait.ge [sflag:s9], $0x2400  }
0x1f1: {  	[sflag:s9] =	ssyncset.done $0x0  }
0x1f2: {  	[sflag:s9] =	ssyncadd.s32 $0xFFFFDC00  }
0x1f3: {  	_ =	swait.ge [sflag:s9], $0x600  }
0x1f4: {  	[sflag:s9] =	ssyncset.done $0x0  }
0x1f5: {  	[sflag:s9] =	ssyncadd.s32 $0xFFFFFA00  }
0x1f6: {  	_ =	swait.ge [sflag:s9], $0x700  }
0x1f7: {  	[sflag:s9] =	ssyncset.done $0x0  }
0x1f8: {  	[sflag:s9] =	ssyncadd.s32 $0xFFFFF900  }
0x1f9: {  	_ =	swait.ge [sflag:s9], $0x600  }
0x1fa: {  	[sflag:s9] =	ssyncset.done $0x0  }
0x1fb: {  	[sflag:s9] =	ssyncadd.s32 $0xFFFFFA00  }
0x1fc: {  	_ =	swait.ge [sflag:s9], $0x600  }
0x1fd: {  	[sflag:s9] =	ssyncset.done $0x0  }
0x1fe: {  	[sflag:s9] =	ssyncadd.s32 $0xFFFFFA00  }
0x1ff: {  	_ =	swait.ge [sflag:s9], $0x1400  }
0x200: {  	[sflag:s9] =	ssyncset.done $0x0  }
0x201: {  	[sflag:s9] =	ssyncadd.s32 $0xFFFFEC00  }
0x202: {  	_ =	swait.ge [sflag:s9], $0x1300  }
0x203: {  	[sflag:s9] =	ssyncset.done $0x0  }
0x204: {  	[sflag:s9] =	ssyncadd.s32 $0xFFFFED00  }
0x205: {  	_ =	swait.ge [sflag:s9], $0x1300  }
0x206: {  	[sflag:s9] =	ssyncset.done $0x0  }
0x207: {  	[sflag:s9] =	ssyncadd.s32 $0xFFFFED00  }
0x208: {  	_ =	swait.ge [sflag:s9], $0x1300  }
0x209: {  	[sflag:s9] =	ssyncset.done $0x0  }
0x20a: {  	[sflag:s9] =	ssyncadd.s32 $0xFFFFED00  }
0x20b: {  	_ =	swait.ge [sflag:s9], $0x100  }
0x20c: {  	s16 =	rddreg [dreg:$0x5]  }
0x20d: {  	s30 =	rddreg [dreg:$0x4];
	s16 =	sadd.s32 $0x1, s16  }
0x20e: {  	p0 =	sne.s32 s16, s30  }
.Ltmp23:
0x20f: {  	_ = 	snop;
	(pc) =	sbr.rel @p0 .LBB2_1-.Ltmp23, $3  }
0x210: {  	_ =	sdelay $0x1  }
0x211: {  	[sflag:s9] =	ssyncset.done $0x0  }
0x212: {  	[sflag:s9] =	ssyncadd.s32 $0xFFFFFF00  }
0x213: {  	_ =	sfence.sel $0x180000  }
0x214: {  	[bflag:$0x0] =	sbarrier.arrive $0xFFFF  }
0x215: {  	_ =	strace $0x90000047  }
0x216: {  	s0 =	stileid.u32;
	[bflag:$0x2] =	sbarrier.arrive $0xFFFF  }
0x217: {  	p0 =	sne.s32 s0, $0x0;
	s0 =	rddreg [dreg:$0x2]  }
0x218: {  	s0 =	sadd.s32 @!p0 $0x100000, s0  }
0x219: {  	[sflag:s0] =	ssyncadd.tile.s32 @!p0 $0x1;
	_ =	shalt  }
.Lfunc_end2:
_tile_overlayer_lowered:
.L_overlay_start_2:
0x21a: {  	(tag) =	ssettag $0x2  }
0x21b: {  	s0 =	rddreg [dreg:$0x0];
	s2 =	stileid.u32  }
0x21c: {  	s1 =	rddreg [dreg:$0x1];
	p0 =	sne.s32 s2, $0x0  }
0x21d: {  	s3 =	rddreg [dreg:$0x2];
	[bflag:$0x3] =	sbarrier.arrive $0xFFFF;
	s2 =	simm.s32 @!p0 $0x1C05  }
0x21e: {  	[timem:s3], [sflag:s2] =	dma.local @!p0 [hbm:s0], s1  }
0x21f: {  	s0 =	simm.s32 @!p0 $0x5  }
0x220: {  	_ =	swait.ge @!p0 [sflag:s0], s1  }
0x221: {  	s1 =	ssub.s32 @!p0 $0x0, s1;
	[sflag:s0] =	ssyncset.done @!p0 $0x0  }
0x222: {  	[sflag:s0] =	ssyncadd.s32 @!p0 s1  }
0x223: {  	[bflag:$0x3] =	sbarrier.arrive $0xFFFF  }
0x224: {  	_ =	shalt  }

// kernel: sparse-core-data-format-call.cloned.1.call-start
scs
called_computation_lowered:
.L_overlay_start_0:
0x0: {  	s2 =	sld [smem:$0x3FD9]  }
0x1: {  	s3 =	sld [smem:$0x3FFE];
	_ =	sdelay $0x1  }
0x2: {  	s1 =	srdreg.scid  }
0x3: {  	s0 =	sand.u32 $0x1, s1  }
0x4: {  	s18 =	sshll.u32 s0, $0xA;
	s2 =	sadd.s32 s3, s2  }
0x5: {  	s2 =	sadd.s32 s2, s18  }
0x6: {  	[smem:$0x3FC4] =	sst s2  }
0x7: {  	_ = 	snop  }
0x8: {  	s2 =	sld [smem:$0x3FD0];
	(tm) =	ssettm $0x1  }
0x9: {  	s19 =	sld [smem:$0x3FFB];
	_ =	sdelay $0x3  }
0xa: {  	_ =	strace s19  }
0xb: {  	s3 =	sld [smem:$0x3FFC];
	_ =	sdelay $0x3  }
0xc: {  	_ =	strace s3  }
0xd: {  	s3 =	sld [smem:$0x3FFD];
	_ =	sdelay $0x3  }
0xe: {  	_ =	strace s3  }
0xf: {  	_ =	strace $0x8FFFFFFF  }
0x10: {  	s20 =	sld [smem:$0x3FDB];
	_ =	sdelay $0x1  }
0x11: {  	s4 =	simm.s32 $_scs_section_size  }
0x12: {  	s5 =	simm.s32 $_size__tile_overlayer_lowered;
	s6 =	simm.s32 $_tile_overlayer_lowered  }
0x13: {  	s23 =	simm.s32 $0x1BFF;
	s22 =	sshll.u32 s6, $0x1;
	s3 =	sadd.s32 s4, s20  }
0x14: {  	s7 =	simm.s32 $0x0;
	s21 =	sshll.u32 s5, $0x1;
	s5 =	sadd.s32 s22, s3  }
0x15: {  	[timem:s7], [sflag:s23] =	dma.local [hbm:s5], s21  }
0x16: {  	_ =	swait.ge [sflag:s23], s21  }
0x17: {  	s4 =	ssub.s32 $0x0, s21;
	[sflag:s23] =	ssyncset.done $0x0  }
0x18: {  	[sflag:s23] =	ssyncadd.s32 s4;
	_ =	sdelay $0x1  }
0x19: {  	s24 =	simm.s32 $0x1B8B  }
0x1a: {  	_ =	swait.ge [sflag:s24], $0x1  }
0x1b: {  	[sflag:s24] =	ssyncset.done $0x0  }
0x1c: {  	s26 =	simm.s32 $0x1B8E;
	s25 =	sld [smem:$0x3FFE];
	[sflag:s24] =	ssyncadd.s32 $0xFFFFFFFF  }
0x1d: {  	s27 =	simm.s32 $execute0_lowered;
	[smem:$0x3FD2] =	sst s26  }
0x1e: {  	s5 =	sshll.u32 s27, $0x1;
	_ =	strace $0x80000049;
	[dreg:$0x1] =	wrdreg $0xFFFFFFFF  }
0x1f: {  	s28 =	simm.s32 $_size_execute0_lowered;
	s3 =	sadd.s32 s3, s5;
	[dreg:$0x0] =	wrdreg $0x0  }
0x20: {  	s5 =	sshll.u32 s28, $0x1;
	[dreg:$0x2] =	wrdreg s3  }
0x21: {  	[dreg:$0x3] =	wrdreg s5  }
0x22: {  	[dreg:$0x4] =	wrdreg $0xC0  }
0x23: {  	_ =	task [dreg:s7], $0x5FFFF  }
0x24: {  	[dreg:$0x1] =	wrdreg $0xFFFFFFFF  }
0x25: {  	[dreg:$0x0] =	wrdreg $0x60  }
0x26: {  	[dreg:$0x2] =	wrdreg s25  }
0x27: {  	[dreg:$0x3] =	wrdreg s2  }
0x28: {  	[dreg:$0x4] =	wrdreg $0x9  }
0x29: {  	_ =	task.clear_ibuf [dreg:s7], $0x5FFFF;
	_ =	strace $0x90000049  }
0x2a: {  	s29 =	simm.s32 $0x9;
	_ =	strace $0x8000004B  }
0x2b: {  	_ =	swait.ge [sflag:s29], $0x1  }
0x2c: {  	[sflag:s29] =	ssyncadd.s32 $0xFFFFFFFF  }
0x2d: {  	_ =	strace $0x9000004B  }
0x2e: {  	_ =	sfence  }
0x2f: {  	s30 =	sld [smem:$0x0];
	_ =	sdelay $0x2  }
0x30: {  	s31 =	sshll.u32 s1, $0xD;
	s1 =	sshrl.u32 s1, $0x2  }
0x31: {  	s3 =	sand.u32 $0x4000, s31;
	s1 =	sadd.s32 s1, s30  }
0x32: {  	s0 =	sor.u32 s3, s0;
	s1 =	sshll.u32 s1, $0x11  }
0x33: {  	s0 =	sor.u32 s1, s0  }
0x34: {  	s0 =	sadd.s32 $0x8F2B, s0  }
0x35: {  	[sflag:s0] =	ssyncadd.remote.s32 $0x1  }
0x36: {  	_ =	sfence.sel $0xFFFF  }
0x37: {  	[dreg:$0x0] =	wrdreg $0xFFFFFFFF;
	(pc) =	sbr.abs _section_cstart, $3  }
0x38: {  	[dreg:$0x1] =	wrdreg $0xFFFFFFFF  }
0x39: {  	_ =	task.clear_ibuf [dreg:s7], $0x2FFFF;
	_ =	strace $0x9FFFFFFF  }
0x3a: {  	(tm) =	ssettm $0x7FFFFFFF  }
0x3b: {  	_ =	shalt  }
tec
execute0_lowered:
.L_overlay_start_1:
0x0: {  	(tag) =	ssettag $0x1  }
0x1: {  	s0 =	srdreg.scid  }
0x2: {  	s1 =	sshll.u32 s0, $0x4  }
0x3: {  	s6 =	rddreg [dreg:$0x0];
	s0 =	stileid.u32;
	s1 =	sand.u32 $0x10, s1  }
0x4: {  	s3 =	rddreg [dreg:$0x1];
	s1 =	sor.u32 s0, s1  }
0x5: {  	s5 =	simm.s32 $0x1;
	s31 =	simm.s32 $0x2;
	s2 =	sshll.u32 s1, $0x7  }
0x6: {  	s15 =	simm.s32 $0x0;
	s8 =	simm.s32 $0x180000;
	s4 =	ssub.s32 $0x30000, s2  }
0x7: {  	s14 =	simm.s32 $0x0;
	s9 =	simm.s32 $0x0;
	s30 =	sand.u32 $0xF80, s4  }
0x8: {  	s10 =	simm.s32 $0x0;
	s11 =	simm.s32 $0x0;
	p0 =	sne.s32 s30, $0x0  }
.Ltmp0:
0x9: {  	s7 =	sshrl.u32 s4, $0xC;
	s5 =	simm.s32 @!p0 $0x0;
	(pc) =	sbr.rel .LBB1_1-.Ltmp0, $4  }
0xa: {  	s13 =	simm.s32 $0x0;
	s1 =	rddreg [dreg:$0x2];
	s5 =	sadd.s32 s5, s7  }
0xb: {  	_ =	strace $0x8000004A;
	s4 =	simm.s32 $0x1;
	s5 =	smul.u32 $0x9, s5  }
0xc: {  	s6 =	sadd.s32 $0x1200, s6;
	s12 =	smov.u32 s2;
	[sflag:s4] =	ssyncpa.u1 $0x0  }
0xd: {  	[sflag:s31] =	ssyncpa.u1 $0x0;
	p0 =	por $0x0, $0x0;
	s7 =	sadd.s32 $0x1, s5  }
.LBB1_4:
0xe: {  	s21 =	sshrl.u32 s9, $0x3;
	s22 =	sshll.u32 s10, $0x3  }
0xf: {  	s20 =	sshra.s32 s20, $0x2;
	s23 =	sshll.u32 s9, $0x7;
	s24 =	sand.u32 $0x7F, s10  }
0x10: {  	p1 =	sgt.s32 s9, $0x3D8;
	s28 =	sshra.s32 s9, $0x1F;
	s21 =	smul.u32 $0x180000, s21  }
0x11: {  	s29 =	sshra.s32 s10, $0x1F;
	s22 =	sand.u32 $0xFFFFFC00, s22;
	s25 =	sand.u32 $0x380, s23  }
0x12: {  	s19 =	sadd.s32 s20, s19;
	s26 =	sor.u32 s24, s25;
	s21 =	sadd.s32 s22, s21  }
0x13: {  	v5 =	vld [tilespmem:s17+$0xFFFFFFD0];
	s27 =	smulhi.u32 $0xAAAAAAAB, s21;
	s20 =	sor.u32 s21, s26;
	s21 =	smov.u32 s9  }
0x14: {  	[tilespmem:s18+$0x2040 ss:$0x81] =	vst.msk $0xffff, v4;
	v58 =	vld [tilespmem:s17+$0xFFFFFFE0];
	s23 =	sand.u32 s28, s9;
	s24 =	sand.u32 s29, s10;
	s21 =	simm.s32 @!p1 $0x3D8  }
0x15: {  	[tilespmem:s18+$0x2850 ss:$0x81] =	vst.msk $0xffff, v3;
	p1 =	sgt.s32 s10, $0x2FF80;
	s30 =	smulhi.u32 $0xAAAAAAAB, s20;
	s22 =	sshrl.u32 s27, $0x11  }
0x16: {  	v59 =	vld [tilespmem:s17+$0xFFFFFFF0];
	[tilespmem:s18+$0x3060 ss:$0x81] =	vst.msk $0xffff, v2;
	s21 =	ssub.s32 s21, s23;
	s23 =	smov.u32 s10;
	s25 =	smul.u32 $0x75DF, s22  }
0x17: {  	v60 =	vld [tilespmem:s17+$0x0];
	[tilespmem:s18+$0x0 ss:$0x81] =	vst.msk $0xffff, v0;
	s23 =	simm.s32 @!p1 $0x2FF80;
	s31 =	sadd.s32 $0xFFFFFC28, s21;
	s18 =	sshrl.u32 s30, $0x11  }
0x18: {  	v61 =	vld [tilespmem:s17+$0x10];
	[tilespmem:s19+$0x3870 ss:$0x81] =	vst.msk $0xffff, v1;
	s23 =	ssub.s32 s23, s24;
	s28 =	smul.u32 $0x30000, s18;
	s25 =	sshrl.u32 s25, $0x19  }
0x19: {  	v62 =	vld [tilespmem:s17+$0x20];
	[tilespmem:s19+$0x810 ss:$0x81] =	vst.msk $0xffff, v5;
	p1 =	sgt.s32 s31, $0x7F;
	s26 =	sadd.s32 $0xFFFD0080, s23;
	s27 =	smul.u32 $0x458, s25  }
0x1a: {  	v63 =	vld [tilespmem:s17+$0xFFFFFFC0];
	[tilespmem:s19+$0x1020 ss:$0x81] =	vst.msk $0xffff, v58;
	s18 =	ssub.s32 $0x458, s21;
	s21 =	ssub.s32 $0x30000, s23;
	p2 =	sgt.s32 s26, $0x7F  }
0x1b: {  	[tilespmem:s19+$0x1830 ss:$0x81] =	vst.msk $0xffff, v59;
	s18 =	simm.s32 @p1 $0x0;
	s21 =	simm.s32 @p2 $0x0;
	s22 =	ssub.s32 s22, s27  }
0x1c: {  	[tilespmem:s19+$0x2040 ss:$0x81] =	vst.msk $0xffff, v60;
	s17 =	ssub.s32 s20, s28;
	s18 =	smul.u32 s21, s18;
	s29 =	sand.u32 $0xFFFF, s22  }
0x1d: {  	[tilespmem:s19+$0x2850 ss:$0x81] =	vst.msk $0xffff, v61;
	s30 =	sshrl.u32 s17, $0x3;
	s17 =	sand.u32 $0x7, s17;
	s20 =	smul.u32 $0x6000, s29  }
0x1e: {  	[tilespmem:s19+$0x3060 ss:$0x81] =	vst.msk $0xffff, v62;
	s21 =	sadd.s32 s3, s30;
	s17 =	sshll.u32 s17, $0x12  }
0x1f: {  	[tilespmem:s19+$0x0 ss:$0x81] =	vst.msk $0xffff, v63;
	s17 =	sor.u32 $0x400, s17;
	s18 =	sand.u32 $0x3FFFFFFF, s18;
	s31 =	sadd.s32 s20, s21  }
0x20: {  	[hbm4b:s31+s17] =	stream.strided.scatter [tilespmem:s16], [sflag:$0x2], s18, s8, s17, $0x20;
	[tilespmem:$0x10100] =	vst v63  }
.LBB1_5:
0x21: {  	p1 =	slt.u32 s13, $0x2  }
0x22: {  	s17 =	smov.u32 s15;
	p2 =	sgt.s32 @!p1 s15, $0x3D8;
	s16 =	sshra.s32 @!p1 s15, $0x1F  }
0x23: {  	p3 =	sgt.s32 @!p1 s14, $0x2FF80;
	s18 =	sshra.s32 @!p1 s14, $0x1F;
	p2 =	por !p2, p1  }
0x24: {  	s15 =	sand.u32 @!p1 s16, s15;
	p3 =	por !p3, p1;
	s16 =	smov.u32 s14  }
0x25: {  	s14 =	sand.u32 @!p1 s18, s14;
	s17 =	simm.s32 @p2 $0x3D8;
	s16 =	simm.s32 @p3 $0x2FF80  }
0x26: {  	s15 =	ssub.s32 @!p1 s17, s15;
	s14 =	ssub.s32 @!p1 s16, s14  }
0x27: {  	s18 =	smov.u32 s12;
	s16 =	sadd.s32 @!p1 $0xFFFFFC28, s15;
	s17 =	sadd.s32 @!p1 $0xFFFD0080, s14  }
0x28: {  	s15 =	ssub.s32 @!p1 $0x458, s15;
	p2 =	sgt.s32 @!p1 s16, $0x7F;
	p3 =	sgt.s32 @!p1 s17, $0x7F  }
0x29: {  	s14 =	ssub.s32 @!p1 $0x30000, s14;
	p2 =	por !p2, p1;
	p3 =	por !p3, p1  }
0x2a: {  	s16 =	sadd.s32 $0x80, s11;
	s15 =	simm.s32 @!p2 $0x0;
	s14 =	simm.s32 @!p3 $0x0  }
0x2b: {  	p2 =	sgt.s32 s16, $0x456;
	s14 =	smul.u32 @!p1 s14, s15;
	s15 =	sadd.s32 $0x1000, s12  }
0x2c: {  	s18 =	smov.u32 @p2 s15  }
0x2d: {  	s16 =	simm.s32 @p2 $0x0;
	p2 =	sgt.s32 s18, $0x2FFFF  }
0x2e: {  	s18 =	smov.u32 @p2 s2;
	p2 =	sne.s32 s13, s7  }
.Ltmp1:
0x2f: {  	p0 =	por !p0, !p0;
	s17 =	simm.s32 @!p1 $0x2;
	(pc) =	sbr.rel @!p2 .LBB1_6-.Ltmp1, $4  }
0x30: {  	s15 =	smov.u32 s9;
	s9 =	smov.u32 s11;
	s14 =	sand.u32 @!p1 $0x3FFFFFFF, s14  }
0x31: {  	s11 =	smov.u32 s16;
	_ =	swait.ge @!p1 [sflag:s17], s14;
	s19 =	ssub.s32 @!p1 $0x0, s14  }
0x32: {  	s14 =	smov.u32 s10;
	s13 =	sadd.s32 $0x1, s13;
	[sflag:s17] =	ssyncset.done @!p1 $0x0  }
0x33: {  	s10 =	smov.u32 s12;
	s12 =	smov.u32 s18;
	[sflag:s17] =	ssyncadd.s32 @!p1 s19  }
.LBB1_1:
0x34: {  	p1 =	sge.u32 s13, s5  }
0x35: {  	s16 =	sshrl.u32 @!p1 s12, $0x3  }
0x36: {  	s17 =	sshll.u32 @!p1 s11, $0x3;
	s16 =	smul.u32 @!p1 $0x2400, s16  }
0x37: {  	s18 =	sshll.u32 @!p1 s12, $0x7;
	s17 =	sand.u32 @!p1 $0xFFFFFC00, s17  }
0x38: {  	s16 =	sadd.s32 @!p1 s16, s17;
	s17 =	sand.u32 @!p1 $0x380, s18  }
0x39: {  	s16 =	sor.u32 @!p1 s17, s16  }
0x3a: {  	s17 =	sand.u32 @!p1 $0x7F, s11;
	s18 =	smulhi.u32 @!p1 $0x38E38E39, s16  }
0x3b: {  	s16 =	sor.u32 @!p1 s17, s16  }
0x3c: {  	s17 =	smulhi.u32 @!p1 $0x38E38E39, s16;
	s18 =	sshrl.u32 @!p1 s18, $0x8  }
0x3d: {  	s19 =	smulhi.u32 @!p1 $0x2AAAAB, s18  }
0x3e: {  	s17 =	sshrl.u32 @!p1 s17, $0x8  }
0x3f: {  	s17 =	smul.u32 @!p1 $0x480, s17;
	s19 =	sshrl.u32 @!p1 s19, $0x7  }
0x40: {  	s19 =	smul.u32 @!p1 $0x30000, s19  }
0x41: {  	s31 =	sadd.s32 $0xFFFFFFFF, s13;
	s20 =	sxor.u32 @!p1 $0xFFFFFFFF, s13  }
0x42: {  	s16 =	ssub.s32 @!p1 s16, s17;
	s17 =	sshll.u32 @!p1 s20, $0xE;
	s18 =	ssub.s32 @!p1 s18, s19  }
0x43: {  	s19 =	sshrl.u32 @!p1 s16, $0x3;
	s16 =	sand.u32 @!p1 $0x7, s16;
	s18 =	smul.u32 @!p1 $0x90, s18  }
0x44: {  	s17 =	sand.u32 @!p1 $0x4000, s17;
	s19 =	sadd.s32 @!p1 s6, s19;
	s16 =	sshll.u32 @!p1 s16, $0x12  }
0x45: {  	s16 =	sor.u32 @!p1 $0x400, s16;
	s18 =	sadd.s32 @!p1 s18, s19;
	s19 =	simm.s32 @!p1 $0x2400  }
0x46: {  	[tilespmem:s17], [sflag:$0x1] =	stream.strided.gather @!p1 [hbm4b:s18+s16], $0x4000, s19, s16, $0x38;
	[tilespmem:$0x10100] =	vst v63  }
0x47: {  	p1 =	sge.u32 s31, s5  }
.Ltmp2:
0x48: {  	_ = 	snop;
	(pc) =	sbr.rel @p1 .LBB1_5-.Ltmp2, $1  }
0x49: {  	_ =	sdelay $0x3  }
0x4a: {  	s16 =	simm.s32 $0x1  }
0x4b: {  	_ =	swait.ge [sflag:s4], $0x4000;
	s16 =	simm.s32 @!p0 $0x0  }
0x4c: {  	[sflag:s4] =	ssyncset.done $0x0;
	s17 =	sshll.u32 s16, $0xE  }
0x4d: {  	[sflag:s4] =	ssyncadd.s32 $0xFFFFC000;
	s17 =	sor.u32 $0x40, s17  }
0x4e: {  	s16 =	smul.u32 $0x10200, s16;
	v0 =	vld [tilespmem:s17+$0x30]  }
0x4f: {  	v1 =	vld [tilespmem:s17+$0xFFFFFFD0]  }
0x50: {  	s16 =	sshrl.u32 s16, $0x2;
	v5 =	vld [tilespmem:s17+$0xFFFFFFE0]  }
0x51: {  	v6 =	vld [tilespmem:s17+$0xFFFFFFF0];
	s19 =	sor.u32 $0x8000, s16  }
0x52: {  	s31 =	sand.u32 $0x1, s13;
	v4 =	vld [tilespmem:s17+$0x0];
	s18 =	sadd.s32 $0x0, s19  }
0x53: {  	v3 =	vld [tilespmem:s17+$0x10];
	s16 =	smul.u32 $0x10200, s31;
	[tilespmem:s18+$0x3870 ss:$0x81] =	vst.msk $0xffff, v0  }
0x54: {  	v2 =	vld [tilespmem:s17+$0x20];
	[tilespmem:s18+$0x810 ss:$0x81] =	vst.msk $0xffff, v1  }
0x55: {  	s16 =	sshrl.u32 s16, $0x2;
	v0 =	vld [tilespmem:s17+$0xFFFFFFC0];
	[tilespmem:s18+$0x1020 ss:$0x81] =	vst.msk $0xffff, v5;
	s17 =	sadd.s32 $0x80, s17  }
0x56: {  	s20 =	simm.s32 $0x4;
	s21 =	simm.s32 $0x8;
	s16 =	sor.u32 $0x8000, s16;
	[tilespmem:s18+$0x1830 ss:$0x81] =	vst.msk $0xffff, v6;
	v1 =	vld [tilespmem:s17+$0x30]  }
.LBB1_3:
0x57: {  	p1 =	sne.s32 s21, $0x1FC;
	v5 =	vld [tilespmem:s17+$0xFFFFFFD0];
	[tilespmem:s18+$0x2040 ss:$0x81] =	vst.msk $0xffff, v4  }
0x58: {  	v6 =	vld [tilespmem:s17+$0xFFFFFFE0];
	[tilespmem:s18+$0x2850 ss:$0x81] =	vst.msk $0xffff, v3  }
0x59: {  	s22 =	sshra.s32 s20, $0x2;
	s20 =	smov.u32 s21;
	v7 =	vld [tilespmem:s17+$0xFFFFFFF0];
	[tilespmem:s18+$0x3060 ss:$0x81] =	vst.msk $0xffff, v2  }
.Ltmp3:
0x5a: {  	v4 =	vld [tilespmem:s17+$0x0];
	[tilespmem:s18+$0x0 ss:$0x81] =	vst.msk $0xffff, v0;
	s18 =	sadd.s32 s22, s19;
	(pc) =	sbr.rel @p1 .LBB1_3-.Ltmp3, $4  }
0x5b: {  	v3 =	vld [tilespmem:s17+$0x10];
	[tilespmem:s18+$0x3870 ss:$0x81] =	vst.msk $0xffff, v1  }
0x5c: {  	[tilespmem:s18+$0x810 ss:$0x81] =	vst.msk $0xffff, v5;
	v2 =	vld [tilespmem:s17+$0x20]  }
0x5d: {  	v0 =	vld [tilespmem:s17+$0xFFFFFFC0];
	[tilespmem:s18+$0x1020 ss:$0x81] =	vst.msk $0xffff, v6;
	s17 =	sadd.s32 $0x80, s17  }
0x5e: {  	s21 =	sadd.s32 $0x4, s21;
	v1 =	vld [tilespmem:s17+$0x30];
	[tilespmem:s18+$0x1830 ss:$0x81] =	vst.msk $0xffff, v7  }
.Ltmp4:
0x5f: {  	_ = 	snop;
	(pc) =	sbr.rel .LBB1_4-.Ltmp4, $1  }
0x60: {  	_ =	sdelay $0x3  }
.LBB1_6:
0x61: {  	_ =	sfence.sel $0x180000  }
0x62: {  	s2 =	simm.s32 $0x1;
	[bflag:$0x0] =	sbarrier.arrive $0xFFFF  }
0x63: {  	s31 =	simm.s32 $0x2;
	[sflag:s2] =	ssyncpa.u1 $0x1  }
0x64: {  	[sflag:s31] =	ssyncpa.u1 $0x1  }
0x65: {  	p0 =	sne.s32 s0, $0x0;
	_ =	strace $0x9000004A  }
0x66: {  	s0 =	sadd.s32 @!p0 $0x100000, s1;
	[bflag:$0x2] =	sbarrier.arrive $0xFFFF  }
0x67: {  	[sflag:s0] =	ssyncadd.tile.s32 @!p0 $0x1;
	_ =	shalt  }
.Lfunc_end1:
_tile_overlayer_lowered:
.L_overlay_start_2:
0x68: {  	(tag) =	ssettag $0x2  }
0x69: {  	s0 =	rddreg [dreg:$0x0];
	s2 =	stileid.u32  }
0x6a: {  	s1 =	rddreg [dreg:$0x1];
	p0 =	sne.s32 s2, $0x0  }
0x6b: {  	s3 =	rddreg [dreg:$0x2];
	[bflag:$0x3] =	sbarrier.arrive $0xFFFF;
	s2 =	simm.s32 @!p0 $0x1C01  }
0x6c: {  	[timem:s3], [sflag:s2] =	dma.local @!p0 [hbm:s0], s1  }
0x6d: {  	s0 =	simm.s32 @!p0 $0x1  }
0x6e: {  	_ =	swait.ge @!p0 [sflag:s0], s1  }
0x6f: {  	s1 =	ssub.s32 @!p0 $0x0, s1;
	[sflag:s0] =	ssyncset.done @!p0 $0x0  }
0x70: {  	[sflag:s0] =	ssyncadd.s32 @!p0 s1  }
0x71: {  	[bflag:$0x3] =	sbarrier.arrive $0xFFFF  }
0x72: {  	_ =	shalt  }

</sc_bundles>
